<compile_context>
chip_gen: v7x
topology: tpu7x:2x2x1
jax: 0.10.2.dev20260603
libtpu: 0.0.44.dev20260713+nightly
codegen_flags: <defaults>
</compile_context>

<pallas_src>
import functools

import jax
import jax.numpy as jnp
from jax import lax
from jax.experimental import pallas as pl
from jax.experimental.pallas import tpu as pltpu
from jax.experimental.pallas import tpu_sc as plsc

NUM_EXPERTS = 64
BR = 2048
LANES = 16


KSPLIT = 2


def _matmul_kernel(w_ref, x_ref, out_ref):
    part = lax.dot_general(
        w_ref[...], x_ref[...],
        dimension_numbers=(((1,), (1,)), ((), ())),
        preferred_element_type=jnp.float32,
    )
    k = pl.program_id(1)

    @pl.when(k == 0)
    def _():
        out_ref[...] = part

    @pl.when(k != 0)
    def _():
        out_ref[...] += part


def _logits_t(x, W):
    n, d = x.shape
    dk = d // KSPLIT
    return pl.pallas_call(
        _matmul_kernel,
        grid=(n // BR, KSPLIT),
        in_specs=[
            pl.BlockSpec((NUM_EXPERTS, dk), lambda i, k: (0, k)),
            pl.BlockSpec((BR, dk), lambda i, k: (i, k)),
        ],
        out_specs=pl.BlockSpec((NUM_EXPERTS, BR), lambda i, k: (0, i)),
        out_shape=jax.ShapeDtypeStruct((NUM_EXPERTS, n), jnp.float32),
    )(W, x)


def _make_topk_sc(n):
    info = plsc.get_sparse_core_info()
    nw = info.num_cores * info.num_subcores
    rows_w = n // nw
    half = rows_w // 2
    groups_h = half // LANES
    mesh = plsc.VectorSubcoreMesh(core_axis_name="c", subcore_axis_name="s")

    @functools.partial(
        pl.kernel, mesh=mesh,
        out_type=[
            jax.ShapeDtypeStruct((n,), jnp.int32),
            jax.ShapeDtypeStruct((n,), jnp.int32),
            jax.ShapeDtypeStruct((n,), jnp.float32),
            jax.ShapeDtypeStruct((n,), jnp.float32),
        ],
        scratch_types=[
            pltpu.VMEM((NUM_EXPERTS, rows_w), jnp.float32),
            pltpu.VMEM((rows_w,), jnp.int32),
            pltpu.VMEM((rows_w,), jnp.int32),
            pltpu.VMEM((rows_w,), jnp.float32),
            pltpu.VMEM((rows_w,), jnp.float32),
            pltpu.SemaphoreType.DMA,
            pltpu.SemaphoreType.DMA,
        ],
    )
    def topk_sc(logits_hbm, i1_hbm, i2_hbm, g1_hbm, g2_hbm,
                slab, i1v, i2v, g1v, g2v, sem0, sem1):
        wid = lax.axis_index("s") * info.num_cores + lax.axis_index("c")
        base = wid * rows_w
        cp0 = pltpu.async_copy(
            logits_hbm.at[:, pl.ds(base, half)], slab.at[:, pl.ds(0, half)], sem0)
        cp1 = pltpu.async_copy(
            logits_hbm.at[:, pl.ds(base + half, half)],
            slab.at[:, pl.ds(half, half)], sem1)

        def scan_one(off):
            m1 = slab[0, pl.ds(off, LANES)]
            i1 = jnp.zeros((LANES,), jnp.int32)
            m2 = jnp.full((LANES,), -jnp.inf, jnp.float32)
            i2 = jnp.zeros((LANES,), jnp.int32)
            for e in range(1, NUM_EXPERTS):
                l = slab[e, pl.ds(off, LANES)]
                gt1 = l > m1
                gt2 = l > m2
                ei = jnp.full((LANES,), e, jnp.int32)
                i2 = jnp.where(gt1, i1, jnp.where(gt2, ei, i2))
                i1 = jnp.where(gt1, ei, i1)
                m2 = jnp.maximum(m2, jnp.minimum(l, m1))
                m1 = jnp.maximum(m1, l)
            ex = jnp.exp(m2 - m1)
            den = 1.0 + ex
            i1v[pl.ds(off, LANES)] = i1
            i2v[pl.ds(off, LANES)] = i2
            g1v[pl.ds(off, LANES)] = 1.0 / den
            g2v[pl.ds(off, LANES)] = ex / den

        def body(g, carry):
            scan_one(g * LANES)
            return carry

        cp0.wait()
        lax.fori_loop(0, groups_h, body, 0)
        cp1.wait()
        lax.fori_loop(groups_h, 2 * groups_h, body, 0)
        pltpu.sync_copy(i1v, i1_hbm.at[pl.ds(base, rows_w)])
        pltpu.sync_copy(i2v, i2_hbm.at[pl.ds(base, rows_w)])
        pltpu.sync_copy(g1v, g1_hbm.at[pl.ds(base, rows_w)])
        pltpu.sync_copy(g2v, g2_hbm.at[pl.ds(base, rows_w)])

    return topk_sc


def kernel(x, W):
    n, _ = x.shape
    logits_t = _logits_t(x, W)
    i1, i2, g1, g2 = _make_topk_sc(n)(logits_t)
    idx = jnp.concatenate([i1[:, None], i2[:, None]], axis=1)
    gates = jnp.concatenate([g1[:, None], g2[:, None]], axis=1)
    return idx, gates

# --- scband reference (transcript-rebuilt; emitter-appended) ---
"""Pipeline reference for scband-top-kgating-1700807049528 (READ-ONLY COPY).

The authoritative reference and input builder live on the scoring server;
editing this copy changes nothing except your own understanding.
"""

import jax, jax.numpy as jnp
import numpy as np

TOP_K = 2

def setup_inputs(seed: int = 0) -> dict:
    key = jax.random.key(seed)
    k1, k2 = jax.random.split(key)
    x = jax.random.normal(k1, (16384, 2048), dtype=jnp.float32)
    W = jax.random.normal(k2, (64, 2048), dtype=jnp.float32) * 0.02
    return {"x": x, "W": W}

def reference(x, W):
    # logits = Linear(input_size, num_experts, bias=False)(x), cast to float32
    logits = jnp.dot(x, W.T).astype(jnp.float32)
    # top-k over experts dim
    top_k_logits, top_k_indices = jax.lax.top_k(logits, TOP_K)
    top_k_gates = jax.nn.softmax(top_k_logits, axis=1).astype(x.dtype)
    return (top_k_indices, top_k_gates)

if __name__ == "__main__":
    import jax
    _d = setup_inputs()
    print(jax.jit(kernel)(*tuple(_d.values())))

</pallas_src>

<mosaic_0001>
#map = affine_map<(d0, d1) -> (0, 0)>
#map1 = affine_map<(d0, d1) -> (0)>
module attributes {stable_mosaic.version = 14 : i64} {
  func.func @topk_sc(%arg0: i32, %arg1: i32, %arg2: memref<64x16384xf32, #tpu.memory_space<hbm>>, %arg3: memref<16384xi32, #tpu.memory_space<hbm>>, %arg4: memref<16384xi32, #tpu.memory_space<hbm>>, %arg5: memref<16384xf32, #tpu.memory_space<hbm>>, %arg6: memref<16384xf32, #tpu.memory_space<hbm>>, %arg7: memref<64x512xf32, #tpu.memory_space<vmem>>, %arg8: memref<512xi32, #tpu.memory_space<vmem>>, %arg9: memref<512xi32, #tpu.memory_space<vmem>>, %arg10: memref<512xf32, #tpu.memory_space<vmem>>, %arg11: memref<512xf32, #tpu.memory_space<vmem>>, %arg12: memref<!tpu.dma_semaphore, #tpu.memory_space<semaphore_mem>>, %arg13: memref<!tpu.dma_semaphore, #tpu.memory_space<semaphore_mem>>) attributes {dimension_semantics = [#tpu.dimension_semantics<core_parallel>, #tpu.dimension_semantics<subcore_parallel>], iteration_bounds = array<i64: 2, 16>, scalar_prefetch = 0 : i64, scratch_operands = 7 : i64, tpu.core_type = #tpu.core_type<sc_vector_subcore>, window_params = [{transform_indices = #map}, {transform_indices = #map1}, {transform_indices = #map1}, {transform_indices = #map1}, {transform_indices = #map1}]} {
    %mul3A = arith.constant 2 : i32
    %mul3A_0 = arith.muli %arg1, %mul3A : i32
    %add3A = arith.addi %mul3A_0, %arg0 : i32
    %mul3A_1 = arith.constant 512 : i32
    %mul3A_2 = arith.muli %add3A, %mul3A_1 : i32
    %dma_start3A = arith.constant 0 : i32
    %dma_start3A_3 = arith.constant 0 : i32
    %dma_start3A_4 = tpu.memref_slice %arg7[%dma_start3A, %dma_start3A_3] : memref<64x512xf32, #tpu.memory_space<vmem>> -> memref<64x256xf32, #tpu.memory_space<vmem>>
    %dma_start3A_5 = arith.constant 0 : i32
    %dma_start3A_6 = tpu.memref_slice %arg2[%dma_start3A_5, %mul3A_2] : memref<64x16384xf32, #tpu.memory_space<hbm>> -> memref<64x256xf32, #tpu.memory_space<hbm>>
    %dma_start3A_7 = arith.constant 0 : i32
    %dma_start3A_8 = arith.constant 0 : i32
    %dma_start3A_9 = tpu.memref_slice %arg7[%dma_start3A_7, %dma_start3A_8] : memref<64x512xf32, #tpu.memory_space<vmem>> -> memref<64x256xf32, #tpu.memory_space<vmem>>
    %dma_start3A_10 = arith.constant 0 : i32
    %dma_start3A_11 = tpu.memref_slice %arg2[%dma_start3A_10, %mul3A_2] : memref<64x16384xf32, #tpu.memory_space<hbm>> -> memref<64x256xf32, #tpu.memory_space<hbm>>
    tpu.enqueue_dma source(%dma_start3A_11 : memref<64x256xf32, #tpu.memory_space<hbm>>) target(%dma_start3A_9 : memref<64x256xf32, #tpu.memory_space<vmem>>) target_semaphore(%arg12 : memref<!tpu.dma_semaphore, #tpu.memory_space<semaphore_mem>>)
    %add3A_12 = arith.constant 256 : i32
    %add3A_13 = arith.addi %mul3A_2, %add3A_12 : i32
    %dma_start3A_14 = arith.constant 0 : i32
    %dma_start3A_15 = arith.constant 256 : i32
    %dma_start3A_16 = tpu.memref_slice %arg7[%dma_start3A_14, %dma_start3A_15] : memref<64x512xf32, #tpu.memory_space<vmem>> -> memref<64x256xf32, #tpu.memory_space<vmem>>
    %dma_start3A_17 = arith.constant 0 : i32
    %dma_start3A_18 = tpu.memref_slice %arg2[%dma_start3A_17, %add3A_13] : memref<64x16384xf32, #tpu.memory_space<hbm>> -> memref<64x256xf32, #tpu.memory_space<hbm>>
    %dma_start3A_19 = arith.constant 0 : i32
    %dma_start3A_20 = arith.constant 256 : i32
    %dma_start3A_21 = tpu.memref_slice %arg7[%dma_start3A_19, %dma_start3A_20] : memref<64x512xf32, #tpu.memory_space<vmem>> -> memref<64x256xf32, #tpu.memory_space<vmem>>
    %dma_start3A_22 = arith.constant 0 : i32
    %dma_start3A_23 = tpu.memref_slice %arg2[%dma_start3A_22, %add3A_13] : memref<64x16384xf32, #tpu.memory_space<hbm>> -> memref<64x256xf32, #tpu.memory_space<hbm>>
    tpu.enqueue_dma source(%dma_start3A_23 : memref<64x256xf32, #tpu.memory_space<hbm>>) target(%dma_start3A_21 : memref<64x256xf32, #tpu.memory_space<vmem>>) target_semaphore(%arg13 : memref<!tpu.dma_semaphore, #tpu.memory_space<semaphore_mem>>)
    %dma_wait3A = arith.constant 0 : i32
    %dma_wait3A_24 = arith.constant 0 : i32
    %dma_wait3A_25 = tpu.memref_slice %arg7[%dma_wait3A, %dma_wait3A_24] : memref<64x512xf32, #tpu.memory_space<vmem>> -> memref<64x256xf32, #tpu.memory_space<vmem>>
    %dma_wait3A_26 = arith.constant 0 : i32
    %dma_wait3A_27 = tpu.memref_slice %arg2[%dma_wait3A_26, %mul3A_2] : memref<64x16384xf32, #tpu.memory_space<hbm>> -> memref<64x256xf32, #tpu.memory_space<hbm>>
    %dma_wait3A_28 = arith.constant 0 : i32
    %dma_wait3A_29 = arith.constant 0 : i32
    %dma_wait3A_30 = tpu.memref_slice %arg7[%dma_wait3A_28, %dma_wait3A_29] : memref<64x512xf32, #tpu.memory_space<vmem>> -> memref<64x256xf32, #tpu.memory_space<vmem>>
    %dma_wait3A_31 = arith.constant 0 : i32
    %dma_wait3A_32 = tpu.memref_slice %arg2[%dma_wait3A_31, %mul3A_2] : memref<64x16384xf32, #tpu.memory_space<hbm>> -> memref<64x256xf32, #tpu.memory_space<hbm>>
    tpu.wait_dma2 semaphore(%arg12 : memref<!tpu.dma_semaphore, #tpu.memory_space<semaphore_mem>>) src(%dma_wait3A_32 : memref<64x256xf32, #tpu.memory_space<hbm>>) dst(%dma_wait3A_30 : memref<64x256xf32, #tpu.memory_space<vmem>>)
    %scan3A = arith.constant 0 : i32
    %scan3A_33 = arith.constant 0 : i32
    %scan3A_34 = arith.constant 16 : i32
    %scan3A_35 = arith.addi %scan3A_33, %scan3A_34 : i32
    %scan3A_36 = arith.constant 1 : i32
    scf.for %scan3A_54 = %scan3A_33 to %scan3A_35 step %scan3A_36  : i32 {
      %mul3A_55 = arith.constant 16 : i32
      %mul3A_56 = arith.muli %scan3A_54, %mul3A_55 : i32
      %get3A = arith.constant 0 : i32
      %get3A_57 = arith.index_cast %get3A : i32 to index
      %get3A_58 = arith.index_cast %mul3A_56 : i32 to index
      %get3A_59 = tpu.vector_load %arg7[%get3A_57, %get3A_58] {strides = array<i32>} : memref<64x512xf32, #tpu.memory_space<vmem>>, vector<1x16xf32>,
      %get3A_60 = vector.shape_cast %get3A_59 : vector<1x16xf32> to vector<16xf32>
      %broadcast_in_dim3A = arith.constant 0 : i32
      %broadcast_in_dim3A_61 = vector.broadcast %broadcast_in_dim3A : i32 to vector<16xi32>
      %broadcast_in_dim3A_62 = arith.constant 0xFF800000 : f32
      %broadcast_in_dim3A_63 = vector.broadcast %broadcast_in_dim3A_62 : f32 to vector<16xf32>
      %broadcast_in_dim3A_64 = arith.constant 0 : i32
      %broadcast_in_dim3A_65 = vector.broadcast %broadcast_in_dim3A_64 : i32 to vector<16xi32>
      %get3A_66 = arith.constant 1 : i32
      %get3A_67 = arith.index_cast %get3A_66 : i32 to index
      %get3A_68 = arith.index_cast %mul3A_56 : i32 to index
      %get3A_69 = tpu.vector_load %arg7[%get3A_67, %get3A_68] {strides = array<i32>} : memref<64x512xf32, #tpu.memory_space<vmem>>, vector<1x16xf32>,
      %get3A_70 = vector.shape_cast %get3A_69 : vector<1x16xf32> to vector<16xf32>
      %gt3A = arith.cmpf ogt, %get3A_70, %get3A_60 : vector<16xf32>
      %gt3A_71 = arith.cmpf ogt, %get3A_70, %broadcast_in_dim3A_63 : vector<16xf32>
      %broadcast_in_dim3A_72 = arith.constant 1 : i32
      %broadcast_in_dim3A_73 = vector.broadcast %broadcast_in_dim3A_72 : i32 to vector<16xi32>
      %select_n3A = arith.select %gt3A_71, %broadcast_in_dim3A_73, %broadcast_in_dim3A_65 : vector<16xi1>, vector<16xi32>
      %select_n3A_74 = arith.select %gt3A, %broadcast_in_dim3A_61, %select_n3A : vector<16xi1>, vector<16xi32>
      %select_n3A_75 = arith.select %gt3A, %broadcast_in_dim3A_73, %broadcast_in_dim3A_61 : vector<16xi1>, vector<16xi32>
      %min3A = arith.minimumf %get3A_70, %get3A_60 : vector<16xf32>
      %max3A = arith.maximumf %broadcast_in_dim3A_63, %min3A : vector<16xf32>
      %max3A_76 = arith.maximumf %get3A_60, %get3A_70 : vector<16xf32>
      %get3A_77 = arith.constant 2 : i32
      %get3A_78 = arith.index_cast %get3A_77 : i32 to index
      %get3A_79 = arith.index_cast %mul3A_56 : i32 to index
      %get3A_80 = tpu.vector_load %arg7[%get3A_78, %get3A_79] {strides = array<i32>} : memref<64x512xf32, #tpu.memory_space<vmem>>, vector<1x16xf32>,
      %get3A_81 = vector.shape_cast %get3A_80 : vector<1x16xf32> to vector<16xf32>
      %gt3A_82 = arith.cmpf ogt, %get3A_81, %max3A_76 : vector<16xf32>
      %gt3A_83 = arith.cmpf ogt, %get3A_81, %max3A : vector<16xf32>
      %broadcast_in_dim3A_84 = arith.constant 2 : i32
      %broadcast_in_dim3A_85 = vector.broadcast %broadcast_in_dim3A_84 : i32 to vector<16xi32>
      %select_n3A_86 = arith.select %gt3A_83, %broadcast_in_dim3A_85, %select_n3A_74 : vector<16xi1>, vector<16xi32>
      %select_n3A_87 = arith.select %gt3A_82, %select_n3A_75, %select_n3A_86 : vector<16xi1>, vector<16xi32>
      %select_n3A_88 = arith.select %gt3A_82, %broadcast_in_dim3A_85, %select_n3A_75 : vector<16xi1>, vector<16xi32>
      %min3A_89 = arith.minimumf %get3A_81, %max3A_76 : vector<16xf32>
      %max3A_90 = arith.maximumf %max3A, %min3A_89 : vector<16xf32>
      %max3A_91 = arith.maximumf %max3A_76, %get3A_81 : vector<16xf32>
      %get3A_92 = arith.constant 3 : i32
      %get3A_93 = arith.index_cast %get3A_92 : i32 to index
      %get3A_94 = arith.index_cast %mul3A_56 : i32 to index
      %get3A_95 = tpu.vector_load %arg7[%get3A_93, %get3A_94] {strides = array<i32>} : memref<64x512xf32, #tpu.memory_space<vmem>>, vector<1x16xf32>,
      %get3A_96 = vector.shape_cast %get3A_95 : vector<1x16xf32> to vector<16xf32>
      %gt3A_97 = arith.cmpf ogt, %get3A_96, %max3A_91 : vector<16xf32>
      %gt3A_98 = arith.cmpf ogt, %get3A_96, %max3A_90 : vector<16xf32>
      %broadcast_in_dim3A_99 = arith.constant 3 : i32
      %broadcast_in_dim3A_100 = vector.broadcast %broadcast_in_dim3A_99 : i32 to vector<16xi32>
      %select_n3A_101 = arith.select %gt3A_98, %broadcast_in_dim3A_100, %select_n3A_87 : vector<16xi1>, vector<16xi32>
      %select_n3A_102 = arith.select %gt3A_97, %select_n3A_88, %select_n3A_101 : vector<16xi1>, vector<16xi32>
      %select_n3A_103 = arith.select %gt3A_97, %broadcast_in_dim3A_100, %select_n3A_88 : vector<16xi1>, vector<16xi32>
      %min3A_104 = arith.minimumf %get3A_96, %max3A_91 : vector<16xf32>
      %max3A_105 = arith.maximumf %max3A_90, %min3A_104 : vector<16xf32>
      %max3A_106 = arith.maximumf %max3A_91, %get3A_96 : vector<16xf32>
      %get3A_107 = arith.constant 4 : i32
      %get3A_108 = arith.index_cast %get3A_107 : i32 to index
      %get3A_109 = arith.index_cast %mul3A_56 : i32 to index
      %get3A_110 = tpu.vector_load %arg7[%get3A_108, %get3A_109] {strides = array<i32>} : memref<64x512xf32, #tpu.memory_space<vmem>>, vector<1x16xf32>,
      %get3A_111 = vector.shape_cast %get3A_110 : vector<1x16xf32> to vector<16xf32>
      %gt3A_112 = arith.cmpf ogt, %get3A_111, %max3A_106 : vector<16xf32>
      %gt3A_113 = arith.cmpf ogt, %get3A_111, %max3A_105 : vector<16xf32>
      %broadcast_in_dim3A_114 = arith.constant 4 : i32
      %broadcast_in_dim3A_115 = vector.broadcast %broadcast_in_dim3A_114 : i32 to vector<16xi32>
      %select_n3A_116 = arith.select %gt3A_113, %broadcast_in_dim3A_115, %select_n3A_102 : vector<16xi1>, vector<16xi32>
      %select_n3A_117 = arith.select %gt3A_112, %select_n3A_103, %select_n3A_116 : vector<16xi1>, vector<16xi32>
      %select_n3A_118 = arith.select %gt3A_112, %broadcast_in_dim3A_115, %select_n3A_103 : vector<16xi1>, vector<16xi32>
      %min3A_119 = arith.minimumf %get3A_111, %max3A_106 : vector<16xf32>
      %max3A_120 = arith.maximumf %max3A_105, %min3A_119 : vector<16xf32>
      %max3A_121 = arith.maximumf %max3A_106, %get3A_111 : vector<16xf32>
      %get3A_122 = arith.constant 5 : i32
      %get3A_123 = arith.index_cast %get3A_122 : i32 to index
      %get3A_124 = arith.index_cast %mul3A_56 : i32 to index
      %get3A_125 = tpu.vector_load %arg7[%get3A_123, %get3A_124] {strides = array<i32>} : memref<64x512xf32, #tpu.memory_space<vmem>>, vector<1x16xf32>,
      %get3A_126 = vector.shape_cast %get3A_125 : vector<1x16xf32> to vector<16xf32>
      %gt3A_127 = arith.cmpf ogt, %get3A_126, %max3A_121 : vector<16xf32>
      %gt3A_128 = arith.cmpf ogt, %get3A_126, %max3A_120 : vector<16xf32>
      %broadcast_in_dim3A_129 = arith.constant 5 : i32
      %broadcast_in_dim3A_130 = vector.broadcast %broadcast_in_dim3A_129 : i32 to vector<16xi32>
      %select_n3A_131 = arith.select %gt3A_128, %broadcast_in_dim3A_130, %select_n3A_117 : vector<16xi1>, vector<16xi32>
      %select_n3A_132 = arith.select %gt3A_127, %select_n3A_118, %select_n3A_131 : vector<16xi1>, vector<16xi32>
      %select_n3A_133 = arith.select %gt3A_127, %broadcast_in_dim3A_130, %select_n3A_118 : vector<16xi1>, vector<16xi32>
      %min3A_134 = arith.minimumf %get3A_126, %max3A_121 : vector<16xf32>
      %max3A_135 = arith.maximumf %max3A_120, %min3A_134 : vector<16xf32>
      %max3A_136 = arith.maximumf %max3A_121, %get3A_126 : vector<16xf32>
      %get3A_137 = arith.constant 6 : i32
      %get3A_138 = arith.index_cast %get3A_137 : i32 to index
      %get3A_139 = arith.index_cast %mul3A_56 : i32 to index
      %get3A_140 = tpu.vector_load %arg7[%get3A_138, %get3A_139] {strides = array<i32>} : memref<64x512xf32, #tpu.memory_space<vmem>>, vector<1x16xf32>,
      %get3A_141 = vector.shape_cast %get3A_140 : vector<1x16xf32> to vector<16xf32>
      %gt3A_142 = arith.cmpf ogt, %get3A_141, %max3A_136 : vector<16xf32>
      %gt3A_143 = arith.cmpf ogt, %get3A_141, %max3A_135 : vector<16xf32>
      %broadcast_in_dim3A_144 = arith.constant 6 : i32
      %broadcast_in_dim3A_145 = vector.broadcast %broadcast_in_dim3A_144 : i32 to vector<16xi32>
      %select_n3A_146 = arith.select %gt3A_143, %broadcast_in_dim3A_145, %select_n3A_132 : vector<16xi1>, vector<16xi32>
      %select_n3A_147 = arith.select %gt3A_142, %select_n3A_133, %select_n3A_146 : vector<16xi1>, vector<16xi32>
      %select_n3A_148 = arith.select %gt3A_142, %broadcast_in_dim3A_145, %select_n3A_133 : vector<16xi1>, vector<16xi32>
      %min3A_149 = arith.minimumf %get3A_141, %max3A_136 : vector<16xf32>
      %max3A_150 = arith.maximumf %max3A_135, %min3A_149 : vector<16xf32>
      %max3A_151 = arith.maximumf %max3A_136, %get3A_141 : vector<16xf32>
      %get3A_152 = arith.constant 7 : i32
      %get3A_153 = arith.index_cast %get3A_152 : i32 to index
      %get3A_154 = arith.index_cast %mul3A_56 : i32 to index
      %get3A_155 = tpu.vector_load %arg7[%get3A_153, %get3A_154] {strides = array<i32>} : memref<64x512xf32, #tpu.memory_space<vmem>>, vector<1x16xf32>,
      %get3A_156 = vector.shape_cast %get3A_155 : vector<1x16xf32> to vector<16xf32>
      %gt3A_157 = arith.cmpf ogt, %get3A_156, %max3A_151 : vector<16xf32>
      %gt3A_158 = arith.cmpf ogt, %get3A_156, %max3A_150 : vector<16xf32>
      %broadcast_in_dim3A_159 = arith.constant 7 : i32
      %broadcast_in_dim3A_160 = vector.broadcast %broadcast_in_dim3A_159 : i32 to vector<16xi32>
      %select_n3A_161 = arith.select %gt3A_158, %broadcast_in_dim3A_160, %select_n3A_147 : vector<16xi1>, vector<16xi32>
      %select_n3A_162 = arith.select %gt3A_157, %select_n3A_148, %select_n3A_161 : vector<16xi1>, vector<16xi32>
      %select_n3A_163 = arith.select %gt3A_157, %broadcast_in_dim3A_160, %select_n3A_148 : vector<16xi1>, vector<16xi32>
      %min3A_164 = arith.minimumf %get3A_156, %max3A_151 : vector<16xf32>
      %max3A_165 = arith.maximumf %max3A_150, %min3A_164 : vector<16xf32>
      %max3A_166 = arith.maximumf %max3A_151, %get3A_156 : vector<16xf32>
      %get3A_167 = arith.constant 8 : i32
      %get3A_168 = arith.index_cast %get3A_167 : i32 to index
      %get3A_169 = arith.index_cast %mul3A_56 : i32 to index
      %get3A_170 = tpu.vector_load %arg7[%get3A_168, %get3A_169] {strides = array<i32>} : memref<64x512xf32, #tpu.memory_space<vmem>>, vector<1x16xf32>,
      %get3A_171 = vector.shape_cast %get3A_170 : vector<1x16xf32> to vector<16xf32>
      %gt3A_172 = arith.cmpf ogt, %get3A_171, %max3A_166 : vector<16xf32>
      %gt3A_173 = arith.cmpf ogt, %get3A_171, %max3A_165 : vector<16xf32>
      %broadcast_in_dim3A_174 = arith.constant 8 : i32
      %broadcast_in_dim3A_175 = vector.broadcast %broadcast_in_dim3A_174 : i32 to vector<16xi32>
      %select_n3A_176 = arith.select %gt3A_173, %broadcast_in_dim3A_175, %select_n3A_162 : vector<16xi1>, vector<16xi32>
      %select_n3A_177 = arith.select %gt3A_172, %select_n3A_163, %select_n3A_176 : vector<16xi1>, vector<16xi32>
      %select_n3A_178 = arith.select %gt3A_172, %broadcast_in_dim3A_175, %select_n3A_163 : vector<16xi1>, vector<16xi32>
      %min3A_179 = arith.minimumf %get3A_171, %max3A_166 : vector<16xf32>
      %max3A_180 = arith.maximumf %max3A_165, %min3A_179 : vector<16xf32>
      %max3A_181 = arith.maximumf %max3A_166, %get3A_171 : vector<16xf32>
      %get3A_182 = arith.constant 9 : i32
      %get3A_183 = arith.index_cast %get3A_182 : i32 to index
      %get3A_184 = arith.index_cast %mul3A_56 : i32 to index
      %get3A_185 = tpu.vector_load %arg7[%get3A_183, %get3A_184] {strides = array<i32>} : memref<64x512xf32, #tpu.memory_space<vmem>>, vector<1x16xf32>,
      %get3A_186 = vector.shape_cast %get3A_185 : vector<1x16xf32> to vector<16xf32>
      %gt3A_187 = arith.cmpf ogt, %get3A_186, %max3A_181 : vector<16xf32>
      %gt3A_188 = arith.cmpf ogt, %get3A_186, %max3A_180 : vector<16xf32>
      %broadcast_in_dim3A_189 = arith.constant 9 : i32
      %broadcast_in_dim3A_190 = vector.broadcast %broadcast_in_dim3A_189 : i32 to vector<16xi32>
      %select_n3A_191 = arith.select %gt3A_188, %broadcast_in_dim3A_190, %select_n3A_177 : vector<16xi1>, vector<16xi32>
      %select_n3A_192 = arith.select %gt3A_187, %select_n3A_178, %select_n3A_191 : vector<16xi1>, vector<16xi32>
      %select_n3A_193 = arith.select %gt3A_187, %broadcast_in_dim3A_190, %select_n3A_178 : vector<16xi1>, vector<16xi32>
      %min3A_194 = arith.minimumf %get3A_186, %max3A_181 : vector<16xf32>
      %max3A_195 = arith.maximumf %max3A_180, %min3A_194 : vector<16xf32>
      %max3A_196 = arith.maximumf %max3A_181, %get3A_186 : vector<16xf32>
      %get3A_197 = arith.constant 10 : i32
      %get3A_198 = arith.index_cast %get3A_197 : i32 to index
      %get3A_199 = arith.index_cast %mul3A_56 : i32 to index
      %get3A_200 = tpu.vector_load %arg7[%get3A_198, %get3A_199] {strides = array<i32>} : memref<64x512xf32, #tpu.memory_space<vmem>>, vector<1x16xf32>,
      %get3A_201 = vector.shape_cast %get3A_200 : vector<1x16xf32> to vector<16xf32>
      %gt3A_202 = arith.cmpf ogt, %get3A_201, %max3A_196 : vector<16xf32>
      %gt3A_203 = arith.cmpf ogt, %get3A_201, %max3A_195 : vector<16xf32>
      %broadcast_in_dim3A_204 = arith.constant 10 : i32
      %broadcast_in_dim3A_205 = vector.broadcast %broadcast_in_dim3A_204 : i32 to vector<16xi32>
      %select_n3A_206 = arith.select %gt3A_203, %broadcast_in_dim3A_205, %select_n3A_192 : vector<16xi1>, vector<16xi32>
      %select_n3A_207 = arith.select %gt3A_202, %select_n3A_193, %select_n3A_206 : vector<16xi1>, vector<16xi32>
      %select_n3A_208 = arith.select %gt3A_202, %broadcast_in_dim3A_205, %select_n3A_193 : vector<16xi1>, vector<16xi32>
      %min3A_209 = arith.minimumf %get3A_201, %max3A_196 : vector<16xf32>
      %max3A_210 = arith.maximumf %max3A_195, %min3A_209 : vector<16xf32>
      %max3A_211 = arith.maximumf %max3A_196, %get3A_201 : vector<16xf32>
      %get3A_212 = arith.constant 11 : i32
      %get3A_213 = arith.index_cast %get3A_212 : i32 to index
      %get3A_214 = arith.index_cast %mul3A_56 : i32 to index
      %get3A_215 = tpu.vector_load %arg7[%get3A_213, %get3A_214] {strides = array<i32>} : memref<64x512xf32, #tpu.memory_space<vmem>>, vector<1x16xf32>,
      %get3A_216 = vector.shape_cast %get3A_215 : vector<1x16xf32> to vector<16xf32>
      %gt3A_217 = arith.cmpf ogt, %get3A_216, %max3A_211 : vector<16xf32>
      %gt3A_218 = arith.cmpf ogt, %get3A_216, %max3A_210 : vector<16xf32>
      %broadcast_in_dim3A_219 = arith.constant 11 : i32
      %broadcast_in_dim3A_220 = vector.broadcast %broadcast_in_dim3A_219 : i32 to vector<16xi32>
      %select_n3A_221 = arith.select %gt3A_218, %broadcast_in_dim3A_220, %select_n3A_207 : vector<16xi1>, vector<16xi32>
      %select_n3A_222 = arith.select %gt3A_217, %select_n3A_208, %select_n3A_221 : vector<16xi1>, vector<16xi32>
      %select_n3A_223 = arith.select %gt3A_217, %broadcast_in_dim3A_220, %select_n3A_208 : vector<16xi1>, vector<16xi32>
      %min3A_224 = arith.minimumf %get3A_216, %max3A_211 : vector<16xf32>
      %max3A_225 = arith.maximumf %max3A_210, %min3A_224 : vector<16xf32>
      %max3A_226 = arith.maximumf %max3A_211, %get3A_216 : vector<16xf32>
      %get3A_227 = arith.constant 12 : i32
      %get3A_228 = arith.index_cast %get3A_227 : i32 to index
      %get3A_229 = arith.index_cast %mul3A_56 : i32 to index
      %get3A_230 = tpu.vector_load %arg7[%get3A_228, %get3A_229] {strides = array<i32>} : memref<64x512xf32, #tpu.memory_space<vmem>>, vector<1x16xf32>,
      %get3A_231 = vector.shape_cast %get3A_230 : vector<1x16xf32> to vector<16xf32>
      %gt3A_232 = arith.cmpf ogt, %get3A_231, %max3A_226 : vector<16xf32>
      %gt3A_233 = arith.cmpf ogt, %get3A_231, %max3A_225 : vector<16xf32>
      %broadcast_in_dim3A_234 = arith.constant 12 : i32
      %broadcast_in_dim3A_235 = vector.broadcast %broadcast_in_dim3A_234 : i32 to vector<16xi32>
      %select_n3A_236 = arith.select %gt3A_233, %broadcast_in_dim3A_235, %select_n3A_222 : vector<16xi1>, vector<16xi32>
      %select_n3A_237 = arith.select %gt3A_232, %select_n3A_223, %select_n3A_236 : vector<16xi1>, vector<16xi32>
      %select_n3A_238 = arith.select %gt3A_232, %broadcast_in_dim3A_235, %select_n3A_223 : vector<16xi1>, vector<16xi32>
      %min3A_239 = arith.minimumf %get3A_231, %max3A_226 : vector<16xf32>
      %max3A_240 = arith.maximumf %max3A_225, %min3A_239 : vector<16xf32>
      %max3A_241 = arith.maximumf %max3A_226, %get3A_231 : vector<16xf32>
      %get3A_242 = arith.constant 13 : i32
      %get3A_243 = arith.index_cast %get3A_242 : i32 to index
      %get3A_244 = arith.index_cast %mul3A_56 : i32 to index
      %get3A_245 = tpu.vector_load %arg7[%get3A_243, %get3A_244] {strides = array<i32>} : memref<64x512xf32, #tpu.memory_space<vmem>>, vector<1x16xf32>,
      %get3A_246 = vector.shape_cast %get3A_245 : vector<1x16xf32> to vector<16xf32>
      %gt3A_247 = arith.cmpf ogt, %get3A_246, %max3A_241 : vector<16xf32>
      %gt3A_248 = arith.cmpf ogt, %get3A_246, %max3A_240 : vector<16xf32>
      %broadcast_in_dim3A_249 = arith.constant 13 : i32
      %broadcast_in_dim3A_250 = vector.broadcast %broadcast_in_dim3A_249 : i32 to vector<16xi32>
      %select_n3A_251 = arith.select %gt3A_248, %broadcast_in_dim3A_250, %select_n3A_237 : vector<16xi1>, vector<16xi32>
      %select_n3A_252 = arith.select %gt3A_247, %select_n3A_238, %select_n3A_251 : vector<16xi1>, vector<16xi32>
      %select_n3A_253 = arith.select %gt3A_247, %broadcast_in_dim3A_250, %select_n3A_238 : vector<16xi1>, vector<16xi32>
      %min3A_254 = arith.minimumf %get3A_246, %max3A_241 : vector<16xf32>
      %max3A_255 = arith.maximumf %max3A_240, %min3A_254 : vector<16xf32>
      %max3A_256 = arith.maximumf %max3A_241, %get3A_246 : vector<16xf32>
      %get3A_257 = arith.constant 14 : i32
      %get3A_258 = arith.index_cast %get3A_257 : i32 to index
      %get3A_259 = arith.index_cast %mul3A_56 : i32 to index
      %get3A_260 = tpu.vector_load %arg7[%get3A_258, %get3A_259] {strides = array<i32>} : memref<64x512xf32, #tpu.memory_space<vmem>>, vector<1x16xf32>,
      %get3A_261 = vector.shape_cast %get3A_260 : vector<1x16xf32> to vector<16xf32>
      %gt3A_262 = arith.cmpf ogt, %get3A_261, %max3A_256 : vector<16xf32>
      %gt3A_263 = arith.cmpf ogt, %get3A_261, %max3A_255 : vector<16xf32>
      %broadcast_in_dim3A_264 = arith.constant 14 : i32
      %broadcast_in_dim3A_265 = vector.broadcast %broadcast_in_dim3A_264 : i32 to vector<16xi32>
      %select_n3A_266 = arith.select %gt3A_263, %broadcast_in_dim3A_265, %select_n3A_252 : vector<16xi1>, vector<16xi32>
      %select_n3A_267 = arith.select %gt3A_262, %select_n3A_253, %select_n3A_266 : vector<16xi1>, vector<16xi32>
      %select_n3A_268 = arith.select %gt3A_262, %broadcast_in_dim3A_265, %select_n3A_253 : vector<16xi1>, vector<16xi32>
      %min3A_269 = arith.minimumf %get3A_261, %max3A_256 : vector<16xf32>
      %max3A_270 = arith.maximumf %max3A_255, %min3A_269 : vector<16xf32>
      %max3A_271 = arith.maximumf %max3A_256, %get3A_261 : vector<16xf32>
      %get3A_272 = arith.constant 15 : i32
      %get3A_273 = arith.index_cast %get3A_272 : i32 to index
      %get3A_274 = arith.index_cast %mul3A_56 : i32 to index
      %get3A_275 = tpu.vector_load %arg7[%get3A_273, %get3A_274] {strides = array<i32>} : memref<64x512xf32, #tpu.memory_space<vmem>>, vector<1x16xf32>,
      %get3A_276 = vector.shape_cast %get3A_275 : vector<1x16xf32> to vector<16xf32>
      %gt3A_277 = arith.cmpf ogt, %get3A_276, %max3A_271 : vector<16xf32>
      %gt3A_278 = arith.cmpf ogt, %get3A_276, %max3A_270 : vector<16xf32>
      %broadcast_in_dim3A_279 = arith.constant 15 : i32
      %broadcast_in_dim3A_280 = vector.broadcast %broadcast_in_dim3A_279 : i32 to vector<16xi32>
      %select_n3A_281 = arith.select %gt3A_278, %broadcast_in_dim3A_280, %select_n3A_267 : vector<16xi1>, vector<16xi32>
      %select_n3A_282 = arith.select %gt3A_277, %select_n3A_268, %select_n3A_281 : vector<16xi1>, vector<16xi32>
      %select_n3A_283 = arith.select %gt3A_277, %broadcast_in_dim3A_280, %select_n3A_268 : vector<16xi1>, vector<16xi32>
      %min3A_284 = arith.minimumf %get3A_276, %max3A_271 : vector<16xf32>
      %max3A_285 = arith.maximumf %max3A_270, %min3A_284 : vector<16xf32>
      %max3A_286 = arith.maximumf %max3A_271, %get3A_276 : vector<16xf32>
      %get3A_287 = arith.constant 16 : i32
      %get3A_288 = arith.index_cast %get3A_287 : i32 to index
      %get3A_289 = arith.index_cast %mul3A_56 : i32 to index
      %get3A_290 = tpu.vector_load %arg7[%get3A_288, %get3A_289] {strides = array<i32>} : memref<64x512xf32, #tpu.memory_space<vmem>>, vector<1x16xf32>,
      %get3A_291 = vector.shape_cast %get3A_290 : vector<1x16xf32> to vector<16xf32>
      %gt3A_292 = arith.cmpf ogt, %get3A_291, %max3A_286 : vector<16xf32>
      %gt3A_293 = arith.cmpf ogt, %get3A_291, %max3A_285 : vector<16xf32>
      %broadcast_in_dim3A_294 = arith.constant 16 : i32
      %broadcast_in_dim3A_295 = vector.broadcast %broadcast_in_dim3A_294 : i32 to vector<16xi32>
      %select_n3A_296 = arith.select %gt3A_293, %broadcast_in_dim3A_295, %select_n3A_282 : vector<16xi1>, vector<16xi32>
      %select_n3A_297 = arith.select %gt3A_292, %select_n3A_283, %select_n3A_296 : vector<16xi1>, vector<16xi32>
      %select_n3A_298 = arith.select %gt3A_292, %broadcast_in_dim3A_295, %select_n3A_283 : vector<16xi1>, vector<16xi32>
      %min3A_299 = arith.minimumf %get3A_291, %max3A_286 : vector<16xf32>
      %max3A_300 = arith.maximumf %max3A_285, %min3A_299 : vector<16xf32>
      %max3A_301 = arith.maximumf %max3A_286, %get3A_291 : vector<16xf32>
      %get3A_302 = arith.constant 17 : i32
      %get3A_303 = arith.index_cast %get3A_302 : i32 to index
      %get3A_304 = arith.index_cast %mul3A_56 : i32 to index
      %get3A_305 = tpu.vector_load %arg7[%get3A_303, %get3A_304] {strides = array<i32>} : memref<64x512xf32, #tpu.memory_space<vmem>>, vector<1x16xf32>,
      %get3A_306 = vector.shape_cast %get3A_305 : vector<1x16xf32> to vector<16xf32>
      %gt3A_307 = arith.cmpf ogt, %get3A_306, %max3A_301 : vector<16xf32>
      %gt3A_308 = arith.cmpf ogt, %get3A_306, %max3A_300 : vector<16xf32>
      %broadcast_in_dim3A_309 = arith.constant 17 : i32
      %broadcast_in_dim3A_310 = vector.broadcast %broadcast_in_dim3A_309 : i32 to vector<16xi32>
      %select_n3A_311 = arith.select %gt3A_308, %broadcast_in_dim3A_310, %select_n3A_297 : vector<16xi1>, vector<16xi32>
      %select_n3A_312 = arith.select %gt3A_307, %select_n3A_298, %select_n3A_311 : vector<16xi1>, vector<16xi32>
      %select_n3A_313 = arith.select %gt3A_307, %broadcast_in_dim3A_310, %select_n3A_298 : vector<16xi1>, vector<16xi32>
      %min3A_314 = arith.minimumf %get3A_306, %max3A_301 : vector<16xf32>
      %max3A_315 = arith.maximumf %max3A_300, %min3A_314 : vector<16xf32>
      %max3A_316 = arith.maximumf %max3A_301, %get3A_306 : vector<16xf32>
      %get3A_317 = arith.constant 18 : i32
      %get3A_318 = arith.index_cast %get3A_317 : i32 to index
      %get3A_319 = arith.index_cast %mul3A_56 : i32 to index
      %get3A_320 = tpu.vector_load %arg7[%get3A_318, %get3A_319] {strides = array<i32>} : memref<64x512xf32, #tpu.memory_space<vmem>>, vector<1x16xf32>,
      %get3A_321 = vector.shape_cast %get3A_320 : vector<1x16xf32> to vector<16xf32>
      %gt3A_322 = arith.cmpf ogt, %get3A_321, %max3A_316 : vector<16xf32>
      %gt3A_323 = arith.cmpf ogt, %get3A_321, %max3A_315 : vector<16xf32>
      %broadcast_in_dim3A_324 = arith.constant 18 : i32
      %broadcast_in_dim3A_325 = vector.broadcast %broadcast_in_dim3A_324 : i32 to vector<16xi32>
      %select_n3A_326 = arith.select %gt3A_323, %broadcast_in_dim3A_325, %select_n3A_312 : vector<16xi1>, vector<16xi32>
      %select_n3A_327 = arith.select %gt3A_322, %select_n3A_313, %select_n3A_326 : vector<16xi1>, vector<16xi32>
      %select_n3A_328 = arith.select %gt3A_322, %broadcast_in_dim3A_325, %select_n3A_313 : vector<16xi1>, vector<16xi32>
      %min3A_329 = arith.minimumf %get3A_321, %max3A_316 : vector<16xf32>
      %max3A_330 = arith.maximumf %max3A_315, %min3A_329 : vector<16xf32>
      %max3A_331 = arith.maximumf %max3A_316, %get3A_321 : vector<16xf32>
      %get3A_332 = arith.constant 19 : i32
      %get3A_333 = arith.index_cast %get3A_332 : i32 to index
      %get3A_334 = arith.index_cast %mul3A_56 : i32 to index
      %get3A_335 = tpu.vector_load %arg7[%get3A_333, %get3A_334] {strides = array<i32>} : memref<64x512xf32, #tpu.memory_space<vmem>>, vector<1x16xf32>,
      %get3A_336 = vector.shape_cast %get3A_335 : vector<1x16xf32> to vector<16xf32>
      %gt3A_337 = arith.cmpf ogt, %get3A_336, %max3A_331 : vector<16xf32>
      %gt3A_338 = arith.cmpf ogt, %get3A_336, %max3A_330 : vector<16xf32>
      %broadcast_in_dim3A_339 = arith.constant 19 : i32
      %broadcast_in_dim3A_340 = vector.broadcast %broadcast_in_dim3A_339 : i32 to vector<16xi32>
      %select_n3A_341 = arith.select %gt3A_338, %broadcast_in_dim3A_340, %select_n3A_327 : vector<16xi1>, vector<16xi32>
      %select_n3A_342 = arith.select %gt3A_337, %select_n3A_328, %select_n3A_341 : vector<16xi1>, vector<16xi32>
      %select_n3A_343 = arith.select %gt3A_337, %broadcast_in_dim3A_340, %select_n3A_328 : vector<16xi1>, vector<16xi32>
      %min3A_344 = arith.minimumf %get3A_336, %max3A_331 : vector<16xf32>
      %max3A_345 = arith.maximumf %max3A_330, %min3A_344 : vector<16xf32>
      %max3A_346 = arith.maximumf %max3A_331, %get3A_336 : vector<16xf32>
      %get3A_347 = arith.constant 20 : i32
      %get3A_348 = arith.index_cast %get3A_347 : i32 to index
      %get3A_349 = arith.index_cast %mul3A_56 : i32 to index
      %get3A_350 = tpu.vector_load %arg7[%get3A_348, %get3A_349] {strides = array<i32>} : memref<64x512xf32, #tpu.memory_space<vmem>>, vector<1x16xf32>,
      %get3A_351 = vector.shape_cast %get3A_350 : vector<1x16xf32> to vector<16xf32>
      %gt3A_352 = arith.cmpf ogt, %get3A_351, %max3A_346 : vector<16xf32>
      %gt3A_353 = arith.cmpf ogt, %get3A_351, %max3A_345 : vector<16xf32>
      %broadcast_in_dim3A_354 = arith.constant 20 : i32
      %broadcast_in_dim3A_355 = vector.broadcast %broadcast_in_dim3A_354 : i32 to vector<16xi32>
      %select_n3A_356 = arith.select %gt3A_353, %broadcast_in_dim3A_355, %select_n3A_342 : vector<16xi1>, vector<16xi32>
      %select_n3A_357 = arith.select %gt3A_352, %select_n3A_343, %select_n3A_356 : vector<16xi1>, vector<16xi32>
      %select_n3A_358 = arith.select %gt3A_352, %broadcast_in_dim3A_355, %select_n3A_343 : vector<16xi1>, vector<16xi32>
      %min3A_359 = arith.minimumf %get3A_351, %max3A_346 : vector<16xf32>
      %max3A_360 = arith.maximumf %max3A_345, %min3A_359 : vector<16xf32>
      %max3A_361 = arith.maximumf %max3A_346, %get3A_351 : vector<16xf32>
      %get3A_362 = arith.constant 21 : i32
      %get3A_363 = arith.index_cast %get3A_362 : i32 to index
      %get3A_364 = arith.index_cast %mul3A_56 : i32 to index
      %get3A_365 = tpu.vector_load %arg7[%get3A_363, %get3A_364] {strides = array<i32>} : memref<64x512xf32, #tpu.memory_space<vmem>>, vector<1x16xf32>,
      %get3A_366 = vector.shape_cast %get3A_365 : vector<1x16xf32> to vector<16xf32>
      %gt3A_367 = arith.cmpf ogt, %get3A_366, %max3A_361 : vector<16xf32>
      %gt3A_368 = arith.cmpf ogt, %get3A_366, %max3A_360 : vector<16xf32>
      %broadcast_in_dim3A_369 = arith.constant 21 : i32
      %broadcast_in_dim3A_370 = vector.broadcast %broadcast_in_dim3A_369 : i32 to vector<16xi32>
      %select_n3A_371 = arith.select %gt3A_368, %broadcast_in_dim3A_370, %select_n3A_357 : vector<16xi1>, vector<16xi32>
      %select_n3A_372 = arith.select %gt3A_367, %select_n3A_358, %select_n3A_371 : vector<16xi1>, vector<16xi32>
      %select_n3A_373 = arith.select %gt3A_367, %broadcast_in_dim3A_370, %select_n3A_358 : vector<16xi1>, vector<16xi32>
      %min3A_374 = arith.minimumf %get3A_366, %max3A_361 : vector<16xf32>
      %max3A_375 = arith.maximumf %max3A_360, %min3A_374 : vector<16xf32>
      %max3A_376 = arith.maximumf %max3A_361, %get3A_366 : vector<16xf32>
      %get3A_377 = arith.constant 22 : i32
      %get3A_378 = arith.index_cast %get3A_377 : i32 to index
      %get3A_379 = arith.index_cast %mul3A_56 : i32 to index
      %get3A_380 = tpu.vector_load %arg7[%get3A_378, %get3A_379] {strides = array<i32>} : memref<64x512xf32, #tpu.memory_space<vmem>>, vector<1x16xf32>,
      %get3A_381 = vector.shape_cast %get3A_380 : vector<1x16xf32> to vector<16xf32>
      %gt3A_382 = arith.cmpf ogt, %get3A_381, %max3A_376 : vector<16xf32>
      %gt3A_383 = arith.cmpf ogt, %get3A_381, %max3A_375 : vector<16xf32>
      %broadcast_in_dim3A_384 = arith.constant 22 : i32
      %broadcast_in_dim3A_385 = vector.broadcast %broadcast_in_dim3A_384 : i32 to vector<16xi32>
      %select_n3A_386 = arith.select %gt3A_383, %broadcast_in_dim3A_385, %select_n3A_372 : vector<16xi1>, vector<16xi32>
      %select_n3A_387 = arith.select %gt3A_382, %select_n3A_373, %select_n3A_386 : vector<16xi1>, vector<16xi32>
      %select_n3A_388 = arith.select %gt3A_382, %broadcast_in_dim3A_385, %select_n3A_373 : vector<16xi1>, vector<16xi32>
      %min3A_389 = arith.minimumf %get3A_381, %max3A_376 : vector<16xf32>
      %max3A_390 = arith.maximumf %max3A_375, %min3A_389 : vector<16xf32>
      %max3A_391 = arith.maximumf %max3A_376, %get3A_381 : vector<16xf32>
      %get3A_392 = arith.constant 23 : i32
      %get3A_393 = arith.index_cast %get3A_392 : i32 to index
      %get3A_394 = arith.index_cast %mul3A_56 : i32 to index
      %get3A_395 = tpu.vector_load %arg7[%get3A_393, %get3A_394] {strides = array<i32>} : memref<64x512xf32, #tpu.memory_space<vmem>>, vector<1x16xf32>,
      %get3A_396 = vector.shape_cast %get3A_395 : vector<1x16xf32> to vector<16xf32>
      %gt3A_397 = arith.cmpf ogt, %get3A_396, %max3A_391 : vector<16xf32>
      %gt3A_398 = arith.cmpf ogt, %get3A_396, %max3A_390 : vector<16xf32>
      %broadcast_in_dim3A_399 = arith.constant 23 : i32
      %broadcast_in_dim3A_400 = vector.broadcast %broadcast_in_dim3A_399 : i32 to vector<16xi32>
      %select_n3A_401 = arith.select %gt3A_398, %broadcast_in_dim3A_400, %select_n3A_387 : vector<16xi1>, vector<16xi32>
      %select_n3A_402 = arith.select %gt3A_397, %select_n3A_388, %select_n3A_401 : vector<16xi1>, vector<16xi32>
      %select_n3A_403 = arith.select %gt3A_397, %broadcast_in_dim3A_400, %select_n3A_388 : vector<16xi1>, vector<16xi32>
      %min3A_404 = arith.minimumf %get3A_396, %max3A_391 : vector<16xf32>
      %max3A_405 = arith.maximumf %max3A_390, %min3A_404 : vector<16xf32>
      %max3A_406 = arith.maximumf %max3A_391, %get3A_396 : vector<16xf32>
      %get3A_407 = arith.constant 24 : i32
      %get3A_408 = arith.index_cast %get3A_407 : i32 to index
      %get3A_409 = arith.index_cast %mul3A_56 : i32 to index
      %get3A_410 = tpu.vector_load %arg7[%get3A_408, %get3A_409] {strides = array<i32>} : memref<64x512xf32, #tpu.memory_space<vmem>>, vector<1x16xf32>,
      %get3A_411 = vector.shape_cast %get3A_410 : vector<1x16xf32> to vector<16xf32>
      %gt3A_412 = arith.cmpf ogt, %get3A_411, %max3A_406 : vector<16xf32>
      %gt3A_413 = arith.cmpf ogt, %get3A_411, %max3A_405 : vector<16xf32>
      %broadcast_in_dim3A_414 = arith.constant 24 : i32
      %broadcast_in_dim3A_415 = vector.broadcast %broadcast_in_dim3A_414 : i32 to vector<16xi32>
      %select_n3A_416 = arith.select %gt3A_413, %broadcast_in_dim3A_415, %select_n3A_402 : vector<16xi1>, vector<16xi32>
      %select_n3A_417 = arith.select %gt3A_412, %select_n3A_403, %select_n3A_416 : vector<16xi1>, vector<16xi32>
      %select_n3A_418 = arith.select %gt3A_412, %broadcast_in_dim3A_415, %select_n3A_403 : vector<16xi1>, vector<16xi32>
      %min3A_419 = arith.minimumf %get3A_411, %max3A_406 : vector<16xf32>
      %max3A_420 = arith.maximumf %max3A_405, %min3A_419 : vector<16xf32>
      %max3A_421 = arith.maximumf %max3A_406, %get3A_411 : vector<16xf32>
      %get3A_422 = arith.constant 25 : i32
      %get3A_423 = arith.index_cast %get3A_422 : i32 to index
      %get3A_424 = arith.index_cast %mul3A_56 : i32 to index
      %get3A_425 = tpu.vector_load %arg7[%get3A_423, %get3A_424] {strides = array<i32>} : memref<64x512xf32, #tpu.memory_space<vmem>>, vector<1x16xf32>,
      %get3A_426 = vector.shape_cast %get3A_425 : vector<1x16xf32> to vector<16xf32>
      %gt3A_427 = arith.cmpf ogt, %get3A_426, %max3A_421 : vector<16xf32>
      %gt3A_428 = arith.cmpf ogt, %get3A_426, %max3A_420 : vector<16xf32>
      %broadcast_in_dim3A_429 = arith.constant 25 : i32
      %broadcast_in_dim3A_430 = vector.broadcast %broadcast_in_dim3A_429 : i32 to vector<16xi32>
      %select_n3A_431 = arith.select %gt3A_428, %broadcast_in_dim3A_430, %select_n3A_417 : vector<16xi1>, vector<16xi32>
      %select_n3A_432 = arith.select %gt3A_427, %select_n3A_418, %select_n3A_431 : vector<16xi1>, vector<16xi32>
      %select_n3A_433 = arith.select %gt3A_427, %broadcast_in_dim3A_430, %select_n3A_418 : vector<16xi1>, vector<16xi32>
      %min3A_434 = arith.minimumf %get3A_426, %max3A_421 : vector<16xf32>
      %max3A_435 = arith.maximumf %max3A_420, %min3A_434 : vector<16xf32>
      %max3A_436 = arith.maximumf %max3A_421, %get3A_426 : vector<16xf32>
      %get3A_437 = arith.constant 26 : i32
      %get3A_438 = arith.index_cast %get3A_437 : i32 to index
      %get3A_439 = arith.index_cast %mul3A_56 : i32 to index
      %get3A_440 = tpu.vector_load %arg7[%get3A_438, %get3A_439] {strides = array<i32>} : memref<64x512xf32, #tpu.memory_space<vmem>>, vector<1x16xf32>,
      %get3A_441 = vector.shape_cast %get3A_440 : vector<1x16xf32> to vector<16xf32>
      %gt3A_442 = arith.cmpf ogt, %get3A_441, %max3A_436 : vector<16xf32>
      %gt3A_443 = arith.cmpf ogt, %get3A_441, %max3A_435 : vector<16xf32>
      %broadcast_in_dim3A_444 = arith.constant 26 : i32
      %broadcast_in_dim3A_445 = vector.broadcast %broadcast_in_dim3A_444 : i32 to vector<16xi32>
      %select_n3A_446 = arith.select %gt3A_443, %broadcast_in_dim3A_445, %select_n3A_432 : vector<16xi1>, vector<16xi32>
      %select_n3A_447 = arith.select %gt3A_442, %select_n3A_433, %select_n3A_446 : vector<16xi1>, vector<16xi32>
      %select_n3A_448 = arith.select %gt3A_442, %broadcast_in_dim3A_445, %select_n3A_433 : vector<16xi1>, vector<16xi32>
      %min3A_449 = arith.minimumf %get3A_441, %max3A_436 : vector<16xf32>
      %max3A_450 = arith.maximumf %max3A_435, %min3A_449 : vector<16xf32>
      %max3A_451 = arith.maximumf %max3A_436, %get3A_441 : vector<16xf32>
      %get3A_452 = arith.constant 27 : i32
      %get3A_453 = arith.index_cast %get3A_452 : i32 to index
      %get3A_454 = arith.index_cast %mul3A_56 : i32 to index
      %get3A_455 = tpu.vector_load %arg7[%get3A_453, %get3A_454] {strides = array<i32>} : memref<64x512xf32, #tpu.memory_space<vmem>>, vector<1x16xf32>,
      %get3A_456 = vector.shape_cast %get3A_455 : vector<1x16xf32> to vector<16xf32>
      %gt3A_457 = arith.cmpf ogt, %get3A_456, %max3A_451 : vector<16xf32>
      %gt3A_458 = arith.cmpf ogt, %get3A_456, %max3A_450 : vector<16xf32>
      %broadcast_in_dim3A_459 = arith.constant 27 : i32
      %broadcast_in_dim3A_460 = vector.broadcast %broadcast_in_dim3A_459 : i32 to vector<16xi32>
      %select_n3A_461 = arith.select %gt3A_458, %broadcast_in_dim3A_460, %select_n3A_447 : vector<16xi1>, vector<16xi32>
      %select_n3A_462 = arith.select %gt3A_457, %select_n3A_448, %select_n3A_461 : vector<16xi1>, vector<16xi32>
      %select_n3A_463 = arith.select %gt3A_457, %broadcast_in_dim3A_460, %select_n3A_448 : vector<16xi1>, vector<16xi32>
      %min3A_464 = arith.minimumf %get3A_456, %max3A_451 : vector<16xf32>
      %max3A_465 = arith.maximumf %max3A_450, %min3A_464 : vector<16xf32>
      %max3A_466 = arith.maximumf %max3A_451, %get3A_456 : vector<16xf32>
      %get3A_467 = arith.constant 28 : i32
      %get3A_468 = arith.index_cast %get3A_467 : i32 to index
      %get3A_469 = arith.index_cast %mul3A_56 : i32 to index
      %get3A_470 = tpu.vector_load %arg7[%get3A_468, %get3A_469] {strides = array<i32>} : memref<64x512xf32, #tpu.memory_space<vmem>>, vector<1x16xf32>,
      %get3A_471 = vector.shape_cast %get3A_470 : vector<1x16xf32> to vector<16xf32>
      %gt3A_472 = arith.cmpf ogt, %get3A_471, %max3A_466 : vector<16xf32>
      %gt3A_473 = arith.cmpf ogt, %get3A_471, %max3A_465 : vector<16xf32>
      %broadcast_in_dim3A_474 = arith.constant 28 : i32
      %broadcast_in_dim3A_475 = vector.broadcast %broadcast_in_dim3A_474 : i32 to vector<16xi32>
      %select_n3A_476 = arith.select %gt3A_473, %broadcast_in_dim3A_475, %select_n3A_462 : vector<16xi1>, vector<16xi32>
      %select_n3A_477 = arith.select %gt3A_472, %select_n3A_463, %select_n3A_476 : vector<16xi1>, vector<16xi32>
      %select_n3A_478 = arith.select %gt3A_472, %broadcast_in_dim3A_475, %select_n3A_463 : vector<16xi1>, vector<16xi32>
      %min3A_479 = arith.minimumf %get3A_471, %max3A_466 : vector<16xf32>
      %max3A_480 = arith.maximumf %max3A_465, %min3A_479 : vector<16xf32>
      %max3A_481 = arith.maximumf %max3A_466, %get3A_471 : vector<16xf32>
      %get3A_482 = arith.constant 29 : i32
      %get3A_483 = arith.index_cast %get3A_482 : i32 to index
      %get3A_484 = arith.index_cast %mul3A_56 : i32 to index
      %get3A_485 = tpu.vector_load %arg7[%get3A_483, %get3A_484] {strides = array<i32>} : memref<64x512xf32, #tpu.memory_space<vmem>>, vector<1x16xf32>,
      %get3A_486 = vector.shape_cast %get3A_485 : vector<1x16xf32> to vector<16xf32>
      %gt3A_487 = arith.cmpf ogt, %get3A_486, %max3A_481 : vector<16xf32>
      %gt3A_488 = arith.cmpf ogt, %get3A_486, %max3A_480 : vector<16xf32>
      %broadcast_in_dim3A_489 = arith.constant 29 : i32
      %broadcast_in_dim3A_490 = vector.broadcast %broadcast_in_dim3A_489 : i32 to vector<16xi32>
      %select_n3A_491 = arith.select %gt3A_488, %broadcast_in_dim3A_490, %select_n3A_477 : vector<16xi1>, vector<16xi32>
      %select_n3A_492 = arith.select %gt3A_487, %select_n3A_478, %select_n3A_491 : vector<16xi1>, vector<16xi32>
      %select_n3A_493 = arith.select %gt3A_487, %broadcast_in_dim3A_490, %select_n3A_478 : vector<16xi1>, vector<16xi32>
      %min3A_494 = arith.minimumf %get3A_486, %max3A_481 : vector<16xf32>
      %max3A_495 = arith.maximumf %max3A_480, %min3A_494 : vector<16xf32>
      %max3A_496 = arith.maximumf %max3A_481, %get3A_486 : vector<16xf32>
      %get3A_497 = arith.constant 30 : i32
      %get3A_498 = arith.index_cast %get3A_497 : i32 to index
      %get3A_499 = arith.index_cast %mul3A_56 : i32 to index
      %get3A_500 = tpu.vector_load %arg7[%get3A_498, %get3A_499] {strides = array<i32>} : memref<64x512xf32, #tpu.memory_space<vmem>>, vector<1x16xf32>,
      %get3A_501 = vector.shape_cast %get3A_500 : vector<1x16xf32> to vector<16xf32>
      %gt3A_502 = arith.cmpf ogt, %get3A_501, %max3A_496 : vector<16xf32>
      %gt3A_503 = arith.cmpf ogt, %get3A_501, %max3A_495 : vector<16xf32>
      %broadcast_in_dim3A_504 = arith.constant 30 : i32
      %broadcast_in_dim3A_505 = vector.broadcast %broadcast_in_dim3A_504 : i32 to vector<16xi32>
      %select_n3A_506 = arith.select %gt3A_503, %broadcast_in_dim3A_505, %select_n3A_492 : vector<16xi1>, vector<16xi32>
      %select_n3A_507 = arith.select %gt3A_502, %select_n3A_493, %select_n3A_506 : vector<16xi1>, vector<16xi32>
      %select_n3A_508 = arith.select %gt3A_502, %broadcast_in_dim3A_505, %select_n3A_493 : vector<16xi1>, vector<16xi32>
      %min3A_509 = arith.minimumf %get3A_501, %max3A_496 : vector<16xf32>
      %max3A_510 = arith.maximumf %max3A_495, %min3A_509 : vector<16xf32>
      %max3A_511 = arith.maximumf %max3A_496, %get3A_501 : vector<16xf32>
      %get3A_512 = arith.constant 31 : i32
      %get3A_513 = arith.index_cast %get3A_512 : i32 to index
      %get3A_514 = arith.index_cast %mul3A_56 : i32 to index
      %get3A_515 = tpu.vector_load %arg7[%get3A_513, %get3A_514] {strides = array<i32>} : memref<64x512xf32, #tpu.memory_space<vmem>>, vector<1x16xf32>,
      %get3A_516 = vector.shape_cast %get3A_515 : vector<1x16xf32> to vector<16xf32>
      %gt3A_517 = arith.cmpf ogt, %get3A_516, %max3A_511 : vector<16xf32>
      %gt3A_518 = arith.cmpf ogt, %get3A_516, %max3A_510 : vector<16xf32>
      %broadcast_in_dim3A_519 = arith.constant 31 : i32
      %broadcast_in_dim3A_520 = vector.broadcast %broadcast_in_dim3A_519 : i32 to vector<16xi32>
      %select_n3A_521 = arith.select %gt3A_518, %broadcast_in_dim3A_520, %select_n3A_507 : vector<16xi1>, vector<16xi32>
      %select_n3A_522 = arith.select %gt3A_517, %select_n3A_508, %select_n3A_521 : vector<16xi1>, vector<16xi32>
      %select_n3A_523 = arith.select %gt3A_517, %broadcast_in_dim3A_520, %select_n3A_508 : vector<16xi1>, vector<16xi32>
      %min3A_524 = arith.minimumf %get3A_516, %max3A_511 : vector<16xf32>
      %max3A_525 = arith.maximumf %max3A_510, %min3A_524 : vector<16xf32>
      %max3A_526 = arith.maximumf %max3A_511, %get3A_516 : vector<16xf32>
      %get3A_527 = arith.constant 32 : i32
      %get3A_528 = arith.index_cast %get3A_527 : i32 to index
      %get3A_529 = arith.index_cast %mul3A_56 : i32 to index
      %get3A_530 = tpu.vector_load %arg7[%get3A_528, %get3A_529] {strides = array<i32>} : memref<64x512xf32, #tpu.memory_space<vmem>>, vector<1x16xf32>,
      %get3A_531 = vector.shape_cast %get3A_530 : vector<1x16xf32> to vector<16xf32>
      %gt3A_532 = arith.cmpf ogt, %get3A_531, %max3A_526 : vector<16xf32>
      %gt3A_533 = arith.cmpf ogt, %get3A_531, %max3A_525 : vector<16xf32>
      %broadcast_in_dim3A_534 = arith.constant 32 : i32
      %broadcast_in_dim3A_535 = vector.broadcast %broadcast_in_dim3A_534 : i32 to vector<16xi32>
      %select_n3A_536 = arith.select %gt3A_533, %broadcast_in_dim3A_535, %select_n3A_522 : vector<16xi1>, vector<16xi32>
      %select_n3A_537 = arith.select %gt3A_532, %select_n3A_523, %select_n3A_536 : vector<16xi1>, vector<16xi32>
      %select_n3A_538 = arith.select %gt3A_532, %broadcast_in_dim3A_535, %select_n3A_523 : vector<16xi1>, vector<16xi32>
      %min3A_539 = arith.minimumf %get3A_531, %max3A_526 : vector<16xf32>
      %max3A_540 = arith.maximumf %max3A_525, %min3A_539 : vector<16xf32>
      %max3A_541 = arith.maximumf %max3A_526, %get3A_531 : vector<16xf32>
      %get3A_542 = arith.constant 33 : i32
      %get3A_543 = arith.index_cast %get3A_542 : i32 to index
      %get3A_544 = arith.index_cast %mul3A_56 : i32 to index
      %get3A_545 = tpu.vector_load %arg7[%get3A_543, %get3A_544] {strides = array<i32>} : memref<64x512xf32, #tpu.memory_space<vmem>>, vector<1x16xf32>,
      %get3A_546 = vector.shape_cast %get3A_545 : vector<1x16xf32> to vector<16xf32>
      %gt3A_547 = arith.cmpf ogt, %get3A_546, %max3A_541 : vector<16xf32>
      %gt3A_548 = arith.cmpf ogt, %get3A_546, %max3A_540 : vector<16xf32>
      %broadcast_in_dim3A_549 = arith.constant 33 : i32
      %broadcast_in_dim3A_550 = vector.broadcast %broadcast_in_dim3A_549 : i32 to vector<16xi32>
      %select_n3A_551 = arith.select %gt3A_548, %broadcast_in_dim3A_550, %select_n3A_537 : vector<16xi1>, vector<16xi32>
      %select_n3A_552 = arith.select %gt3A_547, %select_n3A_538, %select_n3A_551 : vector<16xi1>, vector<16xi32>
      %select_n3A_553 = arith.select %gt3A_547, %broadcast_in_dim3A_550, %select_n3A_538 : vector<16xi1>, vector<16xi32>
      %min3A_554 = arith.minimumf %get3A_546, %max3A_541 : vector<16xf32>
      %max3A_555 = arith.maximumf %max3A_540, %min3A_554 : vector<16xf32>
      %max3A_556 = arith.maximumf %max3A_541, %get3A_546 : vector<16xf32>
      %get3A_557 = arith.constant 34 : i32
      %get3A_558 = arith.index_cast %get3A_557 : i32 to index
      %get3A_559 = arith.index_cast %mul3A_56 : i32 to index
      %get3A_560 = tpu.vector_load %arg7[%get3A_558, %get3A_559] {strides = array<i32>} : memref<64x512xf32, #tpu.memory_space<vmem>>, vector<1x16xf32>,
      %get3A_561 = vector.shape_cast %get3A_560 : vector<1x16xf32> to vector<16xf32>
      %gt3A_562 = arith.cmpf ogt, %get3A_561, %max3A_556 : vector<16xf32>
      %gt3A_563 = arith.cmpf ogt, %get3A_561, %max3A_555 : vector<16xf32>
      %broadcast_in_dim3A_564 = arith.constant 34 : i32
      %broadcast_in_dim3A_565 = vector.broadcast %broadcast_in_dim3A_564 : i32 to vector<16xi32>
      %select_n3A_566 = arith.select %gt3A_563, %broadcast_in_dim3A_565, %select_n3A_552 : vector<16xi1>, vector<16xi32>
      %select_n3A_567 = arith.select %gt3A_562, %select_n3A_553, %select_n3A_566 : vector<16xi1>, vector<16xi32>
      %select_n3A_568 = arith.select %gt3A_562, %broadcast_in_dim3A_565, %select_n3A_553 : vector<16xi1>, vector<16xi32>
      %min3A_569 = arith.minimumf %get3A_561, %max3A_556 : vector<16xf32>
      %max3A_570 = arith.maximumf %max3A_555, %min3A_569 : vector<16xf32>
      %max3A_571 = arith.maximumf %max3A_556, %get3A_561 : vector<16xf32>
      %get3A_572 = arith.constant 35 : i32
      %get3A_573 = arith.index_cast %get3A_572 : i32 to index
      %get3A_574 = arith.index_cast %mul3A_56 : i32 to index
      %get3A_575 = tpu.vector_load %arg7[%get3A_573, %get3A_574] {strides = array<i32>} : memref<64x512xf32, #tpu.memory_space<vmem>>, vector<1x16xf32>,
      %get3A_576 = vector.shape_cast %get3A_575 : vector<1x16xf32> to vector<16xf32>
      %gt3A_577 = arith.cmpf ogt, %get3A_576, %max3A_571 : vector<16xf32>
      %gt3A_578 = arith.cmpf ogt, %get3A_576, %max3A_570 : vector<16xf32>
      %broadcast_in_dim3A_579 = arith.constant 35 : i32
      %broadcast_in_dim3A_580 = vector.broadcast %broadcast_in_dim3A_579 : i32 to vector<16xi32>
      %select_n3A_581 = arith.select %gt3A_578, %broadcast_in_dim3A_580, %select_n3A_567 : vector<16xi1>, vector<16xi32>
      %select_n3A_582 = arith.select %gt3A_577, %select_n3A_568, %select_n3A_581 : vector<16xi1>, vector<16xi32>
      %select_n3A_583 = arith.select %gt3A_577, %broadcast_in_dim3A_580, %select_n3A_568 : vector<16xi1>, vector<16xi32>
      %min3A_584 = arith.minimumf %get3A_576, %max3A_571 : vector<16xf32>
      %max3A_585 = arith.maximumf %max3A_570, %min3A_584 : vector<16xf32>
      %max3A_586 = arith.maximumf %max3A_571, %get3A_576 : vector<16xf32>
      %get3A_587 = arith.constant 36 : i32
      %get3A_588 = arith.index_cast %get3A_587 : i32 to index
      %get3A_589 = arith.index_cast %mul3A_56 : i32 to index
      %get3A_590 = tpu.vector_load %arg7[%get3A_588, %get3A_589] {strides = array<i32>} : memref<64x512xf32, #tpu.memory_space<vmem>>, vector<1x16xf32>,
      %get3A_591 = vector.shape_cast %get3A_590 : vector<1x16xf32> to vector<16xf32>
      %gt3A_592 = arith.cmpf ogt, %get3A_591, %max3A_586 : vector<16xf32>
      %gt3A_593 = arith.cmpf ogt, %get3A_591, %max3A_585 : vector<16xf32>
      %broadcast_in_dim3A_594 = arith.constant 36 : i32
      %broadcast_in_dim3A_595 = vector.broadcast %broadcast_in_dim3A_594 : i32 to vector<16xi32>
      %select_n3A_596 = arith.select %gt3A_593, %broadcast_in_dim3A_595, %select_n3A_582 : vector<16xi1>, vector<16xi32>
      %select_n3A_597 = arith.select %gt3A_592, %select_n3A_583, %select_n3A_596 : vector<16xi1>, vector<16xi32>
      %select_n3A_598 = arith.select %gt3A_592, %broadcast_in_dim3A_595, %select_n3A_583 : vector<16xi1>, vector<16xi32>
      %min3A_599 = arith.minimumf %get3A_591, %max3A_586 : vector<16xf32>
      %max3A_600 = arith.maximumf %max3A_585, %min3A_599 : vector<16xf32>
      %max3A_601 = arith.maximumf %max3A_586, %get3A_591 : vector<16xf32>
      %get3A_602 = arith.constant 37 : i32
      %get3A_603 = arith.index_cast %get3A_602 : i32 to index
      %get3A_604 = arith.index_cast %mul3A_56 : i32 to index
      %get3A_605 = tpu.vector_load %arg7[%get3A_603, %get3A_604] {strides = array<i32>} : memref<64x512xf32, #tpu.memory_space<vmem>>, vector<1x16xf32>,
      %get3A_606 = vector.shape_cast %get3A_605 : vector<1x16xf32> to vector<16xf32>
      %gt3A_607 = arith.cmpf ogt, %get3A_606, %max3A_601 : vector<16xf32>
      %gt3A_608 = arith.cmpf ogt, %get3A_606, %max3A_600 : vector<16xf32>
      %broadcast_in_dim3A_609 = arith.constant 37 : i32
      %broadcast_in_dim3A_610 = vector.broadcast %broadcast_in_dim3A_609 : i32 to vector<16xi32>
      %select_n3A_611 = arith.select %gt3A_608, %broadcast_in_dim3A_610, %select_n3A_597 : vector<16xi1>, vector<16xi32>
      %select_n3A_612 = arith.select %gt3A_607, %select_n3A_598, %select_n3A_611 : vector<16xi1>, vector<16xi32>
      %select_n3A_613 = arith.select %gt3A_607, %broadcast_in_dim3A_610, %select_n3A_598 : vector<16xi1>, vector<16xi32>
      %min3A_614 = arith.minimumf %get3A_606, %max3A_601 : vector<16xf32>
      %max3A_615 = arith.maximumf %max3A_600, %min3A_614 : vector<16xf32>
      %max3A_616 = arith.maximumf %max3A_601, %get3A_606 : vector<16xf32>
      %get3A_617 = arith.constant 38 : i32
      %get3A_618 = arith.index_cast %get3A_617 : i32 to index
      %get3A_619 = arith.index_cast %mul3A_56 : i32 to index
      %get3A_620 = tpu.vector_load %arg7[%get3A_618, %get3A_619] {strides = array<i32>} : memref<64x512xf32, #tpu.memory_space<vmem>>, vector<1x16xf32>,
      %get3A_621 = vector.shape_cast %get3A_620 : vector<1x16xf32> to vector<16xf32>
      %gt3A_622 = arith.cmpf ogt, %get3A_621, %max3A_616 : vector<16xf32>
      %gt3A_623 = arith.cmpf ogt, %get3A_621, %max3A_615 : vector<16xf32>
      %broadcast_in_dim3A_624 = arith.constant 38 : i32
      %broadcast_in_dim3A_625 = vector.broadcast %broadcast_in_dim3A_624 : i32 to vector<16xi32>
      %select_n3A_626 = arith.select %gt3A_623, %broadcast_in_dim3A_625, %select_n3A_612 : vector<16xi1>, vector<16xi32>
      %select_n3A_627 = arith.select %gt3A_622, %select_n3A_613, %select_n3A_626 : vector<16xi1>, vector<16xi32>
      %select_n3A_628 = arith.select %gt3A_622, %broadcast_in_dim3A_625, %select_n3A_613 : vector<16xi1>, vector<16xi32>
      %min3A_629 = arith.minimumf %get3A_621, %max3A_616 : vector<16xf32>
      %max3A_630 = arith.maximumf %max3A_615, %min3A_629 : vector<16xf32>
      %max3A_631 = arith.maximumf %max3A_616, %get3A_621 : vector<16xf32>
      %get3A_632 = arith.constant 39 : i32
      %get3A_633 = arith.index_cast %get3A_632 : i32 to index
      %get3A_634 = arith.index_cast %mul3A_56 : i32 to index
      %get3A_635 = tpu.vector_load %arg7[%get3A_633, %get3A_634] {strides = array<i32>} : memref<64x512xf32, #tpu.memory_space<vmem>>, vector<1x16xf32>,
      %get3A_636 = vector.shape_cast %get3A_635 : vector<1x16xf32> to vector<16xf32>
      %gt3A_637 = arith.cmpf ogt, %get3A_636, %max3A_631 : vector<16xf32>
      %gt3A_638 = arith.cmpf ogt, %get3A_636, %max3A_630 : vector<16xf32>
      %broadcast_in_dim3A_639 = arith.constant 39 : i32
      %broadcast_in_dim3A_640 = vector.broadcast %broadcast_in_dim3A_639 : i32 to vector<16xi32>
      %select_n3A_641 = arith.select %gt3A_638, %broadcast_in_dim3A_640, %select_n3A_627 : vector<16xi1>, vector<16xi32>
      %select_n3A_642 = arith.select %gt3A_637, %select_n3A_628, %select_n3A_641 : vector<16xi1>, vector<16xi32>
      %select_n3A_643 = arith.select %gt3A_637, %broadcast_in_dim3A_640, %select_n3A_628 : vector<16xi1>, vector<16xi32>
      %min3A_644 = arith.minimumf %get3A_636, %max3A_631 : vector<16xf32>
      %max3A_645 = arith.maximumf %max3A_630, %min3A_644 : vector<16xf32>
      %max3A_646 = arith.maximumf %max3A_631, %get3A_636 : vector<16xf32>
      %get3A_647 = arith.constant 40 : i32
      %get3A_648 = arith.index_cast %get3A_647 : i32 to index
      %get3A_649 = arith.index_cast %mul3A_56 : i32 to index
      %get3A_650 = tpu.vector_load %arg7[%get3A_648, %get3A_649] {strides = array<i32>} : memref<64x512xf32, #tpu.memory_space<vmem>>, vector<1x16xf32>,
      %get3A_651 = vector.shape_cast %get3A_650 : vector<1x16xf32> to vector<16xf32>
      %gt3A_652 = arith.cmpf ogt, %get3A_651, %max3A_646 : vector<16xf32>
      %gt3A_653 = arith.cmpf ogt, %get3A_651, %max3A_645 : vector<16xf32>
      %broadcast_in_dim3A_654 = arith.constant 40 : i32
      %broadcast_in_dim3A_655 = vector.broadcast %broadcast_in_dim3A_654 : i32 to vector<16xi32>
      %select_n3A_656 = arith.select %gt3A_653, %broadcast_in_dim3A_655, %select_n3A_642 : vector<16xi1>, vector<16xi32>
      %select_n3A_657 = arith.select %gt3A_652, %select_n3A_643, %select_n3A_656 : vector<16xi1>, vector<16xi32>
      %select_n3A_658 = arith.select %gt3A_652, %broadcast_in_dim3A_655, %select_n3A_643 : vector<16xi1>, vector<16xi32>
      %min3A_659 = arith.minimumf %get3A_651, %max3A_646 : vector<16xf32>
      %max3A_660 = arith.maximumf %max3A_645, %min3A_659 : vector<16xf32>
      %max3A_661 = arith.maximumf %max3A_646, %get3A_651 : vector<16xf32>
      %get3A_662 = arith.constant 41 : i32
      %get3A_663 = arith.index_cast %get3A_662 : i32 to index
      %get3A_664 = arith.index_cast %mul3A_56 : i32 to index
      %get3A_665 = tpu.vector_load %arg7[%get3A_663, %get3A_664] {strides = array<i32>} : memref<64x512xf32, #tpu.memory_space<vmem>>, vector<1x16xf32>,
      %get3A_666 = vector.shape_cast %get3A_665 : vector<1x16xf32> to vector<16xf32>
      %gt3A_667 = arith.cmpf ogt, %get3A_666, %max3A_661 : vector<16xf32>
      %gt3A_668 = arith.cmpf ogt, %get3A_666, %max3A_660 : vector<16xf32>
      %broadcast_in_dim3A_669 = arith.constant 41 : i32
      %broadcast_in_dim3A_670 = vector.broadcast %broadcast_in_dim3A_669 : i32 to vector<16xi32>
      %select_n3A_671 = arith.select %gt3A_668, %broadcast_in_dim3A_670, %select_n3A_657 : vector<16xi1>, vector<16xi32>
      %select_n3A_672 = arith.select %gt3A_667, %select_n3A_658, %select_n3A_671 : vector<16xi1>, vector<16xi32>
      %select_n3A_673 = arith.select %gt3A_667, %broadcast_in_dim3A_670, %select_n3A_658 : vector<16xi1>, vector<16xi32>
      %min3A_674 = arith.minimumf %get3A_666, %max3A_661 : vector<16xf32>
      %max3A_675 = arith.maximumf %max3A_660, %min3A_674 : vector<16xf32>
      %max3A_676 = arith.maximumf %max3A_661, %get3A_666 : vector<16xf32>
      %get3A_677 = arith.constant 42 : i32
      %get3A_678 = arith.index_cast %get3A_677 : i32 to index
      %get3A_679 = arith.index_cast %mul3A_56 : i32 to index
      %get3A_680 = tpu.vector_load %arg7[%get3A_678, %get3A_679] {strides = array<i32>} : memref<64x512xf32, #tpu.memory_space<vmem>>, vector<1x16xf32>,
      %get3A_681 = vector.shape_cast %get3A_680 : vector<1x16xf32> to vector<16xf32>
      %gt3A_682 = arith.cmpf ogt, %get3A_681, %max3A_676 : vector<16xf32>
      %gt3A_683 = arith.cmpf ogt, %get3A_681, %max3A_675 : vector<16xf32>
      %broadcast_in_dim3A_684 = arith.constant 42 : i32
      %broadcast_in_dim3A_685 = vector.broadcast %broadcast_in_dim3A_684 : i32 to vector<16xi32>
      %select_n3A_686 = arith.select %gt3A_683, %broadcast_in_dim3A_685, %select_n3A_672 : vector<16xi1>, vector<16xi32>
      %select_n3A_687 = arith.select %gt3A_682, %select_n3A_673, %select_n3A_686 : vector<16xi1>, vector<16xi32>
      %select_n3A_688 = arith.select %gt3A_682, %broadcast_in_dim3A_685, %select_n3A_673 : vector<16xi1>, vector<16xi32>
      %min3A_689 = arith.minimumf %get3A_681, %max3A_676 : vector<16xf32>
      %max3A_690 = arith.maximumf %max3A_675, %min3A_689 : vector<16xf32>
      %max3A_691 = arith.maximumf %max3A_676, %get3A_681 : vector<16xf32>
      %get3A_692 = arith.constant 43 : i32
      %get3A_693 = arith.index_cast %get3A_692 : i32 to index
      %get3A_694 = arith.index_cast %mul3A_56 : i32 to index
      %get3A_695 = tpu.vector_load %arg7[%get3A_693, %get3A_694] {strides = array<i32>} : memref<64x512xf32, #tpu.memory_space<vmem>>, vector<1x16xf32>,
      %get3A_696 = vector.shape_cast %get3A_695 : vector<1x16xf32> to vector<16xf32>
      %gt3A_697 = arith.cmpf ogt, %get3A_696, %max3A_691 : vector<16xf32>
      %gt3A_698 = arith.cmpf ogt, %get3A_696, %max3A_690 : vector<16xf32>
      %broadcast_in_dim3A_699 = arith.constant 43 : i32
      %broadcast_in_dim3A_700 = vector.broadcast %broadcast_in_dim3A_699 : i32 to vector<16xi32>
      %select_n3A_701 = arith.select %gt3A_698, %broadcast_in_dim3A_700, %select_n3A_687 : vector<16xi1>, vector<16xi32>
      %select_n3A_702 = arith.select %gt3A_697, %select_n3A_688, %select_n3A_701 : vector<16xi1>, vector<16xi32>
      %select_n3A_703 = arith.select %gt3A_697, %broadcast_in_dim3A_700, %select_n3A_688 : vector<16xi1>, vector<16xi32>
      %min3A_704 = arith.minimumf %get3A_696, %max3A_691 : vector<16xf32>
      %max3A_705 = arith.maximumf %max3A_690, %min3A_704 : vector<16xf32>
      %max3A_706 = arith.maximumf %max3A_691, %get3A_696 : vector<16xf32>
      %get3A_707 = arith.constant 44 : i32
      %get3A_708 = arith.index_cast %get3A_707 : i32 to index
      %get3A_709 = arith.index_cast %mul3A_56 : i32 to index
      %get3A_710 = tpu.vector_load %arg7[%get3A_708, %get3A_709] {strides = array<i32>} : memref<64x512xf32, #tpu.memory_space<vmem>>, vector<1x16xf32>,
      %get3A_711 = vector.shape_cast %get3A_710 : vector<1x16xf32> to vector<16xf32>
      %gt3A_712 = arith.cmpf ogt, %get3A_711, %max3A_706 : vector<16xf32>
      %gt3A_713 = arith.cmpf ogt, %get3A_711, %max3A_705 : vector<16xf32>
      %broadcast_in_dim3A_714 = arith.constant 44 : i32
      %broadcast_in_dim3A_715 = vector.broadcast %broadcast_in_dim3A_714 : i32 to vector<16xi32>
      %select_n3A_716 = arith.select %gt3A_713, %broadcast_in_dim3A_715, %select_n3A_702 : vector<16xi1>, vector<16xi32>
      %select_n3A_717 = arith.select %gt3A_712, %select_n3A_703, %select_n3A_716 : vector<16xi1>, vector<16xi32>
      %select_n3A_718 = arith.select %gt3A_712, %broadcast_in_dim3A_715, %select_n3A_703 : vector<16xi1>, vector<16xi32>
      %min3A_719 = arith.minimumf %get3A_711, %max3A_706 : vector<16xf32>
      %max3A_720 = arith.maximumf %max3A_705, %min3A_719 : vector<16xf32>
      %max3A_721 = arith.maximumf %max3A_706, %get3A_711 : vector<16xf32>
      %get3A_722 = arith.constant 45 : i32
      %get3A_723 = arith.index_cast %get3A_722 : i32 to index
      %get3A_724 = arith.index_cast %mul3A_56 : i32 to index
      %get3A_725 = tpu.vector_load %arg7[%get3A_723, %get3A_724] {strides = array<i32>} : memref<64x512xf32, #tpu.memory_space<vmem>>, vector<1x16xf32>,
      %get3A_726 = vector.shape_cast %get3A_725 : vector<1x16xf32> to vector<16xf32>
      %gt3A_727 = arith.cmpf ogt, %get3A_726, %max3A_721 : vector<16xf32>
      %gt3A_728 = arith.cmpf ogt, %get3A_726, %max3A_720 : vector<16xf32>
      %broadcast_in_dim3A_729 = arith.constant 45 : i32
      %broadcast_in_dim3A_730 = vector.broadcast %broadcast_in_dim3A_729 : i32 to vector<16xi32>
      %select_n3A_731 = arith.select %gt3A_728, %broadcast_in_dim3A_730, %select_n3A_717 : vector<16xi1>, vector<16xi32>
      %select_n3A_732 = arith.select %gt3A_727, %select_n3A_718, %select_n3A_731 : vector<16xi1>, vector<16xi32>
      %select_n3A_733 = arith.select %gt3A_727, %broadcast_in_dim3A_730, %select_n3A_718 : vector<16xi1>, vector<16xi32>
      %min3A_734 = arith.minimumf %get3A_726, %max3A_721 : vector<16xf32>
      %max3A_735 = arith.maximumf %max3A_720, %min3A_734 : vector<16xf32>
      %max3A_736 = arith.maximumf %max3A_721, %get3A_726 : vector<16xf32>
      %get3A_737 = arith.constant 46 : i32
      %get3A_738 = arith.index_cast %get3A_737 : i32 to index
      %get3A_739 = arith.index_cast %mul3A_56 : i32 to index
      %get3A_740 = tpu.vector_load %arg7[%get3A_738, %get3A_739] {strides = array<i32>} : memref<64x512xf32, #tpu.memory_space<vmem>>, vector<1x16xf32>,
      %get3A_741 = vector.shape_cast %get3A_740 : vector<1x16xf32> to vector<16xf32>
      %gt3A_742 = arith.cmpf ogt, %get3A_741, %max3A_736 : vector<16xf32>
      %gt3A_743 = arith.cmpf ogt, %get3A_741, %max3A_735 : vector<16xf32>
      %broadcast_in_dim3A_744 = arith.constant 46 : i32
      %broadcast_in_dim3A_745 = vector.broadcast %broadcast_in_dim3A_744 : i32 to vector<16xi32>
      %select_n3A_746 = arith.select %gt3A_743, %broadcast_in_dim3A_745, %select_n3A_732 : vector<16xi1>, vector<16xi32>
      %select_n3A_747 = arith.select %gt3A_742, %select_n3A_733, %select_n3A_746 : vector<16xi1>, vector<16xi32>
      %select_n3A_748 = arith.select %gt3A_742, %broadcast_in_dim3A_745, %select_n3A_733 : vector<16xi1>, vector<16xi32>
      %min3A_749 = arith.minimumf %get3A_741, %max3A_736 : vector<16xf32>
      %max3A_750 = arith.maximumf %max3A_735, %min3A_749 : vector<16xf32>
      %max3A_751 = arith.maximumf %max3A_736, %get3A_741 : vector<16xf32>
      %get3A_752 = arith.constant 47 : i32
      %get3A_753 = arith.index_cast %get3A_752 : i32 to index
      %get3A_754 = arith.index_cast %mul3A_56 : i32 to index
      %get3A_755 = tpu.vector_load %arg7[%get3A_753, %get3A_754] {strides = array<i32>} : memref<64x512xf32, #tpu.memory_space<vmem>>, vector<1x16xf32>,
      %get3A_756 = vector.shape_cast %get3A_755 : vector<1x16xf32> to vector<16xf32>
      %gt3A_757 = arith.cmpf ogt, %get3A_756, %max3A_751 : vector<16xf32>
      %gt3A_758 = arith.cmpf ogt, %get3A_756, %max3A_750 : vector<16xf32>
      %broadcast_in_dim3A_759 = arith.constant 47 : i32
      %broadcast_in_dim3A_760 = vector.broadcast %broadcast_in_dim3A_759 : i32 to vector<16xi32>
      %select_n3A_761 = arith.select %gt3A_758, %broadcast_in_dim3A_760, %select_n3A_747 : vector<16xi1>, vector<16xi32>
      %select_n3A_762 = arith.select %gt3A_757, %select_n3A_748, %select_n3A_761 : vector<16xi1>, vector<16xi32>
      %select_n3A_763 = arith.select %gt3A_757, %broadcast_in_dim3A_760, %select_n3A_748 : vector<16xi1>, vector<16xi32>
      %min3A_764 = arith.minimumf %get3A_756, %max3A_751 : vector<16xf32>
      %max3A_765 = arith.maximumf %max3A_750, %min3A_764 : vector<16xf32>
      %max3A_766 = arith.maximumf %max3A_751, %get3A_756 : vector<16xf32>
      %get3A_767 = arith.constant 48 : i32
      %get3A_768 = arith.index_cast %get3A_767 : i32 to index
      %get3A_769 = arith.index_cast %mul3A_56 : i32 to index
      %get3A_770 = tpu.vector_load %arg7[%get3A_768, %get3A_769] {strides = array<i32>} : memref<64x512xf32, #tpu.memory_space<vmem>>, vector<1x16xf32>,
      %get3A_771 = vector.shape_cast %get3A_770 : vector<1x16xf32> to vector<16xf32>
      %gt3A_772 = arith.cmpf ogt, %get3A_771, %max3A_766 : vector<16xf32>
      %gt3A_773 = arith.cmpf ogt, %get3A_771, %max3A_765 : vector<16xf32>
      %broadcast_in_dim3A_774 = arith.constant 48 : i32
      %broadcast_in_dim3A_775 = vector.broadcast %broadcast_in_dim3A_774 : i32 to vector<16xi32>
      %select_n3A_776 = arith.select %gt3A_773, %broadcast_in_dim3A_775, %select_n3A_762 : vector<16xi1>, vector<16xi32>
      %select_n3A_777 = arith.select %gt3A_772, %select_n3A_763, %select_n3A_776 : vector<16xi1>, vector<16xi32>
      %select_n3A_778 = arith.select %gt3A_772, %broadcast_in_dim3A_775, %select_n3A_763 : vector<16xi1>, vector<16xi32>
      %min3A_779 = arith.minimumf %get3A_771, %max3A_766 : vector<16xf32>
      %max3A_780 = arith.maximumf %max3A_765, %min3A_779 : vector<16xf32>
      %max3A_781 = arith.maximumf %max3A_766, %get3A_771 : vector<16xf32>
      %get3A_782 = arith.constant 49 : i32
      %get3A_783 = arith.index_cast %get3A_782 : i32 to index
      %get3A_784 = arith.index_cast %mul3A_56 : i32 to index
      %get3A_785 = tpu.vector_load %arg7[%get3A_783, %get3A_784] {strides = array<i32>} : memref<64x512xf32, #tpu.memory_space<vmem>>, vector<1x16xf32>,
      %get3A_786 = vector.shape_cast %get3A_785 : vector<1x16xf32> to vector<16xf32>
      %gt3A_787 = arith.cmpf ogt, %get3A_786, %max3A_781 : vector<16xf32>
      %gt3A_788 = arith.cmpf ogt, %get3A_786, %max3A_780 : vector<16xf32>
      %broadcast_in_dim3A_789 = arith.constant 49 : i32
      %broadcast_in_dim3A_790 = vector.broadcast %broadcast_in_dim3A_789 : i32 to vector<16xi32>
      %select_n3A_791 = arith.select %gt3A_788, %broadcast_in_dim3A_790, %select_n3A_777 : vector<16xi1>, vector<16xi32>
      %select_n3A_792 = arith.select %gt3A_787, %select_n3A_778, %select_n3A_791 : vector<16xi1>, vector<16xi32>
      %select_n3A_793 = arith.select %gt3A_787, %broadcast_in_dim3A_790, %select_n3A_778 : vector<16xi1>, vector<16xi32>
      %min3A_794 = arith.minimumf %get3A_786, %max3A_781 : vector<16xf32>
      %max3A_795 = arith.maximumf %max3A_780, %min3A_794 : vector<16xf32>
      %max3A_796 = arith.maximumf %max3A_781, %get3A_786 : vector<16xf32>
      %get3A_797 = arith.constant 50 : i32
      %get3A_798 = arith.index_cast %get3A_797 : i32 to index
      %get3A_799 = arith.index_cast %mul3A_56 : i32 to index
      %get3A_800 = tpu.vector_load %arg7[%get3A_798, %get3A_799] {strides = array<i32>} : memref<64x512xf32, #tpu.memory_space<vmem>>, vector<1x16xf32>,
      %get3A_801 = vector.shape_cast %get3A_800 : vector<1x16xf32> to vector<16xf32>
      %gt3A_802 = arith.cmpf ogt, %get3A_801, %max3A_796 : vector<16xf32>
      %gt3A_803 = arith.cmpf ogt, %get3A_801, %max3A_795 : vector<16xf32>
      %broadcast_in_dim3A_804 = arith.constant 50 : i32
      %broadcast_in_dim3A_805 = vector.broadcast %broadcast_in_dim3A_804 : i32 to vector<16xi32>
      %select_n3A_806 = arith.select %gt3A_803, %broadcast_in_dim3A_805, %select_n3A_792 : vector<16xi1>, vector<16xi32>
      %select_n3A_807 = arith.select %gt3A_802, %select_n3A_793, %select_n3A_806 : vector<16xi1>, vector<16xi32>
      %select_n3A_808 = arith.select %gt3A_802, %broadcast_in_dim3A_805, %select_n3A_793 : vector<16xi1>, vector<16xi32>
      %min3A_809 = arith.minimumf %get3A_801, %max3A_796 : vector<16xf32>
      %max3A_810 = arith.maximumf %max3A_795, %min3A_809 : vector<16xf32>
      %max3A_811 = arith.maximumf %max3A_796, %get3A_801 : vector<16xf32>
      %get3A_812 = arith.constant 51 : i32
      %get3A_813 = arith.index_cast %get3A_812 : i32 to index
      %get3A_814 = arith.index_cast %mul3A_56 : i32 to index
      %get3A_815 = tpu.vector_load %arg7[%get3A_813, %get3A_814] {strides = array<i32>} : memref<64x512xf32, #tpu.memory_space<vmem>>, vector<1x16xf32>,
      %get3A_816 = vector.shape_cast %get3A_815 : vector<1x16xf32> to vector<16xf32>
      %gt3A_817 = arith.cmpf ogt, %get3A_816, %max3A_811 : vector<16xf32>
      %gt3A_818 = arith.cmpf ogt, %get3A_816, %max3A_810 : vector<16xf32>
      %broadcast_in_dim3A_819 = arith.constant 51 : i32
      %broadcast_in_dim3A_820 = vector.broadcast %broadcast_in_dim3A_819 : i32 to vector<16xi32>
      %select_n3A_821 = arith.select %gt3A_818, %broadcast_in_dim3A_820, %select_n3A_807 : vector<16xi1>, vector<16xi32>
      %select_n3A_822 = arith.select %gt3A_817, %select_n3A_808, %select_n3A_821 : vector<16xi1>, vector<16xi32>
      %select_n3A_823 = arith.select %gt3A_817, %broadcast_in_dim3A_820, %select_n3A_808 : vector<16xi1>, vector<16xi32>
      %min3A_824 = arith.minimumf %get3A_816, %max3A_811 : vector<16xf32>
      %max3A_825 = arith.maximumf %max3A_810, %min3A_824 : vector<16xf32>
      %max3A_826 = arith.maximumf %max3A_811, %get3A_816 : vector<16xf32>
      %get3A_827 = arith.constant 52 : i32
      %get3A_828 = arith.index_cast %get3A_827 : i32 to index
      %get3A_829 = arith.index_cast %mul3A_56 : i32 to index
      %get3A_830 = tpu.vector_load %arg7[%get3A_828, %get3A_829] {strides = array<i32>} : memref<64x512xf32, #tpu.memory_space<vmem>>, vector<1x16xf32>,
      %get3A_831 = vector.shape_cast %get3A_830 : vector<1x16xf32> to vector<16xf32>
      %gt3A_832 = arith.cmpf ogt, %get3A_831, %max3A_826 : vector<16xf32>
      %gt3A_833 = arith.cmpf ogt, %get3A_831, %max3A_825 : vector<16xf32>
      %broadcast_in_dim3A_834 = arith.constant 52 : i32
      %broadcast_in_dim3A_835 = vector.broadcast %broadcast_in_dim3A_834 : i32 to vector<16xi32>
      %select_n3A_836 = arith.select %gt3A_833, %broadcast_in_dim3A_835, %select_n3A_822 : vector<16xi1>, vector<16xi32>
      %select_n3A_837 = arith.select %gt3A_832, %select_n3A_823, %select_n3A_836 : vector<16xi1>, vector<16xi32>
      %select_n3A_838 = arith.select %gt3A_832, %broadcast_in_dim3A_835, %select_n3A_823 : vector<16xi1>, vector<16xi32>
      %min3A_839 = arith.minimumf %get3A_831, %max3A_826 : vector<16xf32>
      %max3A_840 = arith.maximumf %max3A_825, %min3A_839 : vector<16xf32>
      %max3A_841 = arith.maximumf %max3A_826, %get3A_831 : vector<16xf32>
      %get3A_842 = arith.constant 53 : i32
      %get3A_843 = arith.index_cast %get3A_842 : i32 to index
      %get3A_844 = arith.index_cast %mul3A_56 : i32 to index
      %get3A_845 = tpu.vector_load %arg7[%get3A_843, %get3A_844] {strides = array<i32>} : memref<64x512xf32, #tpu.memory_space<vmem>>, vector<1x16xf32>,
      %get3A_846 = vector.shape_cast %get3A_845 : vector<1x16xf32> to vector<16xf32>
      %gt3A_847 = arith.cmpf ogt, %get3A_846, %max3A_841 : vector<16xf32>
      %gt3A_848 = arith.cmpf ogt, %get3A_846, %max3A_840 : vector<16xf32>
      %broadcast_in_dim3A_849 = arith.constant 53 : i32
      %broadcast_in_dim3A_850 = vector.broadcast %broadcast_in_dim3A_849 : i32 to vector<16xi32>
      %select_n3A_851 = arith.select %gt3A_848, %broadcast_in_dim3A_850, %select_n3A_837 : vector<16xi1>, vector<16xi32>
      %select_n3A_852 = arith.select %gt3A_847, %select_n3A_838, %select_n3A_851 : vector<16xi1>, vector<16xi32>
      %select_n3A_853 = arith.select %gt3A_847, %broadcast_in_dim3A_850, %select_n3A_838 : vector<16xi1>, vector<16xi32>
      %min3A_854 = arith.minimumf %get3A_846, %max3A_841 : vector<16xf32>
      %max3A_855 = arith.maximumf %max3A_840, %min3A_854 : vector<16xf32>
      %max3A_856 = arith.maximumf %max3A_841, %get3A_846 : vector<16xf32>
      %get3A_857 = arith.constant 54 : i32
      %get3A_858 = arith.index_cast %get3A_857 : i32 to index
      %get3A_859 = arith.index_cast %mul3A_56 : i32 to index
      %get3A_860 = tpu.vector_load %arg7[%get3A_858, %get3A_859] {strides = array<i32>} : memref<64x512xf32, #tpu.memory_space<vmem>>, vector<1x16xf32>,
      %get3A_861 = vector.shape_cast %get3A_860 : vector<1x16xf32> to vector<16xf32>
      %gt3A_862 = arith.cmpf ogt, %get3A_861, %max3A_856 : vector<16xf32>
      %gt3A_863 = arith.cmpf ogt, %get3A_861, %max3A_855 : vector<16xf32>
      %broadcast_in_dim3A_864 = arith.constant 54 : i32
      %broadcast_in_dim3A_865 = vector.broadcast %broadcast_in_dim3A_864 : i32 to vector<16xi32>
      %select_n3A_866 = arith.select %gt3A_863, %broadcast_in_dim3A_865, %select_n3A_852 : vector<16xi1>, vector<16xi32>
      %select_n3A_867 = arith.select %gt3A_862, %select_n3A_853, %select_n3A_866 : vector<16xi1>, vector<16xi32>
      %select_n3A_868 = arith.select %gt3A_862, %broadcast_in_dim3A_865, %select_n3A_853 : vector<16xi1>, vector<16xi32>
      %min3A_869 = arith.minimumf %get3A_861, %max3A_856 : vector<16xf32>
      %max3A_870 = arith.maximumf %max3A_855, %min3A_869 : vector<16xf32>
      %max3A_871 = arith.maximumf %max3A_856, %get3A_861 : vector<16xf32>
      %get3A_872 = arith.constant 55 : i32
      %get3A_873 = arith.index_cast %get3A_872 : i32 to index
      %get3A_874 = arith.index_cast %mul3A_56 : i32 to index
      %get3A_875 = tpu.vector_load %arg7[%get3A_873, %get3A_874] {strides = array<i32>} : memref<64x512xf32, #tpu.memory_space<vmem>>, vector<1x16xf32>,
      %get3A_876 = vector.shape_cast %get3A_875 : vector<1x16xf32> to vector<16xf32>
      %gt3A_877 = arith.cmpf ogt, %get3A_876, %max3A_871 : vector<16xf32>
      %gt3A_878 = arith.cmpf ogt, %get3A_876, %max3A_870 : vector<16xf32>
      %broadcast_in_dim3A_879 = arith.constant 55 : i32
      %broadcast_in_dim3A_880 = vector.broadcast %broadcast_in_dim3A_879 : i32 to vector<16xi32>
      %select_n3A_881 = arith.select %gt3A_878, %broadcast_in_dim3A_880, %select_n3A_867 : vector<16xi1>, vector<16xi32>
      %select_n3A_882 = arith.select %gt3A_877, %select_n3A_868, %select_n3A_881 : vector<16xi1>, vector<16xi32>
      %select_n3A_883 = arith.select %gt3A_877, %broadcast_in_dim3A_880, %select_n3A_868 : vector<16xi1>, vector<16xi32>
      %min3A_884 = arith.minimumf %get3A_876, %max3A_871 : vector<16xf32>
      %max3A_885 = arith.maximumf %max3A_870, %min3A_884 : vector<16xf32>
      %max3A_886 = arith.maximumf %max3A_871, %get3A_876 : vector<16xf32>
      %get3A_887 = arith.constant 56 : i32
      %get3A_888 = arith.index_cast %get3A_887 : i32 to index
      %get3A_889 = arith.index_cast %mul3A_56 : i32 to index
      %get3A_890 = tpu.vector_load %arg7[%get3A_888, %get3A_889] {strides = array<i32>} : memref<64x512xf32, #tpu.memory_space<vmem>>, vector<1x16xf32>,
      %get3A_891 = vector.shape_cast %get3A_890 : vector<1x16xf32> to vector<16xf32>
      %gt3A_892 = arith.cmpf ogt, %get3A_891, %max3A_886 : vector<16xf32>
      %gt3A_893 = arith.cmpf ogt, %get3A_891, %max3A_885 : vector<16xf32>
      %broadcast_in_dim3A_894 = arith.constant 56 : i32
      %broadcast_in_dim3A_895 = vector.broadcast %broadcast_in_dim3A_894 : i32 to vector<16xi32>
      %select_n3A_896 = arith.select %gt3A_893, %broadcast_in_dim3A_895, %select_n3A_882 : vector<16xi1>, vector<16xi32>
      %select_n3A_897 = arith.select %gt3A_892, %select_n3A_883, %select_n3A_896 : vector<16xi1>, vector<16xi32>
      %select_n3A_898 = arith.select %gt3A_892, %broadcast_in_dim3A_895, %select_n3A_883 : vector<16xi1>, vector<16xi32>
      %min3A_899 = arith.minimumf %get3A_891, %max3A_886 : vector<16xf32>
      %max3A_900 = arith.maximumf %max3A_885, %min3A_899 : vector<16xf32>
      %max3A_901 = arith.maximumf %max3A_886, %get3A_891 : vector<16xf32>
      %get3A_902 = arith.constant 57 : i32
      %get3A_903 = arith.index_cast %get3A_902 : i32 to index
      %get3A_904 = arith.index_cast %mul3A_56 : i32 to index
      %get3A_905 = tpu.vector_load %arg7[%get3A_903, %get3A_904] {strides = array<i32>} : memref<64x512xf32, #tpu.memory_space<vmem>>, vector<1x16xf32>,
      %get3A_906 = vector.shape_cast %get3A_905 : vector<1x16xf32> to vector<16xf32>
      %gt3A_907 = arith.cmpf ogt, %get3A_906, %max3A_901 : vector<16xf32>
      %gt3A_908 = arith.cmpf ogt, %get3A_906, %max3A_900 : vector<16xf32>
      %broadcast_in_dim3A_909 = arith.constant 57 : i32
      %broadcast_in_dim3A_910 = vector.broadcast %broadcast_in_dim3A_909 : i32 to vector<16xi32>
      %select_n3A_911 = arith.select %gt3A_908, %broadcast_in_dim3A_910, %select_n3A_897 : vector<16xi1>, vector<16xi32>
      %select_n3A_912 = arith.select %gt3A_907, %select_n3A_898, %select_n3A_911 : vector<16xi1>, vector<16xi32>
      %select_n3A_913 = arith.select %gt3A_907, %broadcast_in_dim3A_910, %select_n3A_898 : vector<16xi1>, vector<16xi32>
      %min3A_914 = arith.minimumf %get3A_906, %max3A_901 : vector<16xf32>
      %max3A_915 = arith.maximumf %max3A_900, %min3A_914 : vector<16xf32>
      %max3A_916 = arith.maximumf %max3A_901, %get3A_906 : vector<16xf32>
      %get3A_917 = arith.constant 58 : i32
      %get3A_918 = arith.index_cast %get3A_917 : i32 to index
      %get3A_919 = arith.index_cast %mul3A_56 : i32 to index
      %get3A_920 = tpu.vector_load %arg7[%get3A_918, %get3A_919] {strides = array<i32>} : memref<64x512xf32, #tpu.memory_space<vmem>>, vector<1x16xf32>,
      %get3A_921 = vector.shape_cast %get3A_920 : vector<1x16xf32> to vector<16xf32>
      %gt3A_922 = arith.cmpf ogt, %get3A_921, %max3A_916 : vector<16xf32>
      %gt3A_923 = arith.cmpf ogt, %get3A_921, %max3A_915 : vector<16xf32>
      %broadcast_in_dim3A_924 = arith.constant 58 : i32
      %broadcast_in_dim3A_925 = vector.broadcast %broadcast_in_dim3A_924 : i32 to vector<16xi32>
      %select_n3A_926 = arith.select %gt3A_923, %broadcast_in_dim3A_925, %select_n3A_912 : vector<16xi1>, vector<16xi32>
      %select_n3A_927 = arith.select %gt3A_922, %select_n3A_913, %select_n3A_926 : vector<16xi1>, vector<16xi32>
      %select_n3A_928 = arith.select %gt3A_922, %broadcast_in_dim3A_925, %select_n3A_913 : vector<16xi1>, vector<16xi32>
      %min3A_929 = arith.minimumf %get3A_921, %max3A_916 : vector<16xf32>
      %max3A_930 = arith.maximumf %max3A_915, %min3A_929 : vector<16xf32>
      %max3A_931 = arith.maximumf %max3A_916, %get3A_921 : vector<16xf32>
      %get3A_932 = arith.constant 59 : i32
      %get3A_933 = arith.index_cast %get3A_932 : i32 to index
      %get3A_934 = arith.index_cast %mul3A_56 : i32 to index
      %get3A_935 = tpu.vector_load %arg7[%get3A_933, %get3A_934] {strides = array<i32>} : memref<64x512xf32, #tpu.memory_space<vmem>>, vector<1x16xf32>,
      %get3A_936 = vector.shape_cast %get3A_935 : vector<1x16xf32> to vector<16xf32>
      %gt3A_937 = arith.cmpf ogt, %get3A_936, %max3A_931 : vector<16xf32>
      %gt3A_938 = arith.cmpf ogt, %get3A_936, %max3A_930 : vector<16xf32>
      %broadcast_in_dim3A_939 = arith.constant 59 : i32
      %broadcast_in_dim3A_940 = vector.broadcast %broadcast_in_dim3A_939 : i32 to vector<16xi32>
      %select_n3A_941 = arith.select %gt3A_938, %broadcast_in_dim3A_940, %select_n3A_927 : vector<16xi1>, vector<16xi32>
      %select_n3A_942 = arith.select %gt3A_937, %select_n3A_928, %select_n3A_941 : vector<16xi1>, vector<16xi32>
      %select_n3A_943 = arith.select %gt3A_937, %broadcast_in_dim3A_940, %select_n3A_928 : vector<16xi1>, vector<16xi32>
      %min3A_944 = arith.minimumf %get3A_936, %max3A_931 : vector<16xf32>
      %max3A_945 = arith.maximumf %max3A_930, %min3A_944 : vector<16xf32>
      %max3A_946 = arith.maximumf %max3A_931, %get3A_936 : vector<16xf32>
      %get3A_947 = arith.constant 60 : i32
      %get3A_948 = arith.index_cast %get3A_947 : i32 to index
      %get3A_949 = arith.index_cast %mul3A_56 : i32 to index
      %get3A_950 = tpu.vector_load %arg7[%get3A_948, %get3A_949] {strides = array<i32>} : memref<64x512xf32, #tpu.memory_space<vmem>>, vector<1x16xf32>,
      %get3A_951 = vector.shape_cast %get3A_950 : vector<1x16xf32> to vector<16xf32>
      %gt3A_952 = arith.cmpf ogt, %get3A_951, %max3A_946 : vector<16xf32>
      %gt3A_953 = arith.cmpf ogt, %get3A_951, %max3A_945 : vector<16xf32>
      %broadcast_in_dim3A_954 = arith.constant 60 : i32
      %broadcast_in_dim3A_955 = vector.broadcast %broadcast_in_dim3A_954 : i32 to vector<16xi32>
      %select_n3A_956 = arith.select %gt3A_953, %broadcast_in_dim3A_955, %select_n3A_942 : vector<16xi1>, vector<16xi32>
      %select_n3A_957 = arith.select %gt3A_952, %select_n3A_943, %select_n3A_956 : vector<16xi1>, vector<16xi32>
      %select_n3A_958 = arith.select %gt3A_952, %broadcast_in_dim3A_955, %select_n3A_943 : vector<16xi1>, vector<16xi32>
      %min3A_959 = arith.minimumf %get3A_951, %max3A_946 : vector<16xf32>
      %max3A_960 = arith.maximumf %max3A_945, %min3A_959 : vector<16xf32>
      %max3A_961 = arith.maximumf %max3A_946, %get3A_951 : vector<16xf32>
      %get3A_962 = arith.constant 61 : i32
      %get3A_963 = arith.index_cast %get3A_962 : i32 to index
      %get3A_964 = arith.index_cast %mul3A_56 : i32 to index
      %get3A_965 = tpu.vector_load %arg7[%get3A_963, %get3A_964] {strides = array<i32>} : memref<64x512xf32, #tpu.memory_space<vmem>>, vector<1x16xf32>,
      %get3A_966 = vector.shape_cast %get3A_965 : vector<1x16xf32> to vector<16xf32>
      %gt3A_967 = arith.cmpf ogt, %get3A_966, %max3A_961 : vector<16xf32>
      %gt3A_968 = arith.cmpf ogt, %get3A_966, %max3A_960 : vector<16xf32>
      %broadcast_in_dim3A_969 = arith.constant 61 : i32
      %broadcast_in_dim3A_970 = vector.broadcast %broadcast_in_dim3A_969 : i32 to vector<16xi32>
      %select_n3A_971 = arith.select %gt3A_968, %broadcast_in_dim3A_970, %select_n3A_957 : vector<16xi1>, vector<16xi32>
      %select_n3A_972 = arith.select %gt3A_967, %select_n3A_958, %select_n3A_971 : vector<16xi1>, vector<16xi32>
      %select_n3A_973 = arith.select %gt3A_967, %broadcast_in_dim3A_970, %select_n3A_958 : vector<16xi1>, vector<16xi32>
      %min3A_974 = arith.minimumf %get3A_966, %max3A_961 : vector<16xf32>
      %max3A_975 = arith.maximumf %max3A_960, %min3A_974 : vector<16xf32>
      %max3A_976 = arith.maximumf %max3A_961, %get3A_966 : vector<16xf32>
      %get3A_977 = arith.constant 62 : i32
      %get3A_978 = arith.index_cast %get3A_977 : i32 to index
      %get3A_979 = arith.index_cast %mul3A_56 : i32 to index
      %get3A_980 = tpu.vector_load %arg7[%get3A_978, %get3A_979] {strides = array<i32>} : memref<64x512xf32, #tpu.memory_space<vmem>>, vector<1x16xf32>,
      %get3A_981 = vector.shape_cast %get3A_980 : vector<1x16xf32> to vector<16xf32>
      %gt3A_982 = arith.cmpf ogt, %get3A_981, %max3A_976 : vector<16xf32>
      %gt3A_983 = arith.cmpf ogt, %get3A_981, %max3A_975 : vector<16xf32>
      %broadcast_in_dim3A_984 = arith.constant 62 : i32
      %broadcast_in_dim3A_985 = vector.broadcast %broadcast_in_dim3A_984 : i32 to vector<16xi32>
      %select_n3A_986 = arith.select %gt3A_983, %broadcast_in_dim3A_985, %select_n3A_972 : vector<16xi1>, vector<16xi32>
      %select_n3A_987 = arith.select %gt3A_982, %select_n3A_973, %select_n3A_986 : vector<16xi1>, vector<16xi32>
      %select_n3A_988 = arith.select %gt3A_982, %broadcast_in_dim3A_985, %select_n3A_973 : vector<16xi1>, vector<16xi32>
      %min3A_989 = arith.minimumf %get3A_981, %max3A_976 : vector<16xf32>
      %max3A_990 = arith.maximumf %max3A_975, %min3A_989 : vector<16xf32>
      %max3A_991 = arith.maximumf %max3A_976, %get3A_981 : vector<16xf32>
      %get3A_992 = arith.constant 63 : i32
      %get3A_993 = arith.index_cast %get3A_992 : i32 to index
      %get3A_994 = arith.index_cast %mul3A_56 : i32 to index
      %get3A_995 = tpu.vector_load %arg7[%get3A_993, %get3A_994] {strides = array<i32>} : memref<64x512xf32, #tpu.memory_space<vmem>>, vector<1x16xf32>,
      %get3A_996 = vector.shape_cast %get3A_995 : vector<1x16xf32> to vector<16xf32>
      %gt3A_997 = arith.cmpf ogt, %get3A_996, %max3A_991 : vector<16xf32>
      %gt3A_998 = arith.cmpf ogt, %get3A_996, %max3A_990 : vector<16xf32>
      %broadcast_in_dim3A_999 = arith.constant 63 : i32
      %broadcast_in_dim3A_1000 = vector.broadcast %broadcast_in_dim3A_999 : i32 to vector<16xi32>
      %select_n3A_1001 = arith.select %gt3A_998, %broadcast_in_dim3A_1000, %select_n3A_987 : vector<16xi1>, vector<16xi32>
      %select_n3A_1002 = arith.select %gt3A_997, %select_n3A_988, %select_n3A_1001 : vector<16xi1>, vector<16xi32>
      %select_n3A_1003 = arith.select %gt3A_997, %broadcast_in_dim3A_1000, %select_n3A_988 : vector<16xi1>, vector<16xi32>
      %min3A_1004 = arith.minimumf %get3A_996, %max3A_991 : vector<16xf32>
      %max3A_1005 = arith.maximumf %max3A_990, %min3A_1004 : vector<16xf32>
      %max3A_1006 = arith.maximumf %max3A_991, %get3A_996 : vector<16xf32>
      %sub3A = arith.subf %max3A_1005, %max3A_1006 : vector<16xf32>
      %exp3A = math.exp %sub3A : vector<16xf32>
      %add3A_1007 = arith.constant 1.000000e+00 : f32
      %add3A_1008 = vector.broadcast %add3A_1007 : f32 to vector<16xf32>
      %add3A_1009 = arith.addf %add3A_1008, %exp3A : vector<16xf32>
      %swap3A = arith.index_cast %mul3A_56 : i32 to index
      %swap3A_1010 = tpu.vector_load %arg8[%swap3A] {strides = array<i32>} : memref<512xi32, #tpu.memory_space<vmem>>, vector<16xi32>,
      %swap3A_1011 = vector.shape_cast %swap3A_1010 : vector<16xi32> to vector<16xi32>
      %swap3A_1012 = vector.shape_cast %select_n3A_1003 : vector<16xi32> to vector<16xi32>
      tpu.vector_store %arg8[%swap3A], %swap3A_1012 {strides = array<i32>} : memref<512xi32, #tpu.memory_space<vmem>>, vector<16xi32>,
      %swap3A_1013 = arith.index_cast %mul3A_56 : i32 to index
      %swap3A_1014 = tpu.vector_load %arg9[%swap3A_1013] {strides = array<i32>} : memref<512xi32, #tpu.memory_space<vmem>>, vector<16xi32>,
      %swap3A_1015 = vector.shape_cast %swap3A_1014 : vector<16xi32> to vector<16xi32>
      %swap3A_1016 = vector.shape_cast %select_n3A_1002 : vector<16xi32> to vector<16xi32>
      tpu.vector_store %arg9[%swap3A_1013], %swap3A_1016 {strides = array<i32>} : memref<512xi32, #tpu.memory_space<vmem>>, vector<16xi32>,
      %div3A = arith.constant 1.000000e+00 : f32
      %div3A_1017 = vector.broadcast %div3A : f32 to vector<16xf32>
      %div3A_1018 = arith.divf %div3A_1017, %add3A_1009 : vector<16xf32>
      %swap3A_1019 = arith.index_cast %mul3A_56 : i32 to index
      %swap3A_1020 = tpu.vector_load %arg10[%swap3A_1019] {strides = array<i32>} : memref<512xf32, #tpu.memory_space<vmem>>, vector<16xf32>,
      %swap3A_1021 = vector.shape_cast %swap3A_1020 : vector<16xf32> to vector<16xf32>
      %swap3A_1022 = vector.shape_cast %div3A_1018 : vector<16xf32> to vector<16xf32>
      tpu.vector_store %arg10[%swap3A_1019], %swap3A_1022 {strides = array<i32>} : memref<512xf32, #tpu.memory_space<vmem>>, vector<16xf32>,
      %div3A_1023 = arith.divf %exp3A, %add3A_1009 : vector<16xf32>
      %swap3A_1024 = arith.index_cast %mul3A_56 : i32 to index
      %swap3A_1025 = tpu.vector_load %arg11[%swap3A_1024] {strides = array<i32>} : memref<512xf32, #tpu.memory_space<vmem>>, vector<16xf32>,
      %swap3A_1026 = vector.shape_cast %swap3A_1025 : vector<16xf32> to vector<16xf32>
      %swap3A_1027 = vector.shape_cast %div3A_1023 : vector<16xf32> to vector<16xf32>
      tpu.vector_store %arg11[%swap3A_1024], %swap3A_1027 {strides = array<i32>} : memref<512xf32, #tpu.memory_space<vmem>>, vector<16xf32>,
    }
    %scan3A_37 = arith.constant 16 : i32
    %dma_wait3A_38 = arith.constant 0 : i32
    %dma_wait3A_39 = arith.constant 256 : i32
    %dma_wait3A_40 = tpu.memref_slice %arg7[%dma_wait3A_38, %dma_wait3A_39] : memref<64x512xf32, #tpu.memory_space<vmem>> -> memref<64x256xf32, #tpu.memory_space<vmem>>
    %dma_wait3A_41 = arith.constant 0 : i32
    %dma_wait3A_42 = tpu.memref_slice %arg2[%dma_wait3A_41, %add3A_13] : memref<64x16384xf32, #tpu.memory_space<hbm>> -> memref<64x256xf32, #tpu.memory_space<hbm>>
    %dma_wait3A_43 = arith.constant 0 : i32
    %dma_wait3A_44 = arith.constant 256 : i32
    %dma_wait3A_45 = tpu.memref_slice %arg7[%dma_wait3A_43, %dma_wait3A_44] : memref<64x512xf32, #tpu.memory_space<vmem>> -> memref<64x256xf32, #tpu.memory_space<vmem>>
    %dma_wait3A_46 = arith.constant 0 : i32
    %dma_wait3A_47 = tpu.memref_slice %arg2[%dma_wait3A_46, %add3A_13] : memref<64x16384xf32, #tpu.memory_space<hbm>> -> memref<64x256xf32, #tpu.memory_space<hbm>>
    tpu.wait_dma2 semaphore(%arg13 : memref<!tpu.dma_semaphore, #tpu.memory_space<semaphore_mem>>) src(%dma_wait3A_47 : memref<64x256xf32, #tpu.memory_space<hbm>>) dst(%dma_wait3A_45 : memref<64x256xf32, #tpu.memory_space<vmem>>)
    %scan3A_48 = arith.constant 0 : i32
    %scan3A_49 = arith.constant 16 : i32
    %scan3A_50 = arith.constant 16 : i32
    %scan3A_51 = arith.addi %scan3A_49, %scan3A_50 : i32
    %scan3A_52 = arith.constant 1 : i32
    scf.for %scan3A_54 = %scan3A_49 to %scan3A_51 step %scan3A_52  : i32 {
      %mul3A_55 = arith.constant 16 : i32
      %mul3A_56 = arith.muli %scan3A_54, %mul3A_55 : i32
      %get3A = arith.constant 0 : i32
      %get3A_57 = arith.index_cast %get3A : i32 to index
      %get3A_58 = arith.index_cast %mul3A_56 : i32 to index
      %get3A_59 = tpu.vector_load %arg7[%get3A_57, %get3A_58] {strides = array<i32>} : memref<64x512xf32, #tpu.memory_space<vmem>>, vector<1x16xf32>,
      %get3A_60 = vector.shape_cast %get3A_59 : vector<1x16xf32> to vector<16xf32>
      %broadcast_in_dim3A = arith.constant 0 : i32
      %broadcast_in_dim3A_61 = vector.broadcast %broadcast_in_dim3A : i32 to vector<16xi32>
      %broadcast_in_dim3A_62 = arith.constant 0xFF800000 : f32
      %broadcast_in_dim3A_63 = vector.broadcast %broadcast_in_dim3A_62 : f32 to vector<16xf32>
      %broadcast_in_dim3A_64 = arith.constant 0 : i32
      %broadcast_in_dim3A_65 = vector.broadcast %broadcast_in_dim3A_64 : i32 to vector<16xi32>
      %get3A_66 = arith.constant 1 : i32
      %get3A_67 = arith.index_cast %get3A_66 : i32 to index
      %get3A_68 = arith.index_cast %mul3A_56 : i32 to index
      %get3A_69 = tpu.vector_load %arg7[%get3A_67, %get3A_68] {strides = array<i32>} : memref<64x512xf32, #tpu.memory_space<vmem>>, vector<1x16xf32>,
      %get3A_70 = vector.shape_cast %get3A_69 : vector<1x16xf32> to vector<16xf32>
      %gt3A = arith.cmpf ogt, %get3A_70, %get3A_60 : vector<16xf32>
      %gt3A_71 = arith.cmpf ogt, %get3A_70, %broadcast_in_dim3A_63 : vector<16xf32>
      %broadcast_in_dim3A_72 = arith.constant 1 : i32
      %broadcast_in_dim3A_73 = vector.broadcast %broadcast_in_dim3A_72 : i32 to vector<16xi32>
      %select_n3A = arith.select %gt3A_71, %broadcast_in_dim3A_73, %broadcast_in_dim3A_65 : vector<16xi1>, vector<16xi32>
      %select_n3A_74 = arith.select %gt3A, %broadcast_in_dim3A_61, %select_n3A : vector<16xi1>, vector<16xi32>
      %select_n3A_75 = arith.select %gt3A, %broadcast_in_dim3A_73, %broadcast_in_dim3A_61 : vector<16xi1>, vector<16xi32>
      %min3A = arith.minimumf %get3A_70, %get3A_60 : vector<16xf32>
      %max3A = arith.maximumf %broadcast_in_dim3A_63, %min3A : vector<16xf32>
      %max3A_76 = arith.maximumf %get3A_60, %get3A_70 : vector<16xf32>
      %get3A_77 = arith.constant 2 : i32
      %get3A_78 = arith.index_cast %get3A_77 : i32 to index
      %get3A_79 = arith.index_cast %mul3A_56 : i32 to index
      %get3A_80 = tpu.vector_load %arg7[%get3A_78, %get3A_79] {strides = array<i32>} : memref<64x512xf32, #tpu.memory_space<vmem>>, vector<1x16xf32>,
      %get3A_81 = vector.shape_cast %get3A_80 : vector<1x16xf32> to vector<16xf32>
      %gt3A_82 = arith.cmpf ogt, %get3A_81, %max3A_76 : vector<16xf32>
      %gt3A_83 = arith.cmpf ogt, %get3A_81, %max3A : vector<16xf32>
      %broadcast_in_dim3A_84 = arith.constant 2 : i32
      %broadcast_in_dim3A_85 = vector.broadcast %broadcast_in_dim3A_84 : i32 to vector<16xi32>
      %select_n3A_86 = arith.select %gt3A_83, %broadcast_in_dim3A_85, %select_n3A_74 : vector<16xi1>, vector<16xi32>
      %select_n3A_87 = arith.select %gt3A_82, %select_n3A_75, %select_n3A_86 : vector<16xi1>, vector<16xi32>
      %select_n3A_88 = arith.select %gt3A_82, %broadcast_in_dim3A_85, %select_n3A_75 : vector<16xi1>, vector<16xi32>
      %min3A_89 = arith.minimumf %get3A_81, %max3A_76 : vector<16xf32>
      %max3A_90 = arith.maximumf %max3A, %min3A_89 : vector<16xf32>
      %max3A_91 = arith.maximumf %max3A_76, %get3A_81 : vector<16xf32>
      %get3A_92 = arith.constant 3 : i32
      %get3A_93 = arith.index_cast %get3A_92 : i32 to index
      %get3A_94 = arith.index_cast %mul3A_56 : i32 to index
      %get3A_95 = tpu.vector_load %arg7[%get3A_93, %get3A_94] {strides = array<i32>} : memref<64x512xf32, #tpu.memory_space<vmem>>, vector<1x16xf32>,
      %get3A_96 = vector.shape_cast %get3A_95 : vector<1x16xf32> to vector<16xf32>
      %gt3A_97 = arith.cmpf ogt, %get3A_96, %max3A_91 : vector<16xf32>
      %gt3A_98 = arith.cmpf ogt, %get3A_96, %max3A_90 : vector<16xf32>
      %broadcast_in_dim3A_99 = arith.constant 3 : i32
      %broadcast_in_dim3A_100 = vector.broadcast %broadcast_in_dim3A_99 : i32 to vector<16xi32>
      %select_n3A_101 = arith.select %gt3A_98, %broadcast_in_dim3A_100, %select_n3A_87 : vector<16xi1>, vector<16xi32>
      %select_n3A_102 = arith.select %gt3A_97, %select_n3A_88, %select_n3A_101 : vector<16xi1>, vector<16xi32>
      %select_n3A_103 = arith.select %gt3A_97, %broadcast_in_dim3A_100, %select_n3A_88 : vector<16xi1>, vector<16xi32>
      %min3A_104 = arith.minimumf %get3A_96, %max3A_91 : vector<16xf32>
      %max3A_105 = arith.maximumf %max3A_90, %min3A_104 : vector<16xf32>
      %max3A_106 = arith.maximumf %max3A_91, %get3A_96 : vector<16xf32>
      %get3A_107 = arith.constant 4 : i32
      %get3A_108 = arith.index_cast %get3A_107 : i32 to index
      %get3A_109 = arith.index_cast %mul3A_56 : i32 to index
      %get3A_110 = tpu.vector_load %arg7[%get3A_108, %get3A_109] {strides = array<i32>} : memref<64x512xf32, #tpu.memory_space<vmem>>, vector<1x16xf32>,
      %get3A_111 = vector.shape_cast %get3A_110 : vector<1x16xf32> to vector<16xf32>
      %gt3A_112 = arith.cmpf ogt, %get3A_111, %max3A_106 : vector<16xf32>
      %gt3A_113 = arith.cmpf ogt, %get3A_111, %max3A_105 : vector<16xf32>
      %broadcast_in_dim3A_114 = arith.constant 4 : i32
      %broadcast_in_dim3A_115 = vector.broadcast %broadcast_in_dim3A_114 : i32 to vector<16xi32>
      %select_n3A_116 = arith.select %gt3A_113, %broadcast_in_dim3A_115, %select_n3A_102 : vector<16xi1>, vector<16xi32>
      %select_n3A_117 = arith.select %gt3A_112, %select_n3A_103, %select_n3A_116 : vector<16xi1>, vector<16xi32>
      %select_n3A_118 = arith.select %gt3A_112, %broadcast_in_dim3A_115, %select_n3A_103 : vector<16xi1>, vector<16xi32>
      %min3A_119 = arith.minimumf %get3A_111, %max3A_106 : vector<16xf32>
      %max3A_120 = arith.maximumf %max3A_105, %min3A_119 : vector<16xf32>
      %max3A_121 = arith.maximumf %max3A_106, %get3A_111 : vector<16xf32>
      %get3A_122 = arith.constant 5 : i32
      %get3A_123 = arith.index_cast %get3A_122 : i32 to index
      %get3A_124 = arith.index_cast %mul3A_56 : i32 to index
      %get3A_125 = tpu.vector_load %arg7[%get3A_123, %get3A_124] {strides = array<i32>} : memref<64x512xf32, #tpu.memory_space<vmem>>, vector<1x16xf32>,
      %get3A_126 = vector.shape_cast %get3A_125 : vector<1x16xf32> to vector<16xf32>
      %gt3A_127 = arith.cmpf ogt, %get3A_126, %max3A_121 : vector<16xf32>
      %gt3A_128 = arith.cmpf ogt, %get3A_126, %max3A_120 : vector<16xf32>
      %broadcast_in_dim3A_129 = arith.constant 5 : i32
      %broadcast_in_dim3A_130 = vector.broadcast %broadcast_in_dim3A_129 : i32 to vector<16xi32>
      %select_n3A_131 = arith.select %gt3A_128, %broadcast_in_dim3A_130, %select_n3A_117 : vector<16xi1>, vector<16xi32>
      %select_n3A_132 = arith.select %gt3A_127, %select_n3A_118, %select_n3A_131 : vector<16xi1>, vector<16xi32>
      %select_n3A_133 = arith.select %gt3A_127, %broadcast_in_dim3A_130, %select_n3A_118 : vector<16xi1>, vector<16xi32>
      %min3A_134 = arith.minimumf %get3A_126, %max3A_121 : vector<16xf32>
      %max3A_135 = arith.maximumf %max3A_120, %min3A_134 : vector<16xf32>
      %max3A_136 = arith.maximumf %max3A_121, %get3A_126 : vector<16xf32>
      %get3A_137 = arith.constant 6 : i32
      %get3A_138 = arith.index_cast %get3A_137 : i32 to index
      %get3A_139 = arith.index_cast %mul3A_56 : i32 to index
      %get3A_140 = tpu.vector_load %arg7[%get3A_138, %get3A_139] {strides = array<i32>} : memref<64x512xf32, #tpu.memory_space<vmem>>, vector<1x16xf32>,
      %get3A_141 = vector.shape_cast %get3A_140 : vector<1x16xf32> to vector<16xf32>
      %gt3A_142 = arith.cmpf ogt, %get3A_141, %max3A_136 : vector<16xf32>
      %gt3A_143 = arith.cmpf ogt, %get3A_141, %max3A_135 : vector<16xf32>
      %broadcast_in_dim3A_144 = arith.constant 6 : i32
      %broadcast_in_dim3A_145 = vector.broadcast %broadcast_in_dim3A_144 : i32 to vector<16xi32>
      %select_n3A_146 = arith.select %gt3A_143, %broadcast_in_dim3A_145, %select_n3A_132 : vector<16xi1>, vector<16xi32>
      %select_n3A_147 = arith.select %gt3A_142, %select_n3A_133, %select_n3A_146 : vector<16xi1>, vector<16xi32>
      %select_n3A_148 = arith.select %gt3A_142, %broadcast_in_dim3A_145, %select_n3A_133 : vector<16xi1>, vector<16xi32>
      %min3A_149 = arith.minimumf %get3A_141, %max3A_136 : vector<16xf32>
      %max3A_150 = arith.maximumf %max3A_135, %min3A_149 : vector<16xf32>
      %max3A_151 = arith.maximumf %max3A_136, %get3A_141 : vector<16xf32>
      %get3A_152 = arith.constant 7 : i32
      %get3A_153 = arith.index_cast %get3A_152 : i32 to index
      %get3A_154 = arith.index_cast %mul3A_56 : i32 to index
      %get3A_155 = tpu.vector_load %arg7[%get3A_153, %get3A_154] {strides = array<i32>} : memref<64x512xf32, #tpu.memory_space<vmem>>, vector<1x16xf32>,
      %get3A_156 = vector.shape_cast %get3A_155 : vector<1x16xf32> to vector<16xf32>
      %gt3A_157 = arith.cmpf ogt, %get3A_156, %max3A_151 : vector<16xf32>
      %gt3A_158 = arith.cmpf ogt, %get3A_156, %max3A_150 : vector<16xf32>
      %broadcast_in_dim3A_159 = arith.constant 7 : i32
      %broadcast_in_dim3A_160 = vector.broadcast %broadcast_in_dim3A_159 : i32 to vector<16xi32>
      %select_n3A_161 = arith.select %gt3A_158, %broadcast_in_dim3A_160, %select_n3A_147 : vector<16xi1>, vector<16xi32>
      %select_n3A_162 = arith.select %gt3A_157, %select_n3A_148, %select_n3A_161 : vector<16xi1>, vector<16xi32>
      %select_n3A_163 = arith.select %gt3A_157, %broadcast_in_dim3A_160, %select_n3A_148 : vector<16xi1>, vector<16xi32>
      %min3A_164 = arith.minimumf %get3A_156, %max3A_151 : vector<16xf32>
      %max3A_165 = arith.maximumf %max3A_150, %min3A_164 : vector<16xf32>
      %max3A_166 = arith.maximumf %max3A_151, %get3A_156 : vector<16xf32>
      %get3A_167 = arith.constant 8 : i32
      %get3A_168 = arith.index_cast %get3A_167 : i32 to index
      %get3A_169 = arith.index_cast %mul3A_56 : i32 to index
      %get3A_170 = tpu.vector_load %arg7[%get3A_168, %get3A_169] {strides = array<i32>} : memref<64x512xf32, #tpu.memory_space<vmem>>, vector<1x16xf32>,
      %get3A_171 = vector.shape_cast %get3A_170 : vector<1x16xf32> to vector<16xf32>
      %gt3A_172 = arith.cmpf ogt, %get3A_171, %max3A_166 : vector<16xf32>
      %gt3A_173 = arith.cmpf ogt, %get3A_171, %max3A_165 : vector<16xf32>
      %broadcast_in_dim3A_174 = arith.constant 8 : i32
      %broadcast_in_dim3A_175 = vector.broadcast %broadcast_in_dim3A_174 : i32 to vector<16xi32>
      %select_n3A_176 = arith.select %gt3A_173, %broadcast_in_dim3A_175, %select_n3A_162 : vector<16xi1>, vector<16xi32>
      %select_n3A_177 = arith.select %gt3A_172, %select_n3A_163, %select_n3A_176 : vector<16xi1>, vector<16xi32>
      %select_n3A_178 = arith.select %gt3A_172, %broadcast_in_dim3A_175, %select_n3A_163 : vector<16xi1>, vector<16xi32>
      %min3A_179 = arith.minimumf %get3A_171, %max3A_166 : vector<16xf32>
      %max3A_180 = arith.maximumf %max3A_165, %min3A_179 : vector<16xf32>
      %max3A_181 = arith.maximumf %max3A_166, %get3A_171 : vector<16xf32>
      %get3A_182 = arith.constant 9 : i32
      %get3A_183 = arith.index_cast %get3A_182 : i32 to index
      %get3A_184 = arith.index_cast %mul3A_56 : i32 to index
      %get3A_185 = tpu.vector_load %arg7[%get3A_183, %get3A_184] {strides = array<i32>} : memref<64x512xf32, #tpu.memory_space<vmem>>, vector<1x16xf32>,
      %get3A_186 = vector.shape_cast %get3A_185 : vector<1x16xf32> to vector<16xf32>
      %gt3A_187 = arith.cmpf ogt, %get3A_186, %max3A_181 : vector<16xf32>
      %gt3A_188 = arith.cmpf ogt, %get3A_186, %max3A_180 : vector<16xf32>
      %broadcast_in_dim3A_189 = arith.constant 9 : i32
      %broadcast_in_dim3A_190 = vector.broadcast %broadcast_in_dim3A_189 : i32 to vector<16xi32>
      %select_n3A_191 = arith.select %gt3A_188, %broadcast_in_dim3A_190, %select_n3A_177 : vector<16xi1>, vector<16xi32>
      %select_n3A_192 = arith.select %gt3A_187, %select_n3A_178, %select_n3A_191 : vector<16xi1>, vector<16xi32>
      %select_n3A_193 = arith.select %gt3A_187, %broadcast_in_dim3A_190, %select_n3A_178 : vector<16xi1>, vector<16xi32>
      %min3A_194 = arith.minimumf %get3A_186, %max3A_181 : vector<16xf32>
      %max3A_195 = arith.maximumf %max3A_180, %min3A_194 : vector<16xf32>
      %max3A_196 = arith.maximumf %max3A_181, %get3A_186 : vector<16xf32>
      %get3A_197 = arith.constant 10 : i32
      %get3A_198 = arith.index_cast %get3A_197 : i32 to index
      %get3A_199 = arith.index_cast %mul3A_56 : i32 to index
      %get3A_200 = tpu.vector_load %arg7[%get3A_198, %get3A_199] {strides = array<i32>} : memref<64x512xf32, #tpu.memory_space<vmem>>, vector<1x16xf32>,
      %get3A_201 = vector.shape_cast %get3A_200 : vector<1x16xf32> to vector<16xf32>
      %gt3A_202 = arith.cmpf ogt, %get3A_201, %max3A_196 : vector<16xf32>
      %gt3A_203 = arith.cmpf ogt, %get3A_201, %max3A_195 : vector<16xf32>
      %broadcast_in_dim3A_204 = arith.constant 10 : i32
      %broadcast_in_dim3A_205 = vector.broadcast %broadcast_in_dim3A_204 : i32 to vector<16xi32>
      %select_n3A_206 = arith.select %gt3A_203, %broadcast_in_dim3A_205, %select_n3A_192 : vector<16xi1>, vector<16xi32>
      %select_n3A_207 = arith.select %gt3A_202, %select_n3A_193, %select_n3A_206 : vector<16xi1>, vector<16xi32>
      %select_n3A_208 = arith.select %gt3A_202, %broadcast_in_dim3A_205, %select_n3A_193 : vector<16xi1>, vector<16xi32>
      %min3A_209 = arith.minimumf %get3A_201, %max3A_196 : vector<16xf32>
      %max3A_210 = arith.maximumf %max3A_195, %min3A_209 : vector<16xf32>
      %max3A_211 = arith.maximumf %max3A_196, %get3A_201 : vector<16xf32>
      %get3A_212 = arith.constant 11 : i32
      %get3A_213 = arith.index_cast %get3A_212 : i32 to index
      %get3A_214 = arith.index_cast %mul3A_56 : i32 to index
      %get3A_215 = tpu.vector_load %arg7[%get3A_213, %get3A_214] {strides = array<i32>} : memref<64x512xf32, #tpu.memory_space<vmem>>, vector<1x16xf32>,
      %get3A_216 = vector.shape_cast %get3A_215 : vector<1x16xf32> to vector<16xf32>
      %gt3A_217 = arith.cmpf ogt, %get3A_216, %max3A_211 : vector<16xf32>
      %gt3A_218 = arith.cmpf ogt, %get3A_216, %max3A_210 : vector<16xf32>
      %broadcast_in_dim3A_219 = arith.constant 11 : i32
      %broadcast_in_dim3A_220 = vector.broadcast %broadcast_in_dim3A_219 : i32 to vector<16xi32>
      %select_n3A_221 = arith.select %gt3A_218, %broadcast_in_dim3A_220, %select_n3A_207 : vector<16xi1>, vector<16xi32>
      %select_n3A_222 = arith.select %gt3A_217, %select_n3A_208, %select_n3A_221 : vector<16xi1>, vector<16xi32>
      %select_n3A_223 = arith.select %gt3A_217, %broadcast_in_dim3A_220, %select_n3A_208 : vector<16xi1>, vector<16xi32>
      %min3A_224 = arith.minimumf %get3A_216, %max3A_211 : vector<16xf32>
      %max3A_225 = arith.maximumf %max3A_210, %min3A_224 : vector<16xf32>
      %max3A_226 = arith.maximumf %max3A_211, %get3A_216 : vector<16xf32>
      %get3A_227 = arith.constant 12 : i32
      %get3A_228 = arith.index_cast %get3A_227 : i32 to index
      %get3A_229 = arith.index_cast %mul3A_56 : i32 to index
      %get3A_230 = tpu.vector_load %arg7[%get3A_228, %get3A_229] {strides = array<i32>} : memref<64x512xf32, #tpu.memory_space<vmem>>, vector<1x16xf32>,
      %get3A_231 = vector.shape_cast %get3A_230 : vector<1x16xf32> to vector<16xf32>
      %gt3A_232 = arith.cmpf ogt, %get3A_231, %max3A_226 : vector<16xf32>
      %gt3A_233 = arith.cmpf ogt, %get3A_231, %max3A_225 : vector<16xf32>
      %broadcast_in_dim3A_234 = arith.constant 12 : i32
      %broadcast_in_dim3A_235 = vector.broadcast %broadcast_in_dim3A_234 : i32 to vector<16xi32>
      %select_n3A_236 = arith.select %gt3A_233, %broadcast_in_dim3A_235, %select_n3A_222 : vector<16xi1>, vector<16xi32>
      %select_n3A_237 = arith.select %gt3A_232, %select_n3A_223, %select_n3A_236 : vector<16xi1>, vector<16xi32>
      %select_n3A_238 = arith.select %gt3A_232, %broadcast_in_dim3A_235, %select_n3A_223 : vector<16xi1>, vector<16xi32>
      %min3A_239 = arith.minimumf %get3A_231, %max3A_226 : vector<16xf32>
      %max3A_240 = arith.maximumf %max3A_225, %min3A_239 : vector<16xf32>
      %max3A_241 = arith.maximumf %max3A_226, %get3A_231 : vector<16xf32>
      %get3A_242 = arith.constant 13 : i32
      %get3A_243 = arith.index_cast %get3A_242 : i32 to index
      %get3A_244 = arith.index_cast %mul3A_56 : i32 to index
      %get3A_245 = tpu.vector_load %arg7[%get3A_243, %get3A_244] {strides = array<i32>} : memref<64x512xf32, #tpu.memory_space<vmem>>, vector<1x16xf32>,
      %get3A_246 = vector.shape_cast %get3A_245 : vector<1x16xf32> to vector<16xf32>
      %gt3A_247 = arith.cmpf ogt, %get3A_246, %max3A_241 : vector<16xf32>
      %gt3A_248 = arith.cmpf ogt, %get3A_246, %max3A_240 : vector<16xf32>
      %broadcast_in_dim3A_249 = arith.constant 13 : i32
      %broadcast_in_dim3A_250 = vector.broadcast %broadcast_in_dim3A_249 : i32 to vector<16xi32>
      %select_n3A_251 = arith.select %gt3A_248, %broadcast_in_dim3A_250, %select_n3A_237 : vector<16xi1>, vector<16xi32>
      %select_n3A_252 = arith.select %gt3A_247, %select_n3A_238, %select_n3A_251 : vector<16xi1>, vector<16xi32>
      %select_n3A_253 = arith.select %gt3A_247, %broadcast_in_dim3A_250, %select_n3A_238 : vector<16xi1>, vector<16xi32>
      %min3A_254 = arith.minimumf %get3A_246, %max3A_241 : vector<16xf32>
      %max3A_255 = arith.maximumf %max3A_240, %min3A_254 : vector<16xf32>
      %max3A_256 = arith.maximumf %max3A_241, %get3A_246 : vector<16xf32>
      %get3A_257 = arith.constant 14 : i32
      %get3A_258 = arith.index_cast %get3A_257 : i32 to index
      %get3A_259 = arith.index_cast %mul3A_56 : i32 to index
      %get3A_260 = tpu.vector_load %arg7[%get3A_258, %get3A_259] {strides = array<i32>} : memref<64x512xf32, #tpu.memory_space<vmem>>, vector<1x16xf32>,
      %get3A_261 = vector.shape_cast %get3A_260 : vector<1x16xf32> to vector<16xf32>
      %gt3A_262 = arith.cmpf ogt, %get3A_261, %max3A_256 : vector<16xf32>
      %gt3A_263 = arith.cmpf ogt, %get3A_261, %max3A_255 : vector<16xf32>
      %broadcast_in_dim3A_264 = arith.constant 14 : i32
      %broadcast_in_dim3A_265 = vector.broadcast %broadcast_in_dim3A_264 : i32 to vector<16xi32>
      %select_n3A_266 = arith.select %gt3A_263, %broadcast_in_dim3A_265, %select_n3A_252 : vector<16xi1>, vector<16xi32>
      %select_n3A_267 = arith.select %gt3A_262, %select_n3A_253, %select_n3A_266 : vector<16xi1>, vector<16xi32>
      %select_n3A_268 = arith.select %gt3A_262, %broadcast_in_dim3A_265, %select_n3A_253 : vector<16xi1>, vector<16xi32>
      %min3A_269 = arith.minimumf %get3A_261, %max3A_256 : vector<16xf32>
      %max3A_270 = arith.maximumf %max3A_255, %min3A_269 : vector<16xf32>
      %max3A_271 = arith.maximumf %max3A_256, %get3A_261 : vector<16xf32>
      %get3A_272 = arith.constant 15 : i32
      %get3A_273 = arith.index_cast %get3A_272 : i32 to index
      %get3A_274 = arith.index_cast %mul3A_56 : i32 to index
      %get3A_275 = tpu.vector_load %arg7[%get3A_273, %get3A_274] {strides = array<i32>} : memref<64x512xf32, #tpu.memory_space<vmem>>, vector<1x16xf32>,
      %get3A_276 = vector.shape_cast %get3A_275 : vector<1x16xf32> to vector<16xf32>
      %gt3A_277 = arith.cmpf ogt, %get3A_276, %max3A_271 : vector<16xf32>
      %gt3A_278 = arith.cmpf ogt, %get3A_276, %max3A_270 : vector<16xf32>
      %broadcast_in_dim3A_279 = arith.constant 15 : i32
      %broadcast_in_dim3A_280 = vector.broadcast %broadcast_in_dim3A_279 : i32 to vector<16xi32>
      %select_n3A_281 = arith.select %gt3A_278, %broadcast_in_dim3A_280, %select_n3A_267 : vector<16xi1>, vector<16xi32>
      %select_n3A_282 = arith.select %gt3A_277, %select_n3A_268, %select_n3A_281 : vector<16xi1>, vector<16xi32>
      %select_n3A_283 = arith.select %gt3A_277, %broadcast_in_dim3A_280, %select_n3A_268 : vector<16xi1>, vector<16xi32>
      %min3A_284 = arith.minimumf %get3A_276, %max3A_271 : vector<16xf32>
      %max3A_285 = arith.maximumf %max3A_270, %min3A_284 : vector<16xf32>
      %max3A_286 = arith.maximumf %max3A_271, %get3A_276 : vector<16xf32>
      %get3A_287 = arith.constant 16 : i32
      %get3A_288 = arith.index_cast %get3A_287 : i32 to index
      %get3A_289 = arith.index_cast %mul3A_56 : i32 to index
      %get3A_290 = tpu.vector_load %arg7[%get3A_288, %get3A_289] {strides = array<i32>} : memref<64x512xf32, #tpu.memory_space<vmem>>, vector<1x16xf32>,
      %get3A_291 = vector.shape_cast %get3A_290 : vector<1x16xf32> to vector<16xf32>
      %gt3A_292 = arith.cmpf ogt, %get3A_291, %max3A_286 : vector<16xf32>
      %gt3A_293 = arith.cmpf ogt, %get3A_291, %max3A_285 : vector<16xf32>
      %broadcast_in_dim3A_294 = arith.constant 16 : i32
      %broadcast_in_dim3A_295 = vector.broadcast %broadcast_in_dim3A_294 : i32 to vector<16xi32>
      %select_n3A_296 = arith.select %gt3A_293, %broadcast_in_dim3A_295, %select_n3A_282 : vector<16xi1>, vector<16xi32>
      %select_n3A_297 = arith.select %gt3A_292, %select_n3A_283, %select_n3A_296 : vector<16xi1>, vector<16xi32>
      %select_n3A_298 = arith.select %gt3A_292, %broadcast_in_dim3A_295, %select_n3A_283 : vector<16xi1>, vector<16xi32>
      %min3A_299 = arith.minimumf %get3A_291, %max3A_286 : vector<16xf32>
      %max3A_300 = arith.maximumf %max3A_285, %min3A_299 : vector<16xf32>
      %max3A_301 = arith.maximumf %max3A_286, %get3A_291 : vector<16xf32>
      %get3A_302 = arith.constant 17 : i32
      %get3A_303 = arith.index_cast %get3A_302 : i32 to index
      %get3A_304 = arith.index_cast %mul3A_56 : i32 to index
      %get3A_305 = tpu.vector_load %arg7[%get3A_303, %get3A_304] {strides = array<i32>} : memref<64x512xf32, #tpu.memory_space<vmem>>, vector<1x16xf32>,
      %get3A_306 = vector.shape_cast %get3A_305 : vector<1x16xf32> to vector<16xf32>
      %gt3A_307 = arith.cmpf ogt, %get3A_306, %max3A_301 : vector<16xf32>
      %gt3A_308 = arith.cmpf ogt, %get3A_306, %max3A_300 : vector<16xf32>
      %broadcast_in_dim3A_309 = arith.constant 17 : i32
      %broadcast_in_dim3A_310 = vector.broadcast %broadcast_in_dim3A_309 : i32 to vector<16xi32>
      %select_n3A_311 = arith.select %gt3A_308, %broadcast_in_dim3A_310, %select_n3A_297 : vector<16xi1>, vector<16xi32>
      %select_n3A_312 = arith.select %gt3A_307, %select_n3A_298, %select_n3A_311 : vector<16xi1>, vector<16xi32>
      %select_n3A_313 = arith.select %gt3A_307, %broadcast_in_dim3A_310, %select_n3A_298 : vector<16xi1>, vector<16xi32>
      %min3A_314 = arith.minimumf %get3A_306, %max3A_301 : vector<16xf32>
      %max3A_315 = arith.maximumf %max3A_300, %min3A_314 : vector<16xf32>
      %max3A_316 = arith.maximumf %max3A_301, %get3A_306 : vector<16xf32>
      %get3A_317 = arith.constant 18 : i32
      %get3A_318 = arith.index_cast %get3A_317 : i32 to index
      %get3A_319 = arith.index_cast %mul3A_56 : i32 to index
      %get3A_320 = tpu.vector_load %arg7[%get3A_318, %get3A_319] {strides = array<i32>} : memref<64x512xf32, #tpu.memory_space<vmem>>, vector<1x16xf32>,
      %get3A_321 = vector.shape_cast %get3A_320 : vector<1x16xf32> to vector<16xf32>
      %gt3A_322 = arith.cmpf ogt, %get3A_321, %max3A_316 : vector<16xf32>
      %gt3A_323 = arith.cmpf ogt, %get3A_321, %max3A_315 : vector<16xf32>
      %broadcast_in_dim3A_324 = arith.constant 18 : i32
      %broadcast_in_dim3A_325 = vector.broadcast %broadcast_in_dim3A_324 : i32 to vector<16xi32>
      %select_n3A_326 = arith.select %gt3A_323, %broadcast_in_dim3A_325, %select_n3A_312 : vector<16xi1>, vector<16xi32>
      %select_n3A_327 = arith.select %gt3A_322, %select_n3A_313, %select_n3A_326 : vector<16xi1>, vector<16xi32>
      %select_n3A_328 = arith.select %gt3A_322, %broadcast_in_dim3A_325, %select_n3A_313 : vector<16xi1>, vector<16xi32>
      %min3A_329 = arith.minimumf %get3A_321, %max3A_316 : vector<16xf32>
      %max3A_330 = arith.maximumf %max3A_315, %min3A_329 : vector<16xf32>
      %max3A_331 = arith.maximumf %max3A_316, %get3A_321 : vector<16xf32>
      %get3A_332 = arith.constant 19 : i32
      %get3A_333 = arith.index_cast %get3A_332 : i32 to index
      %get3A_334 = arith.index_cast %mul3A_56 : i32 to index
      %get3A_335 = tpu.vector_load %arg7[%get3A_333, %get3A_334] {strides = array<i32>} : memref<64x512xf32, #tpu.memory_space<vmem>>, vector<1x16xf32>,
      %get3A_336 = vector.shape_cast %get3A_335 : vector<1x16xf32> to vector<16xf32>
      %gt3A_337 = arith.cmpf ogt, %get3A_336, %max3A_331 : vector<16xf32>
      %gt3A_338 = arith.cmpf ogt, %get3A_336, %max3A_330 : vector<16xf32>
      %broadcast_in_dim3A_339 = arith.constant 19 : i32
      %broadcast_in_dim3A_340 = vector.broadcast %broadcast_in_dim3A_339 : i32 to vector<16xi32>
      %select_n3A_341 = arith.select %gt3A_338, %broadcast_in_dim3A_340, %select_n3A_327 : vector<16xi1>, vector<16xi32>
      %select_n3A_342 = arith.select %gt3A_337, %select_n3A_328, %select_n3A_341 : vector<16xi1>, vector<16xi32>
      %select_n3A_343 = arith.select %gt3A_337, %broadcast_in_dim3A_340, %select_n3A_328 : vector<16xi1>, vector<16xi32>
      %min3A_344 = arith.minimumf %get3A_336, %max3A_331 : vector<16xf32>
      %max3A_345 = arith.maximumf %max3A_330, %min3A_344 : vector<16xf32>
      %max3A_346 = arith.maximumf %max3A_331, %get3A_336 : vector<16xf32>
      %get3A_347 = arith.constant 20 : i32
      %get3A_348 = arith.index_cast %get3A_347 : i32 to index
      %get3A_349 = arith.index_cast %mul3A_56 : i32 to index
      %get3A_350 = tpu.vector_load %arg7[%get3A_348, %get3A_349] {strides = array<i32>} : memref<64x512xf32, #tpu.memory_space<vmem>>, vector<1x16xf32>,
      %get3A_351 = vector.shape_cast %get3A_350 : vector<1x16xf32> to vector<16xf32>
      %gt3A_352 = arith.cmpf ogt, %get3A_351, %max3A_346 : vector<16xf32>
      %gt3A_353 = arith.cmpf ogt, %get3A_351, %max3A_345 : vector<16xf32>
      %broadcast_in_dim3A_354 = arith.constant 20 : i32
      %broadcast_in_dim3A_355 = vector.broadcast %broadcast_in_dim3A_354 : i32 to vector<16xi32>
      %select_n3A_356 = arith.select %gt3A_353, %broadcast_in_dim3A_355, %select_n3A_342 : vector<16xi1>, vector<16xi32>
      %select_n3A_357 = arith.select %gt3A_352, %select_n3A_343, %select_n3A_356 : vector<16xi1>, vector<16xi32>
      %select_n3A_358 = arith.select %gt3A_352, %broadcast_in_dim3A_355, %select_n3A_343 : vector<16xi1>, vector<16xi32>
      %min3A_359 = arith.minimumf %get3A_351, %max3A_346 : vector<16xf32>
      %max3A_360 = arith.maximumf %max3A_345, %min3A_359 : vector<16xf32>
      %max3A_361 = arith.maximumf %max3A_346, %get3A_351 : vector<16xf32>
      %get3A_362 = arith.constant 21 : i32
      %get3A_363 = arith.index_cast %get3A_362 : i32 to index
      %get3A_364 = arith.index_cast %mul3A_56 : i32 to index
      %get3A_365 = tpu.vector_load %arg7[%get3A_363, %get3A_364] {strides = array<i32>} : memref<64x512xf32, #tpu.memory_space<vmem>>, vector<1x16xf32>,
      %get3A_366 = vector.shape_cast %get3A_365 : vector<1x16xf32> to vector<16xf32>
      %gt3A_367 = arith.cmpf ogt, %get3A_366, %max3A_361 : vector<16xf32>
      %gt3A_368 = arith.cmpf ogt, %get3A_366, %max3A_360 : vector<16xf32>
      %broadcast_in_dim3A_369 = arith.constant 21 : i32
      %broadcast_in_dim3A_370 = vector.broadcast %broadcast_in_dim3A_369 : i32 to vector<16xi32>
      %select_n3A_371 = arith.select %gt3A_368, %broadcast_in_dim3A_370, %select_n3A_357 : vector<16xi1>, vector<16xi32>
      %select_n3A_372 = arith.select %gt3A_367, %select_n3A_358, %select_n3A_371 : vector<16xi1>, vector<16xi32>
      %select_n3A_373 = arith.select %gt3A_367, %broadcast_in_dim3A_370, %select_n3A_358 : vector<16xi1>, vector<16xi32>
      %min3A_374 = arith.minimumf %get3A_366, %max3A_361 : vector<16xf32>
      %max3A_375 = arith.maximumf %max3A_360, %min3A_374 : vector<16xf32>
      %max3A_376 = arith.maximumf %max3A_361, %get3A_366 : vector<16xf32>
      %get3A_377 = arith.constant 22 : i32
      %get3A_378 = arith.index_cast %get3A_377 : i32 to index
      %get3A_379 = arith.index_cast %mul3A_56 : i32 to index
      %get3A_380 = tpu.vector_load %arg7[%get3A_378, %get3A_379] {strides = array<i32>} : memref<64x512xf32, #tpu.memory_space<vmem>>, vector<1x16xf32>,
      %get3A_381 = vector.shape_cast %get3A_380 : vector<1x16xf32> to vector<16xf32>
      %gt3A_382 = arith.cmpf ogt, %get3A_381, %max3A_376 : vector<16xf32>
      %gt3A_383 = arith.cmpf ogt, %get3A_381, %max3A_375 : vector<16xf32>
      %broadcast_in_dim3A_384 = arith.constant 22 : i32
      %broadcast_in_dim3A_385 = vector.broadcast %broadcast_in_dim3A_384 : i32 to vector<16xi32>
      %select_n3A_386 = arith.select %gt3A_383, %broadcast_in_dim3A_385, %select_n3A_372 : vector<16xi1>, vector<16xi32>
      %select_n3A_387 = arith.select %gt3A_382, %select_n3A_373, %select_n3A_386 : vector<16xi1>, vector<16xi32>
      %select_n3A_388 = arith.select %gt3A_382, %broadcast_in_dim3A_385, %select_n3A_373 : vector<16xi1>, vector<16xi32>
      %min3A_389 = arith.minimumf %get3A_381, %max3A_376 : vector<16xf32>
      %max3A_390 = arith.maximumf %max3A_375, %min3A_389 : vector<16xf32>
      %max3A_391 = arith.maximumf %max3A_376, %get3A_381 : vector<16xf32>
      %get3A_392 = arith.constant 23 : i32
      %get3A_393 = arith.index_cast %get3A_392 : i32 to index
      %get3A_394 = arith.index_cast %mul3A_56 : i32 to index
      %get3A_395 = tpu.vector_load %arg7[%get3A_393, %get3A_394] {strides = array<i32>} : memref<64x512xf32, #tpu.memory_space<vmem>>, vector<1x16xf32>,
      %get3A_396 = vector.shape_cast %get3A_395 : vector<1x16xf32> to vector<16xf32>
      %gt3A_397 = arith.cmpf ogt, %get3A_396, %max3A_391 : vector<16xf32>
      %gt3A_398 = arith.cmpf ogt, %get3A_396, %max3A_390 : vector<16xf32>
      %broadcast_in_dim3A_399 = arith.constant 23 : i32
      %broadcast_in_dim3A_400 = vector.broadcast %broadcast_in_dim3A_399 : i32 to vector<16xi32>
      %select_n3A_401 = arith.select %gt3A_398, %broadcast_in_dim3A_400, %select_n3A_387 : vector<16xi1>, vector<16xi32>
      %select_n3A_402 = arith.select %gt3A_397, %select_n3A_388, %select_n3A_401 : vector<16xi1>, vector<16xi32>
      %select_n3A_403 = arith.select %gt3A_397, %broadcast_in_dim3A_400, %select_n3A_388 : vector<16xi1>, vector<16xi32>
      %min3A_404 = arith.minimumf %get3A_396, %max3A_391 : vector<16xf32>
      %max3A_405 = arith.maximumf %max3A_390, %min3A_404 : vector<16xf32>
      %max3A_406 = arith.maximumf %max3A_391, %get3A_396 : vector<16xf32>
      %get3A_407 = arith.constant 24 : i32
      %get3A_408 = arith.index_cast %get3A_407 : i32 to index
      %get3A_409 = arith.index_cast %mul3A_56 : i32 to index
      %get3A_410 = tpu.vector_load %arg7[%get3A_408, %get3A_409] {strides = array<i32>} : memref<64x512xf32, #tpu.memory_space<vmem>>, vector<1x16xf32>,
      %get3A_411 = vector.shape_cast %get3A_410 : vector<1x16xf32> to vector<16xf32>
      %gt3A_412 = arith.cmpf ogt, %get3A_411, %max3A_406 : vector<16xf32>
      %gt3A_413 = arith.cmpf ogt, %get3A_411, %max3A_405 : vector<16xf32>
      %broadcast_in_dim3A_414 = arith.constant 24 : i32
      %broadcast_in_dim3A_415 = vector.broadcast %broadcast_in_dim3A_414 : i32 to vector<16xi32>
      %select_n3A_416 = arith.select %gt3A_413, %broadcast_in_dim3A_415, %select_n3A_402 : vector<16xi1>, vector<16xi32>
      %select_n3A_417 = arith.select %gt3A_412, %select_n3A_403, %select_n3A_416 : vector<16xi1>, vector<16xi32>
      %select_n3A_418 = arith.select %gt3A_412, %broadcast_in_dim3A_415, %select_n3A_403 : vector<16xi1>, vector<16xi32>
      %min3A_419 = arith.minimumf %get3A_411, %max3A_406 : vector<16xf32>
      %max3A_420 = arith.maximumf %max3A_405, %min3A_419 : vector<16xf32>
      %max3A_421 = arith.maximumf %max3A_406, %get3A_411 : vector<16xf32>
      %get3A_422 = arith.constant 25 : i32
      %get3A_423 = arith.index_cast %get3A_422 : i32 to index
      %get3A_424 = arith.index_cast %mul3A_56 : i32 to index
      %get3A_425 = tpu.vector_load %arg7[%get3A_423, %get3A_424] {strides = array<i32>} : memref<64x512xf32, #tpu.memory_space<vmem>>, vector<1x16xf32>,
      %get3A_426 = vector.shape_cast %get3A_425 : vector<1x16xf32> to vector<16xf32>
      %gt3A_427 = arith.cmpf ogt, %get3A_426, %max3A_421 : vector<16xf32>
      %gt3A_428 = arith.cmpf ogt, %get3A_426, %max3A_420 : vector<16xf32>
      %broadcast_in_dim3A_429 = arith.constant 25 : i32
      %broadcast_in_dim3A_430 = vector.broadcast %broadcast_in_dim3A_429 : i32 to vector<16xi32>
      %select_n3A_431 = arith.select %gt3A_428, %broadcast_in_dim3A_430, %select_n3A_417 : vector<16xi1>, vector<16xi32>
      %select_n3A_432 = arith.select %gt3A_427, %select_n3A_418, %select_n3A_431 : vector<16xi1>, vector<16xi32>
      %select_n3A_433 = arith.select %gt3A_427, %broadcast_in_dim3A_430, %select_n3A_418 : vector<16xi1>, vector<16xi32>
      %min3A_434 = arith.minimumf %get3A_426, %max3A_421 : vector<16xf32>
      %max3A_435 = arith.maximumf %max3A_420, %min3A_434 : vector<16xf32>
      %max3A_436 = arith.maximumf %max3A_421, %get3A_426 : vector<16xf32>
      %get3A_437 = arith.constant 26 : i32
      %get3A_438 = arith.index_cast %get3A_437 : i32 to index
      %get3A_439 = arith.index_cast %mul3A_56 : i32 to index
      %get3A_440 = tpu.vector_load %arg7[%get3A_438, %get3A_439] {strides = array<i32>} : memref<64x512xf32, #tpu.memory_space<vmem>>, vector<1x16xf32>,
      %get3A_441 = vector.shape_cast %get3A_440 : vector<1x16xf32> to vector<16xf32>
      %gt3A_442 = arith.cmpf ogt, %get3A_441, %max3A_436 : vector<16xf32>
      %gt3A_443 = arith.cmpf ogt, %get3A_441, %max3A_435 : vector<16xf32>
      %broadcast_in_dim3A_444 = arith.constant 26 : i32
      %broadcast_in_dim3A_445 = vector.broadcast %broadcast_in_dim3A_444 : i32 to vector<16xi32>
      %select_n3A_446 = arith.select %gt3A_443, %broadcast_in_dim3A_445, %select_n3A_432 : vector<16xi1>, vector<16xi32>
      %select_n3A_447 = arith.select %gt3A_442, %select_n3A_433, %select_n3A_446 : vector<16xi1>, vector<16xi32>
      %select_n3A_448 = arith.select %gt3A_442, %broadcast_in_dim3A_445, %select_n3A_433 : vector<16xi1>, vector<16xi32>
      %min3A_449 = arith.minimumf %get3A_441, %max3A_436 : vector<16xf32>
      %max3A_450 = arith.maximumf %max3A_435, %min3A_449 : vector<16xf32>
      %max3A_451 = arith.maximumf %max3A_436, %get3A_441 : vector<16xf32>
      %get3A_452 = arith.constant 27 : i32
      %get3A_453 = arith.index_cast %get3A_452 : i32 to index
      %get3A_454 = arith.index_cast %mul3A_56 : i32 to index
      %get3A_455 = tpu.vector_load %arg7[%get3A_453, %get3A_454] {strides = array<i32>} : memref<64x512xf32, #tpu.memory_space<vmem>>, vector<1x16xf32>,
      %get3A_456 = vector.shape_cast %get3A_455 : vector<1x16xf32> to vector<16xf32>
      %gt3A_457 = arith.cmpf ogt, %get3A_456, %max3A_451 : vector<16xf32>
      %gt3A_458 = arith.cmpf ogt, %get3A_456, %max3A_450 : vector<16xf32>
      %broadcast_in_dim3A_459 = arith.constant 27 : i32
      %broadcast_in_dim3A_460 = vector.broadcast %broadcast_in_dim3A_459 : i32 to vector<16xi32>
      %select_n3A_461 = arith.select %gt3A_458, %broadcast_in_dim3A_460, %select_n3A_447 : vector<16xi1>, vector<16xi32>
      %select_n3A_462 = arith.select %gt3A_457, %select_n3A_448, %select_n3A_461 : vector<16xi1>, vector<16xi32>
      %select_n3A_463 = arith.select %gt3A_457, %broadcast_in_dim3A_460, %select_n3A_448 : vector<16xi1>, vector<16xi32>
      %min3A_464 = arith.minimumf %get3A_456, %max3A_451 : vector<16xf32>
      %max3A_465 = arith.maximumf %max3A_450, %min3A_464 : vector<16xf32>
      %max3A_466 = arith.maximumf %max3A_451, %get3A_456 : vector<16xf32>
      %get3A_467 = arith.constant 28 : i32
      %get3A_468 = arith.index_cast %get3A_467 : i32 to index
      %get3A_469 = arith.index_cast %mul3A_56 : i32 to index
      %get3A_470 = tpu.vector_load %arg7[%get3A_468, %get3A_469] {strides = array<i32>} : memref<64x512xf32, #tpu.memory_space<vmem>>, vector<1x16xf32>,
      %get3A_471 = vector.shape_cast %get3A_470 : vector<1x16xf32> to vector<16xf32>
      %gt3A_472 = arith.cmpf ogt, %get3A_471, %max3A_466 : vector<16xf32>
      %gt3A_473 = arith.cmpf ogt, %get3A_471, %max3A_465 : vector<16xf32>
      %broadcast_in_dim3A_474 = arith.constant 28 : i32
      %broadcast_in_dim3A_475 = vector.broadcast %broadcast_in_dim3A_474 : i32 to vector<16xi32>
      %select_n3A_476 = arith.select %gt3A_473, %broadcast_in_dim3A_475, %select_n3A_462 : vector<16xi1>, vector<16xi32>
      %select_n3A_477 = arith.select %gt3A_472, %select_n3A_463, %select_n3A_476 : vector<16xi1>, vector<16xi32>
      %select_n3A_478 = arith.select %gt3A_472, %broadcast_in_dim3A_475, %select_n3A_463 : vector<16xi1>, vector<16xi32>
      %min3A_479 = arith.minimumf %get3A_471, %max3A_466 : vector<16xf32>
      %max3A_480 = arith.maximumf %max3A_465, %min3A_479 : vector<16xf32>
      %max3A_481 = arith.maximumf %max3A_466, %get3A_471 : vector<16xf32>
      %get3A_482 = arith.constant 29 : i32
      %get3A_483 = arith.index_cast %get3A_482 : i32 to index
      %get3A_484 = arith.index_cast %mul3A_56 : i32 to index
      %get3A_485 = tpu.vector_load %arg7[%get3A_483, %get3A_484] {strides = array<i32>} : memref<64x512xf32, #tpu.memory_space<vmem>>, vector<1x16xf32>,
      %get3A_486 = vector.shape_cast %get3A_485 : vector<1x16xf32> to vector<16xf32>
      %gt3A_487 = arith.cmpf ogt, %get3A_486, %max3A_481 : vector<16xf32>
      %gt3A_488 = arith.cmpf ogt, %get3A_486, %max3A_480 : vector<16xf32>
      %broadcast_in_dim3A_489 = arith.constant 29 : i32
      %broadcast_in_dim3A_490 = vector.broadcast %broadcast_in_dim3A_489 : i32 to vector<16xi32>
      %select_n3A_491 = arith.select %gt3A_488, %broadcast_in_dim3A_490, %select_n3A_477 : vector<16xi1>, vector<16xi32>
      %select_n3A_492 = arith.select %gt3A_487, %select_n3A_478, %select_n3A_491 : vector<16xi1>, vector<16xi32>
      %select_n3A_493 = arith.select %gt3A_487, %broadcast_in_dim3A_490, %select_n3A_478 : vector<16xi1>, vector<16xi32>
      %min3A_494 = arith.minimumf %get3A_486, %max3A_481 : vector<16xf32>
      %max3A_495 = arith.maximumf %max3A_480, %min3A_494 : vector<16xf32>
      %max3A_496 = arith.maximumf %max3A_481, %get3A_486 : vector<16xf32>
      %get3A_497 = arith.constant 30 : i32
      %get3A_498 = arith.index_cast %get3A_497 : i32 to index
      %get3A_499 = arith.index_cast %mul3A_56 : i32 to index
      %get3A_500 = tpu.vector_load %arg7[%get3A_498, %get3A_499] {strides = array<i32>} : memref<64x512xf32, #tpu.memory_space<vmem>>, vector<1x16xf32>,
      %get3A_501 = vector.shape_cast %get3A_500 : vector<1x16xf32> to vector<16xf32>
      %gt3A_502 = arith.cmpf ogt, %get3A_501, %max3A_496 : vector<16xf32>
      %gt3A_503 = arith.cmpf ogt, %get3A_501, %max3A_495 : vector<16xf32>
      %broadcast_in_dim3A_504 = arith.constant 30 : i32
      %broadcast_in_dim3A_505 = vector.broadcast %broadcast_in_dim3A_504 : i32 to vector<16xi32>
      %select_n3A_506 = arith.select %gt3A_503, %broadcast_in_dim3A_505, %select_n3A_492 : vector<16xi1>, vector<16xi32>
      %select_n3A_507 = arith.select %gt3A_502, %select_n3A_493, %select_n3A_506 : vector<16xi1>, vector<16xi32>
      %select_n3A_508 = arith.select %gt3A_502, %broadcast_in_dim3A_505, %select_n3A_493 : vector<16xi1>, vector<16xi32>
      %min3A_509 = arith.minimumf %get3A_501, %max3A_496 : vector<16xf32>
      %max3A_510 = arith.maximumf %max3A_495, %min3A_509 : vector<16xf32>
      %max3A_511 = arith.maximumf %max3A_496, %get3A_501 : vector<16xf32>
      %get3A_512 = arith.constant 31 : i32
      %get3A_513 = arith.index_cast %get3A_512 : i32 to index
      %get3A_514 = arith.index_cast %mul3A_56 : i32 to index
      %get3A_515 = tpu.vector_load %arg7[%get3A_513, %get3A_514] {strides = array<i32>} : memref<64x512xf32, #tpu.memory_space<vmem>>, vector<1x16xf32>,
      %get3A_516 = vector.shape_cast %get3A_515 : vector<1x16xf32> to vector<16xf32>
      %gt3A_517 = arith.cmpf ogt, %get3A_516, %max3A_511 : vector<16xf32>
      %gt3A_518 = arith.cmpf ogt, %get3A_516, %max3A_510 : vector<16xf32>
      %broadcast_in_dim3A_519 = arith.constant 31 : i32
      %broadcast_in_dim3A_520 = vector.broadcast %broadcast_in_dim3A_519 : i32 to vector<16xi32>
      %select_n3A_521 = arith.select %gt3A_518, %broadcast_in_dim3A_520, %select_n3A_507 : vector<16xi1>, vector<16xi32>
      %select_n3A_522 = arith.select %gt3A_517, %select_n3A_508, %select_n3A_521 : vector<16xi1>, vector<16xi32>
      %select_n3A_523 = arith.select %gt3A_517, %broadcast_in_dim3A_520, %select_n3A_508 : vector<16xi1>, vector<16xi32>
      %min3A_524 = arith.minimumf %get3A_516, %max3A_511 : vector<16xf32>
      %max3A_525 = arith.maximumf %max3A_510, %min3A_524 : vector<16xf32>
      %max3A_526 = arith.maximumf %max3A_511, %get3A_516 : vector<16xf32>
      %get3A_527 = arith.constant 32 : i32
      %get3A_528 = arith.index_cast %get3A_527 : i32 to index
      %get3A_529 = arith.index_cast %mul3A_56 : i32 to index
      %get3A_530 = tpu.vector_load %arg7[%get3A_528, %get3A_529] {strides = array<i32>} : memref<64x512xf32, #tpu.memory_space<vmem>>, vector<1x16xf32>,
      %get3A_531 = vector.shape_cast %get3A_530 : vector<1x16xf32> to vector<16xf32>
      %gt3A_532 = arith.cmpf ogt, %get3A_531, %max3A_526 : vector<16xf32>
      %gt3A_533 = arith.cmpf ogt, %get3A_531, %max3A_525 : vector<16xf32>
      %broadcast_in_dim3A_534 = arith.constant 32 : i32
      %broadcast_in_dim3A_535 = vector.broadcast %broadcast_in_dim3A_534 : i32 to vector<16xi32>
      %select_n3A_536 = arith.select %gt3A_533, %broadcast_in_dim3A_535, %select_n3A_522 : vector<16xi1>, vector<16xi32>
      %select_n3A_537 = arith.select %gt3A_532, %select_n3A_523, %select_n3A_536 : vector<16xi1>, vector<16xi32>
      %select_n3A_538 = arith.select %gt3A_532, %broadcast_in_dim3A_535, %select_n3A_523 : vector<16xi1>, vector<16xi32>
      %min3A_539 = arith.minimumf %get3A_531, %max3A_526 : vector<16xf32>
      %max3A_540 = arith.maximumf %max3A_525, %min3A_539 : vector<16xf32>
      %max3A_541 = arith.maximumf %max3A_526, %get3A_531 : vector<16xf32>
      %get3A_542 = arith.constant 33 : i32
      %get3A_543 = arith.index_cast %get3A_542 : i32 to index
      %get3A_544 = arith.index_cast %mul3A_56 : i32 to index
      %get3A_545 = tpu.vector_load %arg7[%get3A_543, %get3A_544] {strides = array<i32>} : memref<64x512xf32, #tpu.memory_space<vmem>>, vector<1x16xf32>,
      %get3A_546 = vector.shape_cast %get3A_545 : vector<1x16xf32> to vector<16xf32>
      %gt3A_547 = arith.cmpf ogt, %get3A_546, %max3A_541 : vector<16xf32>
      %gt3A_548 = arith.cmpf ogt, %get3A_546, %max3A_540 : vector<16xf32>
      %broadcast_in_dim3A_549 = arith.constant 33 : i32
      %broadcast_in_dim3A_550 = vector.broadcast %broadcast_in_dim3A_549 : i32 to vector<16xi32>
      %select_n3A_551 = arith.select %gt3A_548, %broadcast_in_dim3A_550, %select_n3A_537 : vector<16xi1>, vector<16xi32>
      %select_n3A_552 = arith.select %gt3A_547, %select_n3A_538, %select_n3A_551 : vector<16xi1>, vector<16xi32>
      %select_n3A_553 = arith.select %gt3A_547, %broadcast_in_dim3A_550, %select_n3A_538 : vector<16xi1>, vector<16xi32>
      %min3A_554 = arith.minimumf %get3A_546, %max3A_541 : vector<16xf32>
      %max3A_555 = arith.maximumf %max3A_540, %min3A_554 : vector<16xf32>
      %max3A_556 = arith.maximumf %max3A_541, %get3A_546 : vector<16xf32>
      %get3A_557 = arith.constant 34 : i32
      %get3A_558 = arith.index_cast %get3A_557 : i32 to index
      %get3A_559 = arith.index_cast %mul3A_56 : i32 to index
      %get3A_560 = tpu.vector_load %arg7[%get3A_558, %get3A_559] {strides = array<i32>} : memref<64x512xf32, #tpu.memory_space<vmem>>, vector<1x16xf32>,
      %get3A_561 = vector.shape_cast %get3A_560 : vector<1x16xf32> to vector<16xf32>
      %gt3A_562 = arith.cmpf ogt, %get3A_561, %max3A_556 : vector<16xf32>
      %gt3A_563 = arith.cmpf ogt, %get3A_561, %max3A_555 : vector<16xf32>
      %broadcast_in_dim3A_564 = arith.constant 34 : i32
      %broadcast_in_dim3A_565 = vector.broadcast %broadcast_in_dim3A_564 : i32 to vector<16xi32>
      %select_n3A_566 = arith.select %gt3A_563, %broadcast_in_dim3A_565, %select_n3A_552 : vector<16xi1>, vector<16xi32>
      %select_n3A_567 = arith.select %gt3A_562, %select_n3A_553, %select_n3A_566 : vector<16xi1>, vector<16xi32>
      %select_n3A_568 = arith.select %gt3A_562, %broadcast_in_dim3A_565, %select_n3A_553 : vector<16xi1>, vector<16xi32>
      %min3A_569 = arith.minimumf %get3A_561, %max3A_556 : vector<16xf32>
      %max3A_570 = arith.maximumf %max3A_555, %min3A_569 : vector<16xf32>
      %max3A_571 = arith.maximumf %max3A_556, %get3A_561 : vector<16xf32>
      %get3A_572 = arith.constant 35 : i32
      %get3A_573 = arith.index_cast %get3A_572 : i32 to index
      %get3A_574 = arith.index_cast %mul3A_56 : i32 to index
      %get3A_575 = tpu.vector_load %arg7[%get3A_573, %get3A_574] {strides = array<i32>} : memref<64x512xf32, #tpu.memory_space<vmem>>, vector<1x16xf32>,
      %get3A_576 = vector.shape_cast %get3A_575 : vector<1x16xf32> to vector<16xf32>
      %gt3A_577 = arith.cmpf ogt, %get3A_576, %max3A_571 : vector<16xf32>
      %gt3A_578 = arith.cmpf ogt, %get3A_576, %max3A_570 : vector<16xf32>
      %broadcast_in_dim3A_579 = arith.constant 35 : i32
      %broadcast_in_dim3A_580 = vector.broadcast %broadcast_in_dim3A_579 : i32 to vector<16xi32>
      %select_n3A_581 = arith.select %gt3A_578, %broadcast_in_dim3A_580, %select_n3A_567 : vector<16xi1>, vector<16xi32>
      %select_n3A_582 = arith.select %gt3A_577, %select_n3A_568, %select_n3A_581 : vector<16xi1>, vector<16xi32>
      %select_n3A_583 = arith.select %gt3A_577, %broadcast_in_dim3A_580, %select_n3A_568 : vector<16xi1>, vector<16xi32>
      %min3A_584 = arith.minimumf %get3A_576, %max3A_571 : vector<16xf32>
      %max3A_585 = arith.maximumf %max3A_570, %min3A_584 : vector<16xf32>
      %max3A_586 = arith.maximumf %max3A_571, %get3A_576 : vector<16xf32>
      %get3A_587 = arith.constant 36 : i32
      %get3A_588 = arith.index_cast %get3A_587 : i32 to index
      %get3A_589 = arith.index_cast %mul3A_56 : i32 to index
      %get3A_590 = tpu.vector_load %arg7[%get3A_588, %get3A_589] {strides = array<i32>} : memref<64x512xf32, #tpu.memory_space<vmem>>, vector<1x16xf32>,
      %get3A_591 = vector.shape_cast %get3A_590 : vector<1x16xf32> to vector<16xf32>
      %gt3A_592 = arith.cmpf ogt, %get3A_591, %max3A_586 : vector<16xf32>
      %gt3A_593 = arith.cmpf ogt, %get3A_591, %max3A_585 : vector<16xf32>
      %broadcast_in_dim3A_594 = arith.constant 36 : i32
      %broadcast_in_dim3A_595 = vector.broadcast %broadcast_in_dim3A_594 : i32 to vector<16xi32>
      %select_n3A_596 = arith.select %gt3A_593, %broadcast_in_dim3A_595, %select_n3A_582 : vector<16xi1>, vector<16xi32>
      %select_n3A_597 = arith.select %gt3A_592, %select_n3A_583, %select_n3A_596 : vector<16xi1>, vector<16xi32>
      %select_n3A_598 = arith.select %gt3A_592, %broadcast_in_dim3A_595, %select_n3A_583 : vector<16xi1>, vector<16xi32>
      %min3A_599 = arith.minimumf %get3A_591, %max3A_586 : vector<16xf32>
      %max3A_600 = arith.maximumf %max3A_585, %min3A_599 : vector<16xf32>
      %max3A_601 = arith.maximumf %max3A_586, %get3A_591 : vector<16xf32>
      %get3A_602 = arith.constant 37 : i32
      %get3A_603 = arith.index_cast %get3A_602 : i32 to index
      %get3A_604 = arith.index_cast %mul3A_56 : i32 to index
      %get3A_605 = tpu.vector_load %arg7[%get3A_603, %get3A_604] {strides = array<i32>} : memref<64x512xf32, #tpu.memory_space<vmem>>, vector<1x16xf32>,
      %get3A_606 = vector.shape_cast %get3A_605 : vector<1x16xf32> to vector<16xf32>
      %gt3A_607 = arith.cmpf ogt, %get3A_606, %max3A_601 : vector<16xf32>
      %gt3A_608 = arith.cmpf ogt, %get3A_606, %max3A_600 : vector<16xf32>
      %broadcast_in_dim3A_609 = arith.constant 37 : i32
      %broadcast_in_dim3A_610 = vector.broadcast %broadcast_in_dim3A_609 : i32 to vector<16xi32>
      %select_n3A_611 = arith.select %gt3A_608, %broadcast_in_dim3A_610, %select_n3A_597 : vector<16xi1>, vector<16xi32>
      %select_n3A_612 = arith.select %gt3A_607, %select_n3A_598, %select_n3A_611 : vector<16xi1>, vector<16xi32>
      %select_n3A_613 = arith.select %gt3A_607, %broadcast_in_dim3A_610, %select_n3A_598 : vector<16xi1>, vector<16xi32>
      %min3A_614 = arith.minimumf %get3A_606, %max3A_601 : vector<16xf32>
      %max3A_615 = arith.maximumf %max3A_600, %min3A_614 : vector<16xf32>
      %max3A_616 = arith.maximumf %max3A_601, %get3A_606 : vector<16xf32>
      %get3A_617 = arith.constant 38 : i32
      %get3A_618 = arith.index_cast %get3A_617 : i32 to index
      %get3A_619 = arith.index_cast %mul3A_56 : i32 to index
      %get3A_620 = tpu.vector_load %arg7[%get3A_618, %get3A_619] {strides = array<i32>} : memref<64x512xf32, #tpu.memory_space<vmem>>, vector<1x16xf32>,
      %get3A_621 = vector.shape_cast %get3A_620 : vector<1x16xf32> to vector<16xf32>
      %gt3A_622 = arith.cmpf ogt, %get3A_621, %max3A_616 : vector<16xf32>
      %gt3A_623 = arith.cmpf ogt, %get3A_621, %max3A_615 : vector<16xf32>
      %broadcast_in_dim3A_624 = arith.constant 38 : i32
      %broadcast_in_dim3A_625 = vector.broadcast %broadcast_in_dim3A_624 : i32 to vector<16xi32>
      %select_n3A_626 = arith.select %gt3A_623, %broadcast_in_dim3A_625, %select_n3A_612 : vector<16xi1>, vector<16xi32>
      %select_n3A_627 = arith.select %gt3A_622, %select_n3A_613, %select_n3A_626 : vector<16xi1>, vector<16xi32>
      %select_n3A_628 = arith.select %gt3A_622, %broadcast_in_dim3A_625, %select_n3A_613 : vector<16xi1>, vector<16xi32>
      %min3A_629 = arith.minimumf %get3A_621, %max3A_616 : vector<16xf32>
      %max3A_630 = arith.maximumf %max3A_615, %min3A_629 : vector<16xf32>
      %max3A_631 = arith.maximumf %max3A_616, %get3A_621 : vector<16xf32>
      %get3A_632 = arith.constant 39 : i32
      %get3A_633 = arith.index_cast %get3A_632 : i32 to index
      %get3A_634 = arith.index_cast %mul3A_56 : i32 to index
      %get3A_635 = tpu.vector_load %arg7[%get3A_633, %get3A_634] {strides = array<i32>} : memref<64x512xf32, #tpu.memory_space<vmem>>, vector<1x16xf32>,
      %get3A_636 = vector.shape_cast %get3A_635 : vector<1x16xf32> to vector<16xf32>
      %gt3A_637 = arith.cmpf ogt, %get3A_636, %max3A_631 : vector<16xf32>
      %gt3A_638 = arith.cmpf ogt, %get3A_636, %max3A_630 : vector<16xf32>
      %broadcast_in_dim3A_639 = arith.constant 39 : i32
      %broadcast_in_dim3A_640 = vector.broadcast %broadcast_in_dim3A_639 : i32 to vector<16xi32>
      %select_n3A_641 = arith.select %gt3A_638, %broadcast_in_dim3A_640, %select_n3A_627 : vector<16xi1>, vector<16xi32>
      %select_n3A_642 = arith.select %gt3A_637, %select_n3A_628, %select_n3A_641 : vector<16xi1>, vector<16xi32>
      %select_n3A_643 = arith.select %gt3A_637, %broadcast_in_dim3A_640, %select_n3A_628 : vector<16xi1>, vector<16xi32>
      %min3A_644 = arith.minimumf %get3A_636, %max3A_631 : vector<16xf32>
      %max3A_645 = arith.maximumf %max3A_630, %min3A_644 : vector<16xf32>
      %max3A_646 = arith.maximumf %max3A_631, %get3A_636 : vector<16xf32>
      %get3A_647 = arith.constant 40 : i32
      %get3A_648 = arith.index_cast %get3A_647 : i32 to index
      %get3A_649 = arith.index_cast %mul3A_56 : i32 to index
      %get3A_650 = tpu.vector_load %arg7[%get3A_648, %get3A_649] {strides = array<i32>} : memref<64x512xf32, #tpu.memory_space<vmem>>, vector<1x16xf32>,
      %get3A_651 = vector.shape_cast %get3A_650 : vector<1x16xf32> to vector<16xf32>
      %gt3A_652 = arith.cmpf ogt, %get3A_651, %max3A_646 : vector<16xf32>
      %gt3A_653 = arith.cmpf ogt, %get3A_651, %max3A_645 : vector<16xf32>
      %broadcast_in_dim3A_654 = arith.constant 40 : i32
      %broadcast_in_dim3A_655 = vector.broadcast %broadcast_in_dim3A_654 : i32 to vector<16xi32>
      %select_n3A_656 = arith.select %gt3A_653, %broadcast_in_dim3A_655, %select_n3A_642 : vector<16xi1>, vector<16xi32>
      %select_n3A_657 = arith.select %gt3A_652, %select_n3A_643, %select_n3A_656 : vector<16xi1>, vector<16xi32>
      %select_n3A_658 = arith.select %gt3A_652, %broadcast_in_dim3A_655, %select_n3A_643 : vector<16xi1>, vector<16xi32>
      %min3A_659 = arith.minimumf %get3A_651, %max3A_646 : vector<16xf32>
      %max3A_660 = arith.maximumf %max3A_645, %min3A_659 : vector<16xf32>
      %max3A_661 = arith.maximumf %max3A_646, %get3A_651 : vector<16xf32>
      %get3A_662 = arith.constant 41 : i32
      %get3A_663 = arith.index_cast %get3A_662 : i32 to index
      %get3A_664 = arith.index_cast %mul3A_56 : i32 to index
      %get3A_665 = tpu.vector_load %arg7[%get3A_663, %get3A_664] {strides = array<i32>} : memref<64x512xf32, #tpu.memory_space<vmem>>, vector<1x16xf32>,
      %get3A_666 = vector.shape_cast %get3A_665 : vector<1x16xf32> to vector<16xf32>
      %gt3A_667 = arith.cmpf ogt, %get3A_666, %max3A_661 : vector<16xf32>
      %gt3A_668 = arith.cmpf ogt, %get3A_666, %max3A_660 : vector<16xf32>
      %broadcast_in_dim3A_669 = arith.constant 41 : i32
      %broadcast_in_dim3A_670 = vector.broadcast %broadcast_in_dim3A_669 : i32 to vector<16xi32>
      %select_n3A_671 = arith.select %gt3A_668, %broadcast_in_dim3A_670, %select_n3A_657 : vector<16xi1>, vector<16xi32>
      %select_n3A_672 = arith.select %gt3A_667, %select_n3A_658, %select_n3A_671 : vector<16xi1>, vector<16xi32>
      %select_n3A_673 = arith.select %gt3A_667, %broadcast_in_dim3A_670, %select_n3A_658 : vector<16xi1>, vector<16xi32>
      %min3A_674 = arith.minimumf %get3A_666, %max3A_661 : vector<16xf32>
      %max3A_675 = arith.maximumf %max3A_660, %min3A_674 : vector<16xf32>
      %max3A_676 = arith.maximumf %max3A_661, %get3A_666 : vector<16xf32>
      %get3A_677 = arith.constant 42 : i32
      %get3A_678 = arith.index_cast %get3A_677 : i32 to index
      %get3A_679 = arith.index_cast %mul3A_56 : i32 to index
      %get3A_680 = tpu.vector_load %arg7[%get3A_678, %get3A_679] {strides = array<i32>} : memref<64x512xf32, #tpu.memory_space<vmem>>, vector<1x16xf32>,
      %get3A_681 = vector.shape_cast %get3A_680 : vector<1x16xf32> to vector<16xf32>
      %gt3A_682 = arith.cmpf ogt, %get3A_681, %max3A_676 : vector<16xf32>
      %gt3A_683 = arith.cmpf ogt, %get3A_681, %max3A_675 : vector<16xf32>
      %broadcast_in_dim3A_684 = arith.constant 42 : i32
      %broadcast_in_dim3A_685 = vector.broadcast %broadcast_in_dim3A_684 : i32 to vector<16xi32>
      %select_n3A_686 = arith.select %gt3A_683, %broadcast_in_dim3A_685, %select_n3A_672 : vector<16xi1>, vector<16xi32>
      %select_n3A_687 = arith.select %gt3A_682, %select_n3A_673, %select_n3A_686 : vector<16xi1>, vector<16xi32>
      %select_n3A_688 = arith.select %gt3A_682, %broadcast_in_dim3A_685, %select_n3A_673 : vector<16xi1>, vector<16xi32>
      %min3A_689 = arith.minimumf %get3A_681, %max3A_676 : vector<16xf32>
      %max3A_690 = arith.maximumf %max3A_675, %min3A_689 : vector<16xf32>
      %max3A_691 = arith.maximumf %max3A_676, %get3A_681 : vector<16xf32>
      %get3A_692 = arith.constant 43 : i32
      %get3A_693 = arith.index_cast %get3A_692 : i32 to index
      %get3A_694 = arith.index_cast %mul3A_56 : i32 to index
      %get3A_695 = tpu.vector_load %arg7[%get3A_693, %get3A_694] {strides = array<i32>} : memref<64x512xf32, #tpu.memory_space<vmem>>, vector<1x16xf32>,
      %get3A_696 = vector.shape_cast %get3A_695 : vector<1x16xf32> to vector<16xf32>
      %gt3A_697 = arith.cmpf ogt, %get3A_696, %max3A_691 : vector<16xf32>
      %gt3A_698 = arith.cmpf ogt, %get3A_696, %max3A_690 : vector<16xf32>
      %broadcast_in_dim3A_699 = arith.constant 43 : i32
      %broadcast_in_dim3A_700 = vector.broadcast %broadcast_in_dim3A_699 : i32 to vector<16xi32>
      %select_n3A_701 = arith.select %gt3A_698, %broadcast_in_dim3A_700, %select_n3A_687 : vector<16xi1>, vector<16xi32>
      %select_n3A_702 = arith.select %gt3A_697, %select_n3A_688, %select_n3A_701 : vector<16xi1>, vector<16xi32>
      %select_n3A_703 = arith.select %gt3A_697, %broadcast_in_dim3A_700, %select_n3A_688 : vector<16xi1>, vector<16xi32>
      %min3A_704 = arith.minimumf %get3A_696, %max3A_691 : vector<16xf32>
      %max3A_705 = arith.maximumf %max3A_690, %min3A_704 : vector<16xf32>
      %max3A_706 = arith.maximumf %max3A_691, %get3A_696 : vector<16xf32>
      %get3A_707 = arith.constant 44 : i32
      %get3A_708 = arith.index_cast %get3A_707 : i32 to index
      %get3A_709 = arith.index_cast %mul3A_56 : i32 to index
      %get3A_710 = tpu.vector_load %arg7[%get3A_708, %get3A_709] {strides = array<i32>} : memref<64x512xf32, #tpu.memory_space<vmem>>, vector<1x16xf32>,
      %get3A_711 = vector.shape_cast %get3A_710 : vector<1x16xf32> to vector<16xf32>
      %gt3A_712 = arith.cmpf ogt, %get3A_711, %max3A_706 : vector<16xf32>
      %gt3A_713 = arith.cmpf ogt, %get3A_711, %max3A_705 : vector<16xf32>
      %broadcast_in_dim3A_714 = arith.constant 44 : i32
      %broadcast_in_dim3A_715 = vector.broadcast %broadcast_in_dim3A_714 : i32 to vector<16xi32>
      %select_n3A_716 = arith.select %gt3A_713, %broadcast_in_dim3A_715, %select_n3A_702 : vector<16xi1>, vector<16xi32>
      %select_n3A_717 = arith.select %gt3A_712, %select_n3A_703, %select_n3A_716 : vector<16xi1>, vector<16xi32>
      %select_n3A_718 = arith.select %gt3A_712, %broadcast_in_dim3A_715, %select_n3A_703 : vector<16xi1>, vector<16xi32>
      %min3A_719 = arith.minimumf %get3A_711, %max3A_706 : vector<16xf32>
      %max3A_720 = arith.maximumf %max3A_705, %min3A_719 : vector<16xf32>
      %max3A_721 = arith.maximumf %max3A_706, %get3A_711 : vector<16xf32>
      %get3A_722 = arith.constant 45 : i32
      %get3A_723 = arith.index_cast %get3A_722 : i32 to index
      %get3A_724 = arith.index_cast %mul3A_56 : i32 to index
      %get3A_725 = tpu.vector_load %arg7[%get3A_723, %get3A_724] {strides = array<i32>} : memref<64x512xf32, #tpu.memory_space<vmem>>, vector<1x16xf32>,
      %get3A_726 = vector.shape_cast %get3A_725 : vector<1x16xf32> to vector<16xf32>
      %gt3A_727 = arith.cmpf ogt, %get3A_726, %max3A_721 : vector<16xf32>
      %gt3A_728 = arith.cmpf ogt, %get3A_726, %max3A_720 : vector<16xf32>
      %broadcast_in_dim3A_729 = arith.constant 45 : i32
      %broadcast_in_dim3A_730 = vector.broadcast %broadcast_in_dim3A_729 : i32 to vector<16xi32>
      %select_n3A_731 = arith.select %gt3A_728, %broadcast_in_dim3A_730, %select_n3A_717 : vector<16xi1>, vector<16xi32>
      %select_n3A_732 = arith.select %gt3A_727, %select_n3A_718, %select_n3A_731 : vector<16xi1>, vector<16xi32>
      %select_n3A_733 = arith.select %gt3A_727, %broadcast_in_dim3A_730, %select_n3A_718 : vector<16xi1>, vector<16xi32>
      %min3A_734 = arith.minimumf %get3A_726, %max3A_721 : vector<16xf32>
      %max3A_735 = arith.maximumf %max3A_720, %min3A_734 : vector<16xf32>
      %max3A_736 = arith.maximumf %max3A_721, %get3A_726 : vector<16xf32>
      %get3A_737 = arith.constant 46 : i32
      %get3A_738 = arith.index_cast %get3A_737 : i32 to index
      %get3A_739 = arith.index_cast %mul3A_56 : i32 to index
      %get3A_740 = tpu.vector_load %arg7[%get3A_738, %get3A_739] {strides = array<i32>} : memref<64x512xf32, #tpu.memory_space<vmem>>, vector<1x16xf32>,
      %get3A_741 = vector.shape_cast %get3A_740 : vector<1x16xf32> to vector<16xf32>
      %gt3A_742 = arith.cmpf ogt, %get3A_741, %max3A_736 : vector<16xf32>
      %gt3A_743 = arith.cmpf ogt, %get3A_741, %max3A_735 : vector<16xf32>
      %broadcast_in_dim3A_744 = arith.constant 46 : i32
      %broadcast_in_dim3A_745 = vector.broadcast %broadcast_in_dim3A_744 : i32 to vector<16xi32>
      %select_n3A_746 = arith.select %gt3A_743, %broadcast_in_dim3A_745, %select_n3A_732 : vector<16xi1>, vector<16xi32>
      %select_n3A_747 = arith.select %gt3A_742, %select_n3A_733, %select_n3A_746 : vector<16xi1>, vector<16xi32>
      %select_n3A_748 = arith.select %gt3A_742, %broadcast_in_dim3A_745, %select_n3A_733 : vector<16xi1>, vector<16xi32>
      %min3A_749 = arith.minimumf %get3A_741, %max3A_736 : vector<16xf32>
      %max3A_750 = arith.maximumf %max3A_735, %min3A_749 : vector<16xf32>
      %max3A_751 = arith.maximumf %max3A_736, %get3A_741 : vector<16xf32>
      %get3A_752 = arith.constant 47 : i32
      %get3A_753 = arith.index_cast %get3A_752 : i32 to index
      %get3A_754 = arith.index_cast %mul3A_56 : i32 to index
      %get3A_755 = tpu.vector_load %arg7[%get3A_753, %get3A_754] {strides = array<i32>} : memref<64x512xf32, #tpu.memory_space<vmem>>, vector<1x16xf32>,
      %get3A_756 = vector.shape_cast %get3A_755 : vector<1x16xf32> to vector<16xf32>
      %gt3A_757 = arith.cmpf ogt, %get3A_756, %max3A_751 : vector<16xf32>
      %gt3A_758 = arith.cmpf ogt, %get3A_756, %max3A_750 : vector<16xf32>
      %broadcast_in_dim3A_759 = arith.constant 47 : i32
      %broadcast_in_dim3A_760 = vector.broadcast %broadcast_in_dim3A_759 : i32 to vector<16xi32>
      %select_n3A_761 = arith.select %gt3A_758, %broadcast_in_dim3A_760, %select_n3A_747 : vector<16xi1>, vector<16xi32>
      %select_n3A_762 = arith.select %gt3A_757, %select_n3A_748, %select_n3A_761 : vector<16xi1>, vector<16xi32>
      %select_n3A_763 = arith.select %gt3A_757, %broadcast_in_dim3A_760, %select_n3A_748 : vector<16xi1>, vector<16xi32>
      %min3A_764 = arith.minimumf %get3A_756, %max3A_751 : vector<16xf32>
      %max3A_765 = arith.maximumf %max3A_750, %min3A_764 : vector<16xf32>
      %max3A_766 = arith.maximumf %max3A_751, %get3A_756 : vector<16xf32>
      %get3A_767 = arith.constant 48 : i32
      %get3A_768 = arith.index_cast %get3A_767 : i32 to index
      %get3A_769 = arith.index_cast %mul3A_56 : i32 to index
      %get3A_770 = tpu.vector_load %arg7[%get3A_768, %get3A_769] {strides = array<i32>} : memref<64x512xf32, #tpu.memory_space<vmem>>, vector<1x16xf32>,
      %get3A_771 = vector.shape_cast %get3A_770 : vector<1x16xf32> to vector<16xf32>
      %gt3A_772 = arith.cmpf ogt, %get3A_771, %max3A_766 : vector<16xf32>
      %gt3A_773 = arith.cmpf ogt, %get3A_771, %max3A_765 : vector<16xf32>
      %broadcast_in_dim3A_774 = arith.constant 48 : i32
      %broadcast_in_dim3A_775 = vector.broadcast %broadcast_in_dim3A_774 : i32 to vector<16xi32>
      %select_n3A_776 = arith.select %gt3A_773, %broadcast_in_dim3A_775, %select_n3A_762 : vector<16xi1>, vector<16xi32>
      %select_n3A_777 = arith.select %gt3A_772, %select_n3A_763, %select_n3A_776 : vector<16xi1>, vector<16xi32>
      %select_n3A_778 = arith.select %gt3A_772, %broadcast_in_dim3A_775, %select_n3A_763 : vector<16xi1>, vector<16xi32>
      %min3A_779 = arith.minimumf %get3A_771, %max3A_766 : vector<16xf32>
      %max3A_780 = arith.maximumf %max3A_765, %min3A_779 : vector<16xf32>
      %max3A_781 = arith.maximumf %max3A_766, %get3A_771 : vector<16xf32>
      %get3A_782 = arith.constant 49 : i32
      %get3A_783 = arith.index_cast %get3A_782 : i32 to index
      %get3A_784 = arith.index_cast %mul3A_56 : i32 to index
      %get3A_785 = tpu.vector_load %arg7[%get3A_783, %get3A_784] {strides = array<i32>} : memref<64x512xf32, #tpu.memory_space<vmem>>, vector<1x16xf32>,
      %get3A_786 = vector.shape_cast %get3A_785 : vector<1x16xf32> to vector<16xf32>
      %gt3A_787 = arith.cmpf ogt, %get3A_786, %max3A_781 : vector<16xf32>
      %gt3A_788 = arith.cmpf ogt, %get3A_786, %max3A_780 : vector<16xf32>
      %broadcast_in_dim3A_789 = arith.constant 49 : i32
      %broadcast_in_dim3A_790 = vector.broadcast %broadcast_in_dim3A_789 : i32 to vector<16xi32>
      %select_n3A_791 = arith.select %gt3A_788, %broadcast_in_dim3A_790, %select_n3A_777 : vector<16xi1>, vector<16xi32>
      %select_n3A_792 = arith.select %gt3A_787, %select_n3A_778, %select_n3A_791 : vector<16xi1>, vector<16xi32>
      %select_n3A_793 = arith.select %gt3A_787, %broadcast_in_dim3A_790, %select_n3A_778 : vector<16xi1>, vector<16xi32>
      %min3A_794 = arith.minimumf %get3A_786, %max3A_781 : vector<16xf32>
      %max3A_795 = arith.maximumf %max3A_780, %min3A_794 : vector<16xf32>
      %max3A_796 = arith.maximumf %max3A_781, %get3A_786 : vector<16xf32>
      %get3A_797 = arith.constant 50 : i32
      %get3A_798 = arith.index_cast %get3A_797 : i32 to index
      %get3A_799 = arith.index_cast %mul3A_56 : i32 to index
      %get3A_800 = tpu.vector_load %arg7[%get3A_798, %get3A_799] {strides = array<i32>} : memref<64x512xf32, #tpu.memory_space<vmem>>, vector<1x16xf32>,
      %get3A_801 = vector.shape_cast %get3A_800 : vector<1x16xf32> to vector<16xf32>
      %gt3A_802 = arith.cmpf ogt, %get3A_801, %max3A_796 : vector<16xf32>
      %gt3A_803 = arith.cmpf ogt, %get3A_801, %max3A_795 : vector<16xf32>
      %broadcast_in_dim3A_804 = arith.constant 50 : i32
      %broadcast_in_dim3A_805 = vector.broadcast %broadcast_in_dim3A_804 : i32 to vector<16xi32>
      %select_n3A_806 = arith.select %gt3A_803, %broadcast_in_dim3A_805, %select_n3A_792 : vector<16xi1>, vector<16xi32>
      %select_n3A_807 = arith.select %gt3A_802, %select_n3A_793, %select_n3A_806 : vector<16xi1>, vector<16xi32>
      %select_n3A_808 = arith.select %gt3A_802, %broadcast_in_dim3A_805, %select_n3A_793 : vector<16xi1>, vector<16xi32>
      %min3A_809 = arith.minimumf %get3A_801, %max3A_796 : vector<16xf32>
      %max3A_810 = arith.maximumf %max3A_795, %min3A_809 : vector<16xf32>
      %max3A_811 = arith.maximumf %max3A_796, %get3A_801 : vector<16xf32>
      %get3A_812 = arith.constant 51 : i32
      %get3A_813 = arith.index_cast %get3A_812 : i32 to index
      %get3A_814 = arith.index_cast %mul3A_56 : i32 to index
      %get3A_815 = tpu.vector_load %arg7[%get3A_813, %get3A_814] {strides = array<i32>} : memref<64x512xf32, #tpu.memory_space<vmem>>, vector<1x16xf32>,
      %get3A_816 = vector.shape_cast %get3A_815 : vector<1x16xf32> to vector<16xf32>
      %gt3A_817 = arith.cmpf ogt, %get3A_816, %max3A_811 : vector<16xf32>
      %gt3A_818 = arith.cmpf ogt, %get3A_816, %max3A_810 : vector<16xf32>
      %broadcast_in_dim3A_819 = arith.constant 51 : i32
      %broadcast_in_dim3A_820 = vector.broadcast %broadcast_in_dim3A_819 : i32 to vector<16xi32>
      %select_n3A_821 = arith.select %gt3A_818, %broadcast_in_dim3A_820, %select_n3A_807 : vector<16xi1>, vector<16xi32>
      %select_n3A_822 = arith.select %gt3A_817, %select_n3A_808, %select_n3A_821 : vector<16xi1>, vector<16xi32>
      %select_n3A_823 = arith.select %gt3A_817, %broadcast_in_dim3A_820, %select_n3A_808 : vector<16xi1>, vector<16xi32>
      %min3A_824 = arith.minimumf %get3A_816, %max3A_811 : vector<16xf32>
      %max3A_825 = arith.maximumf %max3A_810, %min3A_824 : vector<16xf32>
      %max3A_826 = arith.maximumf %max3A_811, %get3A_816 : vector<16xf32>
      %get3A_827 = arith.constant 52 : i32
      %get3A_828 = arith.index_cast %get3A_827 : i32 to index
      %get3A_829 = arith.index_cast %mul3A_56 : i32 to index
      %get3A_830 = tpu.vector_load %arg7[%get3A_828, %get3A_829] {strides = array<i32>} : memref<64x512xf32, #tpu.memory_space<vmem>>, vector<1x16xf32>,
      %get3A_831 = vector.shape_cast %get3A_830 : vector<1x16xf32> to vector<16xf32>
      %gt3A_832 = arith.cmpf ogt, %get3A_831, %max3A_826 : vector<16xf32>
      %gt3A_833 = arith.cmpf ogt, %get3A_831, %max3A_825 : vector<16xf32>
      %broadcast_in_dim3A_834 = arith.constant 52 : i32
      %broadcast_in_dim3A_835 = vector.broadcast %broadcast_in_dim3A_834 : i32 to vector<16xi32>
      %select_n3A_836 = arith.select %gt3A_833, %broadcast_in_dim3A_835, %select_n3A_822 : vector<16xi1>, vector<16xi32>
      %select_n3A_837 = arith.select %gt3A_832, %select_n3A_823, %select_n3A_836 : vector<16xi1>, vector<16xi32>
      %select_n3A_838 = arith.select %gt3A_832, %broadcast_in_dim3A_835, %select_n3A_823 : vector<16xi1>, vector<16xi32>
      %min3A_839 = arith.minimumf %get3A_831, %max3A_826 : vector<16xf32>
      %max3A_840 = arith.maximumf %max3A_825, %min3A_839 : vector<16xf32>
      %max3A_841 = arith.maximumf %max3A_826, %get3A_831 : vector<16xf32>
      %get3A_842 = arith.constant 53 : i32
      %get3A_843 = arith.index_cast %get3A_842 : i32 to index
      %get3A_844 = arith.index_cast %mul3A_56 : i32 to index
      %get3A_845 = tpu.vector_load %arg7[%get3A_843, %get3A_844] {strides = array<i32>} : memref<64x512xf32, #tpu.memory_space<vmem>>, vector<1x16xf32>,
      %get3A_846 = vector.shape_cast %get3A_845 : vector<1x16xf32> to vector<16xf32>
      %gt3A_847 = arith.cmpf ogt, %get3A_846, %max3A_841 : vector<16xf32>
      %gt3A_848 = arith.cmpf ogt, %get3A_846, %max3A_840 : vector<16xf32>
      %broadcast_in_dim3A_849 = arith.constant 53 : i32
      %broadcast_in_dim3A_850 = vector.broadcast %broadcast_in_dim3A_849 : i32 to vector<16xi32>
      %select_n3A_851 = arith.select %gt3A_848, %broadcast_in_dim3A_850, %select_n3A_837 : vector<16xi1>, vector<16xi32>
      %select_n3A_852 = arith.select %gt3A_847, %select_n3A_838, %select_n3A_851 : vector<16xi1>, vector<16xi32>
      %select_n3A_853 = arith.select %gt3A_847, %broadcast_in_dim3A_850, %select_n3A_838 : vector<16xi1>, vector<16xi32>
      %min3A_854 = arith.minimumf %get3A_846, %max3A_841 : vector<16xf32>
      %max3A_855 = arith.maximumf %max3A_840, %min3A_854 : vector<16xf32>
      %max3A_856 = arith.maximumf %max3A_841, %get3A_846 : vector<16xf32>
      %get3A_857 = arith.constant 54 : i32
      %get3A_858 = arith.index_cast %get3A_857 : i32 to index
      %get3A_859 = arith.index_cast %mul3A_56 : i32 to index
      %get3A_860 = tpu.vector_load %arg7[%get3A_858, %get3A_859] {strides = array<i32>} : memref<64x512xf32, #tpu.memory_space<vmem>>, vector<1x16xf32>,
      %get3A_861 = vector.shape_cast %get3A_860 : vector<1x16xf32> to vector<16xf32>
      %gt3A_862 = arith.cmpf ogt, %get3A_861, %max3A_856 : vector<16xf32>
      %gt3A_863 = arith.cmpf ogt, %get3A_861, %max3A_855 : vector<16xf32>
      %broadcast_in_dim3A_864 = arith.constant 54 : i32
      %broadcast_in_dim3A_865 = vector.broadcast %broadcast_in_dim3A_864 : i32 to vector<16xi32>
      %select_n3A_866 = arith.select %gt3A_863, %broadcast_in_dim3A_865, %select_n3A_852 : vector<16xi1>, vector<16xi32>
      %select_n3A_867 = arith.select %gt3A_862, %select_n3A_853, %select_n3A_866 : vector<16xi1>, vector<16xi32>
      %select_n3A_868 = arith.select %gt3A_862, %broadcast_in_dim3A_865, %select_n3A_853 : vector<16xi1>, vector<16xi32>
      %min3A_869 = arith.minimumf %get3A_861, %max3A_856 : vector<16xf32>
      %max3A_870 = arith.maximumf %max3A_855, %min3A_869 : vector<16xf32>
      %max3A_871 = arith.maximumf %max3A_856, %get3A_861 : vector<16xf32>
      %get3A_872 = arith.constant 55 : i32
      %get3A_873 = arith.index_cast %get3A_872 : i32 to index
      %get3A_874 = arith.index_cast %mul3A_56 : i32 to index
      %get3A_875 = tpu.vector_load %arg7[%get3A_873, %get3A_874] {strides = array<i32>} : memref<64x512xf32, #tpu.memory_space<vmem>>, vector<1x16xf32>,
      %get3A_876 = vector.shape_cast %get3A_875 : vector<1x16xf32> to vector<16xf32>
      %gt3A_877 = arith.cmpf ogt, %get3A_876, %max3A_871 : vector<16xf32>
      %gt3A_878 = arith.cmpf ogt, %get3A_876, %max3A_870 : vector<16xf32>
      %broadcast_in_dim3A_879 = arith.constant 55 : i32
      %broadcast_in_dim3A_880 = vector.broadcast %broadcast_in_dim3A_879 : i32 to vector<16xi32>
      %select_n3A_881 = arith.select %gt3A_878, %broadcast_in_dim3A_880, %select_n3A_867 : vector<16xi1>, vector<16xi32>
      %select_n3A_882 = arith.select %gt3A_877, %select_n3A_868, %select_n3A_881 : vector<16xi1>, vector<16xi32>
      %select_n3A_883 = arith.select %gt3A_877, %broadcast_in_dim3A_880, %select_n3A_868 : vector<16xi1>, vector<16xi32>
      %min3A_884 = arith.minimumf %get3A_876, %max3A_871 : vector<16xf32>
      %max3A_885 = arith.maximumf %max3A_870, %min3A_884 : vector<16xf32>
      %max3A_886 = arith.maximumf %max3A_871, %get3A_876 : vector<16xf32>
      %get3A_887 = arith.constant 56 : i32
      %get3A_888 = arith.index_cast %get3A_887 : i32 to index
      %get3A_889 = arith.index_cast %mul3A_56 : i32 to index
      %get3A_890 = tpu.vector_load %arg7[%get3A_888, %get3A_889] {strides = array<i32>} : memref<64x512xf32, #tpu.memory_space<vmem>>, vector<1x16xf32>,
      %get3A_891 = vector.shape_cast %get3A_890 : vector<1x16xf32> to vector<16xf32>
      %gt3A_892 = arith.cmpf ogt, %get3A_891, %max3A_886 : vector<16xf32>
      %gt3A_893 = arith.cmpf ogt, %get3A_891, %max3A_885 : vector<16xf32>
      %broadcast_in_dim3A_894 = arith.constant 56 : i32
      %broadcast_in_dim3A_895 = vector.broadcast %broadcast_in_dim3A_894 : i32 to vector<16xi32>
      %select_n3A_896 = arith.select %gt3A_893, %broadcast_in_dim3A_895, %select_n3A_882 : vector<16xi1>, vector<16xi32>
      %select_n3A_897 = arith.select %gt3A_892, %select_n3A_883, %select_n3A_896 : vector<16xi1>, vector<16xi32>
      %select_n3A_898 = arith.select %gt3A_892, %broadcast_in_dim3A_895, %select_n3A_883 : vector<16xi1>, vector<16xi32>
      %min3A_899 = arith.minimumf %get3A_891, %max3A_886 : vector<16xf32>
      %max3A_900 = arith.maximumf %max3A_885, %min3A_899 : vector<16xf32>
      %max3A_901 = arith.maximumf %max3A_886, %get3A_891 : vector<16xf32>
      %get3A_902 = arith.constant 57 : i32
      %get3A_903 = arith.index_cast %get3A_902 : i32 to index
      %get3A_904 = arith.index_cast %mul3A_56 : i32 to index
      %get3A_905 = tpu.vector_load %arg7[%get3A_903, %get3A_904] {strides = array<i32>} : memref<64x512xf32, #tpu.memory_space<vmem>>, vector<1x16xf32>,
      %get3A_906 = vector.shape_cast %get3A_905 : vector<1x16xf32> to vector<16xf32>
      %gt3A_907 = arith.cmpf ogt, %get3A_906, %max3A_901 : vector<16xf32>
      %gt3A_908 = arith.cmpf ogt, %get3A_906, %max3A_900 : vector<16xf32>
      %broadcast_in_dim3A_909 = arith.constant 57 : i32
      %broadcast_in_dim3A_910 = vector.broadcast %broadcast_in_dim3A_909 : i32 to vector<16xi32>
      %select_n3A_911 = arith.select %gt3A_908, %broadcast_in_dim3A_910, %select_n3A_897 : vector<16xi1>, vector<16xi32>
      %select_n3A_912 = arith.select %gt3A_907, %select_n3A_898, %select_n3A_911 : vector<16xi1>, vector<16xi32>
      %select_n3A_913 = arith.select %gt3A_907, %broadcast_in_dim3A_910, %select_n3A_898 : vector<16xi1>, vector<16xi32>
      %min3A_914 = arith.minimumf %get3A_906, %max3A_901 : vector<16xf32>
      %max3A_915 = arith.maximumf %max3A_900, %min3A_914 : vector<16xf32>
      %max3A_916 = arith.maximumf %max3A_901, %get3A_906 : vector<16xf32>
      %get3A_917 = arith.constant 58 : i32
      %get3A_918 = arith.index_cast %get3A_917 : i32 to index
      %get3A_919 = arith.index_cast %mul3A_56 : i32 to index
      %get3A_920 = tpu.vector_load %arg7[%get3A_918, %get3A_919] {strides = array<i32>} : memref<64x512xf32, #tpu.memory_space<vmem>>, vector<1x16xf32>,
      %get3A_921 = vector.shape_cast %get3A_920 : vector<1x16xf32> to vector<16xf32>
      %gt3A_922 = arith.cmpf ogt, %get3A_921, %max3A_916 : vector<16xf32>
      %gt3A_923 = arith.cmpf ogt, %get3A_921, %max3A_915 : vector<16xf32>
      %broadcast_in_dim3A_924 = arith.constant 58 : i32
      %broadcast_in_dim3A_925 = vector.broadcast %broadcast_in_dim3A_924 : i32 to vector<16xi32>
      %select_n3A_926 = arith.select %gt3A_923, %broadcast_in_dim3A_925, %select_n3A_912 : vector<16xi1>, vector<16xi32>
      %select_n3A_927 = arith.select %gt3A_922, %select_n3A_913, %select_n3A_926 : vector<16xi1>, vector<16xi32>
      %select_n3A_928 = arith.select %gt3A_922, %broadcast_in_dim3A_925, %select_n3A_913 : vector<16xi1>, vector<16xi32>
      %min3A_929 = arith.minimumf %get3A_921, %max3A_916 : vector<16xf32>
      %max3A_930 = arith.maximumf %max3A_915, %min3A_929 : vector<16xf32>
      %max3A_931 = arith.maximumf %max3A_916, %get3A_921 : vector<16xf32>
      %get3A_932 = arith.constant 59 : i32
      %get3A_933 = arith.index_cast %get3A_932 : i32 to index
      %get3A_934 = arith.index_cast %mul3A_56 : i32 to index
      %get3A_935 = tpu.vector_load %arg7[%get3A_933, %get3A_934] {strides = array<i32>} : memref<64x512xf32, #tpu.memory_space<vmem>>, vector<1x16xf32>,
      %get3A_936 = vector.shape_cast %get3A_935 : vector<1x16xf32> to vector<16xf32>
      %gt3A_937 = arith.cmpf ogt, %get3A_936, %max3A_931 : vector<16xf32>
      %gt3A_938 = arith.cmpf ogt, %get3A_936, %max3A_930 : vector<16xf32>
      %broadcast_in_dim3A_939 = arith.constant 59 : i32
      %broadcast_in_dim3A_940 = vector.broadcast %broadcast_in_dim3A_939 : i32 to vector<16xi32>
      %select_n3A_941 = arith.select %gt3A_938, %broadcast_in_dim3A_940, %select_n3A_927 : vector<16xi1>, vector<16xi32>
      %select_n3A_942 = arith.select %gt3A_937, %select_n3A_928, %select_n3A_941 : vector<16xi1>, vector<16xi32>
      %select_n3A_943 = arith.select %gt3A_937, %broadcast_in_dim3A_940, %select_n3A_928 : vector<16xi1>, vector<16xi32>
      %min3A_944 = arith.minimumf %get3A_936, %max3A_931 : vector<16xf32>
      %max3A_945 = arith.maximumf %max3A_930, %min3A_944 : vector<16xf32>
      %max3A_946 = arith.maximumf %max3A_931, %get3A_936 : vector<16xf32>
      %get3A_947 = arith.constant 60 : i32
      %get3A_948 = arith.index_cast %get3A_947 : i32 to index
      %get3A_949 = arith.index_cast %mul3A_56 : i32 to index
      %get3A_950 = tpu.vector_load %arg7[%get3A_948, %get3A_949] {strides = array<i32>} : memref<64x512xf32, #tpu.memory_space<vmem>>, vector<1x16xf32>,
      %get3A_951 = vector.shape_cast %get3A_950 : vector<1x16xf32> to vector<16xf32>
      %gt3A_952 = arith.cmpf ogt, %get3A_951, %max3A_946 : vector<16xf32>
      %gt3A_953 = arith.cmpf ogt, %get3A_951, %max3A_945 : vector<16xf32>
      %broadcast_in_dim3A_954 = arith.constant 60 : i32
      %broadcast_in_dim3A_955 = vector.broadcast %broadcast_in_dim3A_954 : i32 to vector<16xi32>
      %select_n3A_956 = arith.select %gt3A_953, %broadcast_in_dim3A_955, %select_n3A_942 : vector<16xi1>, vector<16xi32>
      %select_n3A_957 = arith.select %gt3A_952, %select_n3A_943, %select_n3A_956 : vector<16xi1>, vector<16xi32>
      %select_n3A_958 = arith.select %gt3A_952, %broadcast_in_dim3A_955, %select_n3A_943 : vector<16xi1>, vector<16xi32>
      %min3A_959 = arith.minimumf %get3A_951, %max3A_946 : vector<16xf32>
      %max3A_960 = arith.maximumf %max3A_945, %min3A_959 : vector<16xf32>
      %max3A_961 = arith.maximumf %max3A_946, %get3A_951 : vector<16xf32>
      %get3A_962 = arith.constant 61 : i32
      %get3A_963 = arith.index_cast %get3A_962 : i32 to index
      %get3A_964 = arith.index_cast %mul3A_56 : i32 to index
      %get3A_965 = tpu.vector_load %arg7[%get3A_963, %get3A_964] {strides = array<i32>} : memref<64x512xf32, #tpu.memory_space<vmem>>, vector<1x16xf32>,
      %get3A_966 = vector.shape_cast %get3A_965 : vector<1x16xf32> to vector<16xf32>
      %gt3A_967 = arith.cmpf ogt, %get3A_966, %max3A_961 : vector<16xf32>
      %gt3A_968 = arith.cmpf ogt, %get3A_966, %max3A_960 : vector<16xf32>
      %broadcast_in_dim3A_969 = arith.constant 61 : i32
      %broadcast_in_dim3A_970 = vector.broadcast %broadcast_in_dim3A_969 : i32 to vector<16xi32>
      %select_n3A_971 = arith.select %gt3A_968, %broadcast_in_dim3A_970, %select_n3A_957 : vector<16xi1>, vector<16xi32>
      %select_n3A_972 = arith.select %gt3A_967, %select_n3A_958, %select_n3A_971 : vector<16xi1>, vector<16xi32>
      %select_n3A_973 = arith.select %gt3A_967, %broadcast_in_dim3A_970, %select_n3A_958 : vector<16xi1>, vector<16xi32>
      %min3A_974 = arith.minimumf %get3A_966, %max3A_961 : vector<16xf32>
      %max3A_975 = arith.maximumf %max3A_960, %min3A_974 : vector<16xf32>
      %max3A_976 = arith.maximumf %max3A_961, %get3A_966 : vector<16xf32>
      %get3A_977 = arith.constant 62 : i32
      %get3A_978 = arith.index_cast %get3A_977 : i32 to index
      %get3A_979 = arith.index_cast %mul3A_56 : i32 to index
      %get3A_980 = tpu.vector_load %arg7[%get3A_978, %get3A_979] {strides = array<i32>} : memref<64x512xf32, #tpu.memory_space<vmem>>, vector<1x16xf32>,
      %get3A_981 = vector.shape_cast %get3A_980 : vector<1x16xf32> to vector<16xf32>
      %gt3A_982 = arith.cmpf ogt, %get3A_981, %max3A_976 : vector<16xf32>
      %gt3A_983 = arith.cmpf ogt, %get3A_981, %max3A_975 : vector<16xf32>
      %broadcast_in_dim3A_984 = arith.constant 62 : i32
      %broadcast_in_dim3A_985 = vector.broadcast %broadcast_in_dim3A_984 : i32 to vector<16xi32>
      %select_n3A_986 = arith.select %gt3A_983, %broadcast_in_dim3A_985, %select_n3A_972 : vector<16xi1>, vector<16xi32>
      %select_n3A_987 = arith.select %gt3A_982, %select_n3A_973, %select_n3A_986 : vector<16xi1>, vector<16xi32>
      %select_n3A_988 = arith.select %gt3A_982, %broadcast_in_dim3A_985, %select_n3A_973 : vector<16xi1>, vector<16xi32>
      %min3A_989 = arith.minimumf %get3A_981, %max3A_976 : vector<16xf32>
      %max3A_990 = arith.maximumf %max3A_975, %min3A_989 : vector<16xf32>
      %max3A_991 = arith.maximumf %max3A_976, %get3A_981 : vector<16xf32>
      %get3A_992 = arith.constant 63 : i32
      %get3A_993 = arith.index_cast %get3A_992 : i32 to index
      %get3A_994 = arith.index_cast %mul3A_56 : i32 to index
      %get3A_995 = tpu.vector_load %arg7[%get3A_993, %get3A_994] {strides = array<i32>} : memref<64x512xf32, #tpu.memory_space<vmem>>, vector<1x16xf32>,
      %get3A_996 = vector.shape_cast %get3A_995 : vector<1x16xf32> to vector<16xf32>
      %gt3A_997 = arith.cmpf ogt, %get3A_996, %max3A_991 : vector<16xf32>
      %gt3A_998 = arith.cmpf ogt, %get3A_996, %max3A_990 : vector<16xf32>
      %broadcast_in_dim3A_999 = arith.constant 63 : i32
      %broadcast_in_dim3A_1000 = vector.broadcast %broadcast_in_dim3A_999 : i32 to vector<16xi32>
      %select_n3A_1001 = arith.select %gt3A_998, %broadcast_in_dim3A_1000, %select_n3A_987 : vector<16xi1>, vector<16xi32>
      %select_n3A_1002 = arith.select %gt3A_997, %select_n3A_988, %select_n3A_1001 : vector<16xi1>, vector<16xi32>
      %select_n3A_1003 = arith.select %gt3A_997, %broadcast_in_dim3A_1000, %select_n3A_988 : vector<16xi1>, vector<16xi32>
      %min3A_1004 = arith.minimumf %get3A_996, %max3A_991 : vector<16xf32>
      %max3A_1005 = arith.maximumf %max3A_990, %min3A_1004 : vector<16xf32>
      %max3A_1006 = arith.maximumf %max3A_991, %get3A_996 : vector<16xf32>
      %sub3A = arith.subf %max3A_1005, %max3A_1006 : vector<16xf32>
      %exp3A = math.exp %sub3A : vector<16xf32>
      %add3A_1007 = arith.constant 1.000000e+00 : f32
      %add3A_1008 = vector.broadcast %add3A_1007 : f32 to vector<16xf32>
      %add3A_1009 = arith.addf %add3A_1008, %exp3A : vector<16xf32>
      %swap3A = arith.index_cast %mul3A_56 : i32 to index
      %swap3A_1010 = tpu.vector_load %arg8[%swap3A] {strides = array<i32>} : memref<512xi32, #tpu.memory_space<vmem>>, vector<16xi32>,
      %swap3A_1011 = vector.shape_cast %swap3A_1010 : vector<16xi32> to vector<16xi32>
      %swap3A_1012 = vector.shape_cast %select_n3A_1003 : vector<16xi32> to vector<16xi32>
      tpu.vector_store %arg8[%swap3A], %swap3A_1012 {strides = array<i32>} : memref<512xi32, #tpu.memory_space<vmem>>, vector<16xi32>,
      %swap3A_1013 = arith.index_cast %mul3A_56 : i32 to index
      %swap3A_1014 = tpu.vector_load %arg9[%swap3A_1013] {strides = array<i32>} : memref<512xi32, #tpu.memory_space<vmem>>, vector<16xi32>,
      %swap3A_1015 = vector.shape_cast %swap3A_1014 : vector<16xi32> to vector<16xi32>
      %swap3A_1016 = vector.shape_cast %select_n3A_1002 : vector<16xi32> to vector<16xi32>
      tpu.vector_store %arg9[%swap3A_1013], %swap3A_1016 {strides = array<i32>} : memref<512xi32, #tpu.memory_space<vmem>>, vector<16xi32>,
      %div3A = arith.constant 1.000000e+00 : f32
      %div3A_1017 = vector.broadcast %div3A : f32 to vector<16xf32>
      %div3A_1018 = arith.divf %div3A_1017, %add3A_1009 : vector<16xf32>
      %swap3A_1019 = arith.index_cast %mul3A_56 : i32 to index
      %swap3A_1020 = tpu.vector_load %arg10[%swap3A_1019] {strides = array<i32>} : memref<512xf32, #tpu.memory_space<vmem>>, vector<16xf32>,
      %swap3A_1021 = vector.shape_cast %swap3A_1020 : vector<16xf32> to vector<16xf32>
      %swap3A_1022 = vector.shape_cast %div3A_1018 : vector<16xf32> to vector<16xf32>
      tpu.vector_store %arg10[%swap3A_1019], %swap3A_1022 {strides = array<i32>} : memref<512xf32, #tpu.memory_space<vmem>>, vector<16xf32>,
      %div3A_1023 = arith.divf %exp3A, %add3A_1009 : vector<16xf32>
      %swap3A_1024 = arith.index_cast %mul3A_56 : i32 to index
      %swap3A_1025 = tpu.vector_load %arg11[%swap3A_1024] {strides = array<i32>} : memref<512xf32, #tpu.memory_space<vmem>>, vector<16xf32>,
      %swap3A_1026 = vector.shape_cast %swap3A_1025 : vector<16xf32> to vector<16xf32>
      %swap3A_1027 = vector.shape_cast %div3A_1023 : vector<16xf32> to vector<16xf32>
      tpu.vector_store %arg11[%swap3A_1024], %swap3A_1027 {strides = array<i32>} : memref<512xf32, #tpu.memory_space<vmem>>, vector<16xf32>,
    }
    %scan3A_53 = arith.constant 16 : i32
    "tpu.region"() ({
      %run_scoped3A = tpu.sem_alloc : memref<!tpu.dma_semaphore, #tpu.memory_space<semaphore_mem>>
      %dma_start3A_54 = tpu.memref_slice %arg3[%mul3A_2] : memref<16384xi32, #tpu.memory_space<hbm>> -> memref<512xi32, #tpu.memory_space<hbm>>
      %dma_start3A_55 = tpu.memref_slice %arg3[%mul3A_2] : memref<16384xi32, #tpu.memory_space<hbm>> -> memref<512xi32, #tpu.memory_space<hbm>>
      tpu.enqueue_dma source(%arg8 : memref<512xi32, #tpu.memory_space<vmem>>) target(%dma_start3A_55 : memref<512xi32, #tpu.memory_space<hbm>>) target_semaphore(%run_scoped3A : memref<!tpu.dma_semaphore, #tpu.memory_space<semaphore_mem>>)
      %dma_wait3A_56 = tpu.memref_slice %arg3[%mul3A_2] : memref<16384xi32, #tpu.memory_space<hbm>> -> memref<512xi32, #tpu.memory_space<hbm>>
      %dma_wait3A_57 = tpu.memref_slice %arg3[%mul3A_2] : memref<16384xi32, #tpu.memory_space<hbm>> -> memref<512xi32, #tpu.memory_space<hbm>>
      tpu.wait_dma2 semaphore(%run_scoped3A : memref<!tpu.dma_semaphore, #tpu.memory_space<semaphore_mem>>) src(%arg8 : memref<512xi32, #tpu.memory_space<vmem>>) dst(%dma_wait3A_57 : memref<512xi32, #tpu.memory_space<hbm>>)
      tpu.yield
    }) : () -> ()
    "tpu.region"() ({
      %run_scoped3A = tpu.sem_alloc : memref<!tpu.dma_semaphore, #tpu.memory_space<semaphore_mem>>
      %dma_start3A_54 = tpu.memref_slice %arg4[%mul3A_2] : memref<16384xi32, #tpu.memory_space<hbm>> -> memref<512xi32, #tpu.memory_space<hbm>>
      %dma_start3A_55 = tpu.memref_slice %arg4[%mul3A_2] : memref<16384xi32, #tpu.memory_space<hbm>> -> memref<512xi32, #tpu.memory_space<hbm>>
      tpu.enqueue_dma source(%arg9 : memref<512xi32, #tpu.memory_space<vmem>>) target(%dma_start3A_55 : memref<512xi32, #tpu.memory_space<hbm>>) target_semaphore(%run_scoped3A : memref<!tpu.dma_semaphore, #tpu.memory_space<semaphore_mem>>)
      %dma_wait3A_56 = tpu.memref_slice %arg4[%mul3A_2] : memref<16384xi32, #tpu.memory_space<hbm>> -> memref<512xi32, #tpu.memory_space<hbm>>
      %dma_wait3A_57 = tpu.memref_slice %arg4[%mul3A_2] : memref<16384xi32, #tpu.memory_space<hbm>> -> memref<512xi32, #tpu.memory_space<hbm>>
      tpu.wait_dma2 semaphore(%run_scoped3A : memref<!tpu.dma_semaphore, #tpu.memory_space<semaphore_mem>>) src(%arg9 : memref<512xi32, #tpu.memory_space<vmem>>) dst(%dma_wait3A_57 : memref<512xi32, #tpu.memory_space<hbm>>)
      tpu.yield
    }) : () -> ()
    "tpu.region"() ({
      %run_scoped3A = tpu.sem_alloc : memref<!tpu.dma_semaphore, #tpu.memory_space<semaphore_mem>>
      %dma_start3A_54 = tpu.memref_slice %arg5[%mul3A_2] : memref<16384xf32, #tpu.memory_space<hbm>> -> memref<512xf32, #tpu.memory_space<hbm>>
      %dma_start3A_55 = tpu.memref_slice %arg5[%mul3A_2] : memref<16384xf32, #tpu.memory_space<hbm>> -> memref<512xf32, #tpu.memory_space<hbm>>
      tpu.enqueue_dma source(%arg10 : memref<512xf32, #tpu.memory_space<vmem>>) target(%dma_start3A_55 : memref<512xf32, #tpu.memory_space<hbm>>) target_semaphore(%run_scoped3A : memref<!tpu.dma_semaphore, #tpu.memory_space<semaphore_mem>>)
      %dma_wait3A_56 = tpu.memref_slice %arg5[%mul3A_2] : memref<16384xf32, #tpu.memory_space<hbm>> -> memref<512xf32, #tpu.memory_space<hbm>>
      %dma_wait3A_57 = tpu.memref_slice %arg5[%mul3A_2] : memref<16384xf32, #tpu.memory_space<hbm>> -> memref<512xf32, #tpu.memory_space<hbm>>
      tpu.wait_dma2 semaphore(%run_scoped3A : memref<!tpu.dma_semaphore, #tpu.memory_space<semaphore_mem>>) src(%arg10 : memref<512xf32, #tpu.memory_space<vmem>>) dst(%dma_wait3A_57 : memref<512xf32, #tpu.memory_space<hbm>>)
      tpu.yield
    }) : () -> ()
    "tpu.region"() ({
      %run_scoped3A = tpu.sem_alloc : memref<!tpu.dma_semaphore, #tpu.memory_space<semaphore_mem>>
      %dma_start3A_54 = tpu.memref_slice %arg6[%mul3A_2] : memref<16384xf32, #tpu.memory_space<hbm>> -> memref<512xf32, #tpu.memory_space<hbm>>
      %dma_start3A_55 = tpu.memref_slice %arg6[%mul3A_2] : memref<16384xf32, #tpu.memory_space<hbm>> -> memref<512xf32, #tpu.memory_space<hbm>>
      tpu.enqueue_dma source(%arg11 : memref<512xf32, #tpu.memory_space<vmem>>) target(%dma_start3A_55 : memref<512xf32, #tpu.memory_space<hbm>>) target_semaphore(%run_scoped3A : memref<!tpu.dma_semaphore, #tpu.memory_space<semaphore_mem>>)
      %dma_wait3A_56 = tpu.memref_slice %arg6[%mul3A_2] : memref<16384xf32, #tpu.memory_space<hbm>> -> memref<512xf32, #tpu.memory_space<hbm>>
      %dma_wait3A_57 = tpu.memref_slice %arg6[%mul3A_2] : memref<16384xf32, #tpu.memory_space<hbm>> -> memref<512xf32, #tpu.memory_space<hbm>>
      tpu.wait_dma2 semaphore(%run_scoped3A : memref<!tpu.dma_semaphore, #tpu.memory_space<semaphore_mem>>) src(%arg11 : memref<512xf32, #tpu.memory_space<vmem>>) dst(%dma_wait3A_57 : memref<512xf32, #tpu.memory_space<hbm>>)
      tpu.yield
    }) : () -> ()
    return
  }
}

module attributes {stable_mosaic.version = 14 : i64} {
  func.func @_matmul_kernel(%arg0: i32, %arg1: i32, %arg2: memref<64x1024xf32, #tpu.memory_space<vmem>>, %arg3: memref<2048x1024xf32, #tpu.memory_space<vmem>>, %arg4: memref<64x2048xf32, #tpu.memory_space<vmem>>) attributes {dimension_semantics = [#tpu.dimension_semantics<arbitrary>, #tpu.dimension_semantics<arbitrary>], iteration_bounds = array<i64: 8, 2>, scalar_prefetch = 0 : i64, scratch_operands = 0 : i64, tpu.core_type = #tpu.core_type<tc>, window_params = [{transform_indices = @transform_0, window_bounds = array<i64: 64, 1024>}, {transform_indices = @transform_1, window_bounds = array<i64: 2048, 1024>}, {transform_indices = @transform_2, window_bounds = array<i64: 64, 2048>}]} {
    %get3A = arith.constant 0 : index
    %get3A_0 = arith.constant 0 : index
    %get3A_1 = vector.load %arg2[%get3A, %get3A_0] : memref<64x1024xf32, #tpu.memory_space<vmem>>, vector<64x1024xf32>
    %get3A_2 = arith.constant 0 : index
    %get3A_3 = arith.constant 0 : index
    %get3A_4 = vector.load %arg3[%get3A_2, %get3A_3] : memref<2048x1024xf32, #tpu.memory_space<vmem>>, vector<2048x1024xf32>
    %dot_general3A = arith.constant dense<0.000000e+00> : vector<64x2048xf32>
    %dot_general3A_5 = tpu.matmul %get3A_1, %get3A_4, %dot_general3A {dimension_numbers = #tpu.dot_dimension_numbers<[1], [1], [0], [0], [0, 0, 1, 0], [], []>, transpose_lhs_hint = false} : vector<64x1024xf32>, vector<2048x1024xf32>, vector<64x2048xf32> -> vector<64x2048xf32>
    %eq3A = arith.constant 0 : i32
    %eq3A_6 = arith.cmpi eq, %arg1, %eq3A : i32
    %convert_element_type3A = arith.extui %eq3A_6 : i1 to i32
    %cond3A = arith.constant 0 : i32
    %cond3A_7 = arith.cmpi ne, %convert_element_type3A, %cond3A : i32
    scf.if %cond3A_7 {
      %swap3A = arith.constant 0 : index
      %swap3A_12 = arith.constant 0 : index
      %swap3A_13 = vector.load %arg4[%swap3A, %swap3A_12] : memref<64x2048xf32, #tpu.memory_space<vmem>>, vector<64x2048xf32>
      tpu.vector_store %arg4[%swap3A, %swap3A_12], %dot_general3A_5 {strides = array<i32>} : memref<64x2048xf32, #tpu.memory_space<vmem>>, vector<64x2048xf32>,
    } else {
    }
    %ne3A = arith.constant 0 : i32
    %ne3A_8 = arith.cmpi ne, %arg1, %ne3A : i32
    %convert_element_type3A_9 = arith.extui %ne3A_8 : i1 to i32
    %cond3A_10 = arith.constant 0 : i32
    %cond3A_11 = arith.cmpi ne, %convert_element_type3A_9, %cond3A_10 : i32
    scf.if %cond3A_11 {
      %get3A_12 = arith.constant 0 : index
      %get3A_13 = arith.constant 0 : index
      %get3A_14 = vector.load %arg4[%get3A_12, %get3A_13] : memref<64x2048xf32, #tpu.memory_space<vmem>>, vector<64x2048xf32>
      %add3A = arith.addf %get3A_14, %dot_general3A_5 : vector<64x2048xf32>
      %swap3A = arith.constant 0 : index
      %swap3A_15 = arith.constant 0 : index
      %swap3A_16 = vector.load %arg4[%swap3A, %swap3A_15] : memref<64x2048xf32, #tpu.memory_space<vmem>>, vector<64x2048xf32>
      tpu.vector_store %arg4[%swap3A, %swap3A_15], %add3A {strides = array<i32>} : memref<64x2048xf32, #tpu.memory_space<vmem>>, vector<64x2048xf32>,
    } else {
    }
    return
  }
  func.func @transform_0(%arg0: i32, %arg1: i32) -> (i32, i32) {
    %c0_i32 = arith.constant 0 : i32
    %c0_i32_0 = arith.constant 0 : i32
    return %c0_i32, %arg1 : i32, i32
  }
  func.func @transform_1(%arg0: i32, %arg1: i32) -> (i32, i32) {
    %c0_i32 = arith.constant 0 : i32
    return %arg0, %arg1 : i32, i32
  }
  func.func @transform_2(%arg0: i32, %arg1: i32) -> (i32, i32) {
    %c0_i32 = arith.constant 0 : i32
    %c0_i32_0 = arith.constant 0 : i32
    return %c0_i32, %arg0 : i32, i32
  }
}

</mosaic_0001>

<sc_bundles>
// kernel: kernel.4.cloned.1.call-start
scs
__scs_entry_jumppad:
0x0: {  	(pc) =	sbr.rel $0x88, $3  }
0x1: {  	(tag) =	ssettag $0x0;
	lr =	simm.s32 $0x1  }
0x2: {  	[smem:$0x3F9F] =	sst lr;
	_ =	strace $0xD0000000  }
0x3: {  	_ = 	snop  }
0x4: {  	_ = 	snop  }
0x5: {  	_ = 	snop  }
0x6: {  	_ = 	snop  }
0x7: {  	_ = 	snop  }
__scs_overlays_trampoline_lowered:
0x8: {  	[smem:$0x3FAE] =	sst s0  }
0x9: {  	[smem:$0x3FAF] =	sst s1  }
0xa: {  	[smem:$0x3FB0] =	sst s2  }
0xb: {  	[smem:$0x3FB1] =	sst s3  }
0xc: {  	[smem:$0x3FB2] =	sst s4  }
0xd: {  	[smem:$0x3FB3] =	sst s5  }
0xe: {  	[smem:$0x3FB4] =	sst s6  }
0xf: {  	[smem:$0x3FB5] =	sst s7  }
0x10: {  	[smem:$0x3FB6] =	sst s8  }
0x11: {  	[smem:$0x3FB7] =	sst s9;
	s0 =	simm.s32 @!p0 $0x0  }
0x12: {  	s1 =	sld [smem:$0x3F9D];
	s0 =	simm.s32 @p0 $0x1  }
0x13: {  	[smem:$0x3FB8] =	sst s0;
	s0 =	simm.s32 @!p1 $0x0  }
0x14: {  	s2 =	sld [smem:$0x3F9C];
	s0 =	simm.s32 @p1 $0x1  }
0x15: {  	[smem:$0x3FB9] =	sst s0;
	s0 =	simm.s32 @!p2 $0x0  }
0x16: {  	s3 =	sld [smem:$0x3FDB];
	s0 =	simm.s32 @p2 $0x1  }
0x17: {  	s4 =	simm.s32 $0x1BF5;
	[smem:$0x3FBB] =	sst s0  }
0x18: {  	s0 =	sld [smem:$0x3F9E];
	_ =	swait.ge [sflag:s4], $0x0  }
0x19: {  	s7 =	sld [smem:$0x3F9F]  }
0x1a: {  	s8 =	sadd.s32 $0xFFFFE003, lr  }
0x1b: {  	s9 =	sadd.s32 $0xFFFFFEF7, lr;
	s5 =	simm.s32 $0xFFFFFFFF;
	p2 =	slt.u32 s8, $0xFFFFF086  }
0x1c: {  	p1 =	slt.u32 s9, $0xF7A;
	s5 =	simm.s32 @!p2 $0x0  }
0x1d: {  	s5 =	simm.s32 @p1 $0x1;
	p0 =	seq.s32 s7, s2  }
0x1e: {  	s7 =	smul.u32 @!p0 $0xF7A, s2;
	p2 =	seq.s32 @!p0 s5, $0x0  }
0x1f: {  	s9 =	smul.u32 $0xF7A, s1;
	s8 =	simm.s32 @!p0 $0x1BF5;
	p2 =	por !p2, p0  }
0x20: {  	[sflag:s8] =	ssyncset.s32 @!p0 $0xFFFFF086;
	s6 =	sadd.s32 @!p0 s3, s7;
	s7 =	simm.s32 @!p0 $0x108  }
0x21: {  	s3 =	sadd.s32 s3, s9;
	s6 =	sadd.s32 @!p0 $0x88, s6;
	s7 =	simm.s32 @p2 $0x1082  }
0x22: {  	[simem:s7], [sflag:s8] =	dma.local @!p0 [hbm:s6], $0xF7A  }
0x23: {  	s9 =	sor.u32 $0xD0000000, s2;
	s6 =	simm.s32 $0x108;
	_ =	swait.ge @!p0 [sflag:s8], $0x0  }
0x24: {  	s3 =	sadd.s32 $0x88, s3;
	s6 =	simm.s32 @!p1 $0x1082;
	[sflag:s4] =	ssyncset.s32 $0xFFFFF086  }
0x25: {  	[simem:s6], [sflag:s4] =	dma.local [hbm:s3], $0xF7A  }
0x26: {  	[smem:$0x3F9F] =	sst s1;
	(tag) =	ssettag s2;
	_ =	strace s9  }
0x27: {  	s1 =	sld [smem:$0x3FAF]  }
0x28: {  	s2 =	sld [smem:$0x3FB0]  }
0x29: {  	s4 =	sld [smem:$0x3FB2]  }
0x2a: {  	p0 =	seq.s32 s5, $0x0;
	s5 =	sld [smem:$0x3FB3]  }
0x2b: {  	s6 =	sld [smem:$0x3FB4]  }
0x2c: {  	s7 =	sld [smem:$0x3FB5]  }
0x2d: {  	s3 =	simm.s32 $0x108;
	s8 =	sld [smem:$0x3FB6]  }
0x2e: {  	s3 =	simm.s32 @!p0 $0x1082;
	s9 =	sld [smem:$0x3FB7]  }
0x2f: {  	lr =	sadd.s32 s0, s3;
	s0 =	sld [smem:$0x3FAE]  }
0x30: {  	s3 =	sld [smem:$0x3FB1]  }
0x31: {  	[smem:$0x3FBA] =	sst s10  }
0x32: {  	s10 =	sld [smem:$0x3FB8];
	_ =	sdelay $0x3  }
0x33: {  	p0 =	seq.s32 s10, $0x1;
	s10 =	sld [smem:$0x3FBA];
	_ =	sdelay $0x3  }
0x34: {  	[smem:$0x3FBA] =	sst s10  }
0x35: {  	s10 =	sld [smem:$0x3FB9];
	_ =	sdelay $0x3  }
0x36: {  	p1 =	seq.s32 s10, $0x1;
	s10 =	sld [smem:$0x3FBA];
	_ =	sdelay $0x3  }
0x37: {  	[smem:$0x3FBA] =	sst s10  }
0x38: {  	s10 =	sld [smem:$0x3FBB]  }
0x39: {  	_ = 	snop;
	(pc) =	sbr.ind lr, $3  }
0x3a: {  	_ = 	snop  }
0x3b: {  	_ = 	snop  }
0x3c: {  	p2 =	seq.s32 s10, $0x1;
	s10 =	sld [smem:$0x3FBA]  }
0x3d: {  	_ =	shalt  }
0x3e: {  	_ =	shalt  }
0x3f: {  	_ =	shalt  }
0x40: {  	_ =	shalt  }
0x41: {  	_ =	shalt  }
0x42: {  	_ =	shalt  }
0x43: {  	_ =	shalt  }
0x44: {  	_ =	shalt  }
0x45: {  	_ =	shalt  }
0x46: {  	_ =	shalt  }
0x47: {  	_ =	shalt  }
0x48: {  	_ =	shalt  }
0x49: {  	_ =	shalt  }
0x4a: {  	_ =	shalt  }
0x4b: {  	_ =	shalt  }
0x4c: {  	_ =	shalt  }
0x4d: {  	_ =	shalt  }
0x4e: {  	_ =	shalt  }
0x4f: {  	_ =	shalt  }
0x50: {  	_ =	shalt  }
0x51: {  	_ =	shalt  }
0x52: {  	_ =	shalt  }
0x53: {  	_ =	shalt  }
0x54: {  	_ =	shalt  }
0x55: {  	_ =	shalt  }
0x56: {  	_ =	shalt  }
0x57: {  	_ =	shalt  }
0x58: {  	_ =	shalt  }
0x59: {  	_ =	shalt  }
0x5a: {  	_ =	shalt  }
0x5b: {  	_ =	shalt  }
0x5c: {  	_ =	shalt  }
0x5d: {  	_ =	shalt  }
0x5e: {  	_ =	shalt  }
0x5f: {  	_ =	shalt  }
0x60: {  	_ =	shalt  }
0x61: {  	_ =	shalt  }
0x62: {  	_ =	shalt  }
0x63: {  	_ =	shalt  }
0x64: {  	_ =	shalt  }
0x65: {  	_ =	shalt  }
0x66: {  	_ =	shalt  }
0x67: {  	_ =	shalt  }
0x68: {  	_ =	shalt  }
0x69: {  	_ =	shalt  }
0x6a: {  	_ =	shalt  }
0x6b: {  	_ =	shalt  }
0x6c: {  	_ =	shalt  }
0x6d: {  	_ =	shalt  }
0x6e: {  	_ =	shalt  }
0x6f: {  	_ =	shalt  }
0x70: {  	_ =	shalt  }
0x71: {  	_ =	shalt  }
0x72: {  	_ =	shalt  }
0x73: {  	_ =	shalt  }
0x74: {  	_ =	shalt  }
0x75: {  	_ =	shalt  }
0x76: {  	_ =	shalt  }
0x77: {  	_ =	shalt  }
0x78: {  	_ =	shalt  }
0x79: {  	_ =	shalt  }
0x7a: {  	_ =	shalt  }
0x7b: {  	_ =	shalt  }
0x7c: {  	_ =	shalt  }
0x7d: {  	_ =	shalt  }
0x7e: {  	_ =	shalt  }
0x7f: {  	_ =	shalt  }
0x80: {  	_ =	shalt  }
0x81: {  	_ =	shalt  }
0x82: {  	_ =	shalt  }
0x83: {  	_ =	shalt  }
0x84: {  	_ =	shalt  }
0x85: {  	_ =	shalt  }
0x86: {  	_ =	shalt  }
0x87: {  	_ =	shalt  }
.Lfunc_end0:
.L_simem_size_0:
called_computation_lowered:
.L_overlay_start_0:
0x88: {  	s2 =	sld [smem:$0x3FD9]  }
0x89: {  	s3 =	sld [smem:$0x3FFE];
	_ =	sdelay $0x1  }
0x8a: {  	s1 =	srdreg.scid  }
0x8b: {  	s0 =	sand.u32 $0x1, s1  }
0x8c: {  	s14 =	sshll.u32 s0, $0xA;
	s2 =	sadd.s32 s3, s2  }
0x8d: {  	s2 =	sadd.s32 s2, s14  }
0x8e: {  	[smem:$0x3FC6] =	sst s2  }
0x8f: {  	_ = 	snop  }
0x90: {  	s2 =	sld [smem:$0x3FD0];
	_ =	sdelay $0x2  }
0x91: {  	s15 =	simm.s32 $0xA;
	s4 =	simm.s32 $0x10  }
0x92: {  	[smem:s4], [sflag:s15] =	dma.local [hbm:s2], $0x1  }
0x93: {  	_ =	swait.eq [sflag:s15], $0x1  }
0x94: {  	[sflag:s15] =	ssyncset.done $0x0  }
0x95: {  	[sflag:s15] =	ssyncadd.s32 $0xFFFFFFFF  }
0x96: {  	s16 =	sld [smem:$0x11];
	(tm) =	ssettm $0x1  }
0x97: {  	s17 =	sld [smem:$0x3FFB];
	_ =	sdelay $0x3  }
0x98: {  	_ =	strace s17  }
0x99: {  	s3 =	sld [smem:$0x3FFC];
	_ =	sdelay $0x3  }
0x9a: {  	_ =	strace s3  }
0x9b: {  	s3 =	sld [smem:$0x3FFD];
	_ =	sdelay $0x3  }
0x9c: {  	_ =	strace s3  }
0x9d: {  	_ =	strace $0x8FFFFFFF  }
0x9e: {  	s18 =	sld [smem:$0x3FDB];
	_ =	sdelay $0x1  }
0x9f: {  	s19 =	simm.s32 $_scs_section_size  }
0xa0: {  	s5 =	simm.s32 $_size__tile_overlayer_lowered;
	s6 =	simm.s32 $_tile_overlayer_lowered  }
0xa1: {  	s22 =	simm.s32 $0x1BFF;
	s21 =	sshll.u32 s6, $0x1;
	s3 =	sadd.s32 s19, s18  }
0xa2: {  	s7 =	simm.s32 $0x0;
	s20 =	sshll.u32 s5, $0x1;
	s5 =	sadd.s32 s21, s3  }
0xa3: {  	[timem:s7], [sflag:s22] =	dma.local [hbm:s5], s20  }
0xa4: {  	_ =	swait.ge [sflag:s22], s20  }
0xa5: {  	s4 =	ssub.s32 $0x0, s20;
	[sflag:s22] =	ssyncset.done $0x0  }
0xa6: {  	[sflag:s22] =	ssyncadd.s32 s4;
	_ =	sdelay $0x1  }
0xa7: {  	s23 =	simm.s32 $0x1B8B  }
0xa8: {  	_ =	swait.ge [sflag:s23], $0x1  }
0xa9: {  	[sflag:s23] =	ssyncset.done $0x0  }
0xaa: {  	s25 =	simm.s32 $0x1B8E;
	s24 =	sld [smem:$0x3FFE];
	[sflag:s23] =	ssyncadd.s32 $0xFFFFFFFF  }
0xab: {  	s26 =	simm.s32 $execute0_lowered;
	[smem:$0x3FD2] =	sst s25  }
0xac: {  	s5 =	sshll.u32 s26, $0x1;
	_ =	strace $0x80000046;
	[dreg:$0x1] =	wrdreg $0xFFFFFFFF  }
0xad: {  	s28 =	simm.s32 $_size_execute0_lowered;
	s3 =	sadd.s32 s3, s5;
	[dreg:$0x0] =	wrdreg $0x0  }
0xae: {  	s5 =	sshll.u32 s28, $0x1;
	[dreg:$0x2] =	wrdreg s3  }
0xaf: {  	[dreg:$0x3] =	wrdreg s5  }
0xb0: {  	[dreg:$0x4] =	wrdreg $0xC0  }
0xb1: {  	_ =	task [dreg:s7], $0x5FFFF  }
0xb2: {  	[dreg:$0x1] =	wrdreg $0xFFFFFFFF  }
0xb3: {  	[dreg:$0x0] =	wrdreg $0x60  }
0xb4: {  	[dreg:$0x2] =	wrdreg s24  }
0xb5: {  	[dreg:$0x3] =	wrdreg s16  }
0xb6: {  	[dreg:$0x4] =	wrdreg $0x9  }
0xb7: {  	_ =	task.clear_ibuf [dreg:s7], $0x5FFFF;
	_ =	strace $0x90000046  }
0xb8: {  	s29 =	simm.s32 $0x9;
	_ =	strace $0x80000048  }
0xb9: {  	_ =	swait.ge [sflag:s29], $0x1  }
0xba: {  	[sflag:s29] =	ssyncadd.s32 $0xFFFFFFFF  }
0xbb: {  	_ =	strace $0x90000048  }
0xbc: {  	_ =	sfence  }
0xbd: {  	s30 =	sld [smem:$0x0];
	_ =	sdelay $0x2  }
0xbe: {  	s31 =	sshll.u32 s1, $0xD;
	s1 =	sshrl.u32 s1, $0x2  }
0xbf: {  	s3 =	sand.u32 $0x4000, s31;
	s1 =	sadd.s32 s1, s30  }
0xc0: {  	s0 =	sor.u32 s3, s0;
	s1 =	sshll.u32 s1, $0x11  }
0xc1: {  	s0 =	sor.u32 s1, s0  }
0xc2: {  	s0 =	sadd.s32 $0x8F2B, s0  }
0xc3: {  	[sflag:s0] =	ssyncadd.remote.s32 $0x1  }
0xc4: {  	_ =	sfence.sel $0xFFFF  }
0xc5: {  	[dreg:$0x0] =	wrdreg $0xFFFFFFFF;
	(pc) =	sbr.abs _section_cstart, $3  }
0xc6: {  	[dreg:$0x1] =	wrdreg $0xFFFFFFFF  }
0xc7: {  	_ =	task.clear_ibuf [dreg:s7], $0x2FFFF;
	_ =	strace $0x9FFFFFFF  }
0xc8: {  	(tm) =	ssettm $0x7FFFFFFF  }
0xc9: {  	_ =	shalt  }
tec
execute0_lowered:
.L_overlay_start_1:
0x0: {  	(tag) =	ssettag $0x1  }
0x1: {  	s0 =	rddreg [dreg:$0x0]  }
0x2: {  	s1 =	rddreg [dreg:$0x1];
	s2 =	srdreg.scid  }
0x3: {  	s4 =	stileid.u32;
	s31 =	simm.s32 $0x1;
	s24 =	simm.s32 $0x3  }
0x4: {  	s29 =	simm.s32 $0x0;
	s3 =	sand.u32 $0x1, s2;
	s2 =	simm.s32 $0x0  }
0x5: {  	s4 =	sshll.u32 s4, $0xA;
	s5 =	sshll.u32 s3, $0x9;
	[smem:$0x7FF] =	sst s2  }
0x6: {  	s3 =	ssub.s32 $0x2, s3;
	s4 =	sor.u32 s5, s4;
	_ =	strace $0x80000047  }
0x7: {  	s6 =	sshrl.u32 s3, $0x1;
	s5 =	sshrl.u32 s4, $0x3;
	s4 =	sadd.s32 s4, s0  }
0x8: {  	s3 =	ssub.s32 s3, s6;
	s0 =	sadd.s32 s5, s0;
	s28 =	sadd.s32 $0xC00, s4  }
0x9: {  	s30 =	sadd.s32 $0xD00, s4;
	s1 =	sadd.s32 s1, s5;
	s9 =	smax.u32 s3, $0x1  }
0xa: {  	s10 =	sadd.s32 $0x4C00, s4;
	s11 =	sadd.s32 $0x8C00, s4;
	s12 =	sadd.s32 $0xCC00, s4  }
0xb: {  	s13 =	sadd.s32 $0x10C00, s4;
	s14 =	sadd.s32 $0x14C00, s4;
	s15 =	sadd.s32 $0x18C00, s4  }
0xc: {  	s16 =	sadd.s32 $0x1CC00, s4;
	s17 =	sadd.s32 $0x4D00, s4;
	s18 =	sadd.s32 $0x8D00, s4  }
0xd: {  	s19 =	sadd.s32 $0xCD00, s4;
	s20 =	sadd.s32 $0x10D00, s4;
	[dreg:$0x3] =	wrdreg s28  }
0xe: {  	s21 =	sadd.s32 $0x14D00, s4;
	s22 =	sadd.s32 $0x18D00, s4;
	[dreg:$0x4] =	wrdreg s30  }
0xf: {  	s23 =	sadd.s32 $0x1CD00, s4;
	[dreg:$0x5] =	wrdreg s1;
	s6 =	sadd.s32 $0x20C00, s0  }
0x10: {  	v0 =	vimm.s32 $0x0;
	s7 =	sadd.s32 $0x21400, s0;
	s8 =	sadd.s32 $0x21C00, s0;
	s0 =	simm.s32 $0x2  }
.LBB2_1:
0x11: {  	s1 =	rddreg [dreg:$0x3]  }
0x12: {  	[tilespmem:s2], [sflag:$0x1] =	stream.linear.gather [hbm4b:s1+s2], $0x800, $0x38;
	[tilespmem:$0x8800] =	vst v63  }
0x13: {  	s3 =	simm.s32 $0x1000  }
0x14: {  	[tilespmem:s3], [sflag:$0x1] =	stream.linear.gather [hbm4b:s10+s2], $0x800, $0x38;
	[tilespmem:$0x8800] =	vst v63  }
0x15: {  	s4 =	simm.s32 $0x2000  }
0x16: {  	[tilespmem:s4], [sflag:$0x1] =	stream.linear.gather [hbm4b:s11+s2], $0x800, $0x38;
	[tilespmem:$0x8800] =	vst v63  }
0x17: {  	s5 =	simm.s32 $0x3000  }
0x18: {  	[tilespmem:s5], [sflag:$0x1] =	stream.linear.gather [hbm4b:s12+s2], $0x800, $0x38;
	[tilespmem:$0x8800] =	vst v63  }
0x19: {  	s25 =	simm.s32 $0x4000  }
0x1a: {  	[tilespmem:s25], [sflag:$0x1] =	stream.linear.gather [hbm4b:s13+s2], $0x800, $0x38;
	[tilespmem:$0x8800] =	vst v63  }
0x1b: {  	s26 =	simm.s32 $0x5000  }
0x1c: {  	[tilespmem:s26], [sflag:$0x1] =	stream.linear.gather [hbm4b:s14+s2], $0x800, $0x38;
	[tilespmem:$0x8800] =	vst v63  }
0x1d: {  	s3 =	simm.s32 $0x6000  }
0x1e: {  	[tilespmem:s3], [sflag:$0x1] =	stream.linear.gather [hbm4b:s15+s2], $0x800, $0x38;
	[tilespmem:$0x8800] =	vst v63  }
0x1f: {  	s4 =	simm.s32 $0x7000  }
0x20: {  	[tilespmem:s4], [sflag:$0x1] =	stream.linear.gather [hbm4b:s16+s2], $0x800, $0x38;
	[tilespmem:$0x8800] =	vst v63  }
0x21: {  	s5 =	rddreg [dreg:$0x4];
	s3 =	simm.s32 $0x800  }
0x22: {  	[tilespmem:s3], [sflag:$0x2] =	stream.linear.gather [hbm4b:s5+s2], $0x800, $0x38;
	[tilespmem:$0x8800] =	vst v63  }
0x23: {  	s25 =	simm.s32 $0x1800  }
0x24: {  	[tilespmem:s25], [sflag:$0x2] =	stream.linear.gather [hbm4b:s17+s2], $0x800, $0x38;
	[tilespmem:$0x8800] =	vst v63  }
0x25: {  	s26 =	simm.s32 $0x2800  }
0x26: {  	[tilespmem:s26], [sflag:$0x2] =	stream.linear.gather [hbm4b:s18+s2], $0x800, $0x38;
	[tilespmem:$0x8800] =	vst v63  }
0x27: {  	s3 =	simm.s32 $0x3800  }
0x28: {  	[tilespmem:s3], [sflag:$0x2] =	stream.linear.gather [hbm4b:s19+s2], $0x800, $0x38;
	[tilespmem:$0x8800] =	vst v63  }
0x29: {  	s4 =	simm.s32 $0x4800  }
0x2a: {  	[tilespmem:s4], [sflag:$0x2] =	stream.linear.gather [hbm4b:s20+s2], $0x800, $0x38;
	[tilespmem:$0x8800] =	vst v63  }
0x2b: {  	s5 =	simm.s32 $0x5800  }
0x2c: {  	[tilespmem:s5], [sflag:$0x2] =	stream.linear.gather [hbm4b:s21+s2], $0x800, $0x38;
	[tilespmem:$0x8800] =	vst v63  }
0x2d: {  	s25 =	simm.s32 $0x6800  }
0x2e: {  	[tilespmem:s25], [sflag:$0x2] =	stream.linear.gather [hbm4b:s22+s2], $0x800, $0x38;
	[tilespmem:$0x8800] =	vst v63  }
0x2f: {  	s26 =	simm.s32 $0x7800  }
0x30: {  	[tilespmem:s26], [sflag:$0x2] =	stream.linear.gather [hbm4b:s23+s2], $0x800, $0x38;
	[tilespmem:$0x8800] =	vst v63  }
0x31: {  	s30 =	simm.s32 $0x8600;
	s28 =	simm.s32 $0x0;
	_ =	swait.ge [sflag:s31], $0x4000  }
0x32: {  	s1 =	simm.s32 $0x8400;
	s3 =	simm.s32 $0x0;
	[sflag:s31] =	ssyncset.done $0x0  }
0x33: {  	s25 =	simm.s32 $0x8200;
	s26 =	simm.s32 $0x8000;
	[sflag:s31] =	ssyncadd.s32 $0xFFFFC000  }
.LBB2_2:
0x34: {  	s4 =	sand.u32 $0x70, s3;
	s5 =	sand.u32 $0x400, s28  }
0x35: {  	s4 =	sor.u32 s4, s5  }
0x36: {  	v1 =	vld [tilespmem:s4+$0x0]  }
0x37: {  	v2 =	vld [tilespmem:s4+$0x80];
	_ =	sdelay $0x1  }
0x38: {  	v3 =	vld [tilespmem:s4+$0x100];
	_ =	sdelay $0x1  }
0x39: {  	v4 =	vld [tilespmem:s4+$0x180]  }
0x3a: {  	vm0 =	vgt.f32 v2, v1;
	vm1 =	vlt.f32 v2, $-Inf;
	vm2 =	vgt.f32 v2, $-Inf  }
0x3b: {  	v8 =	vld [tilespmem:s4+$0x200];
	v6 =	vmin.f32 v2, v1;
	v1 =	vmax.f32 v1, v2;
	vm3 =	vmneg vm0  }
0x3c: {  	vm1 =	vmor vm2, vm1;
	v7 =	vsel vm0, $0x1, v0;
	vm12 =	vgt.f32 v3, v6  }
0x3d: {  	vm13 =	vgt.f32 v3, v1;
	v14 =	vmin.f32 v3, v1;
	v1 =	vmax.f32 v1, v3  }
0x3e: {  	vm1 =	vmand vm3, vm1;
	v15 =	vsel vm13, $0x2, v7;
	vm15 =	vgt.f32 v4, v1  }
0x3f: {  	v16 =	vld [tilespmem:s4+$0x280];
	v3 =	vmin.f32 v4, v1;
	v1 =	vmax.f32 v1, v4;
	v5 =	vsel vm1, $0x1, v0  }
0x40: {  	v17 =	vsel vm15, $0x3, v15;
	vm5 =	vgt.f32 v8, v1;
	v2 =	vsel vm12, $0x2, v5  }
0x41: {  	v18 =	vld [tilespmem:s4+$0x300];
	v5 =	vmax.f32 v6, v14;
	v19 =	vsel vm5, $0x4, v17;
	v2 =	vsel vm13, v7, v2  }
0x42: {  	vm14 =	vgt.f32 v4, v5;
	v3 =	vmax.f32 v5, v3;
	v4 =	vmin.f32 v8, v1  }
0x43: {  	v21 =	vld [tilespmem:s4+$0x380];
	v1 =	vmax.f32 v1, v8;
	v2 =	vsel vm14, $0x3, v2;
	vm4 =	vgt.f32 v8, v3  }
0x44: {  	v3 =	vmax.f32 v3, v4;
	vm7 =	vgt.f32 v16, v1;
	v20 =	vmin.f32 v16, v1  }
0x45: {  	v23 =	vld [tilespmem:s4+$0x1000];
	v1 =	vmax.f32 v1, v16;
	v2 =	vsel vm15, v15, v2;
	vm6 =	vgt.f32 v16, v3  }
0x46: {  	v3 =	vmax.f32 v3, v20;
	v4 =	vsel vm7, $0x5, v19;
	vm9 =	vgt.f32 v18, v1  }
0x47: {  	v25 =	vld [tilespmem:s4+$0x1080];
	v22 =	vmin.f32 v18, v1;
	v1 =	vmax.f32 v1, v18;
	v2 =	vsel vm4, $0x4, v2  }
0x48: {  	vm8 =	vgt.f32 v18, v3;
	v3 =	vmax.f32 v3, v22;
	vm11 =	vgt.f32 v21, v1  }
0x49: {  	v27 =	vld [tilespmem:s4+$0x1100];
	v24 =	vmin.f32 v21, v1;
	v1 =	vmax.f32 v1, v21;
	v2 =	vsel vm5, v17, v2  }
0x4a: {  	vm10 =	vgt.f32 v21, v3;
	v3 =	vmax.f32 v3, v24;
	vm13 =	vgt.f32 v23, v1  }
0x4b: {  	v29 =	vld [tilespmem:s4+$0x1180];
	v26 =	vmin.f32 v23, v1;
	v1 =	vmax.f32 v1, v23;
	v2 =	vsel vm6, $0x5, v2  }
0x4c: {  	vm12 =	vgt.f32 v23, v3;
	v3 =	vmax.f32 v3, v26;
	vm15 =	vgt.f32 v25, v1  }
0x4d: {  	v28 =	vmin.f32 v25, v1;
	v1 =	vmax.f32 v1, v25;
	v2 =	vsel vm7, v19, v2  }
0x4e: {  	v31 =	vld [tilespmem:s4+$0x1200];
	vm14 =	vgt.f32 v25, v3;
	v3 =	vmax.f32 v3, v28;
	vm5 =	vgt.f32 v27, v1  }
0x4f: {  	v30 =	vmin.f32 v27, v1;
	v1 =	vmax.f32 v1, v27;
	v2 =	vsel vm8, $0x6, v2  }
0x50: {  	v33 =	vld [tilespmem:s4+$0x1280];
	vm4 =	vgt.f32 v27, v3;
	v3 =	vmax.f32 v3, v30;
	vm7 =	vgt.f32 v29, v1  }
0x51: {  	v32 =	vmin.f32 v29, v1;
	v1 =	vmax.f32 v1, v29;
	v2 =	vsel vm9, v4, v2  }
0x52: {  	v35 =	vld [tilespmem:s4+$0x1300];
	v4 =	vsel vm9, $0x6, v4;
	vm6 =	vgt.f32 v29, v3;
	v3 =	vmax.f32 v3, v32  }
0x53: {  	vm9 =	vgt.f32 v31, v1;
	v34 =	vmin.f32 v31, v1;
	v1 =	vmax.f32 v1, v31  }
0x54: {  	v2 =	vsel vm10, $0x7, v2;
	vm8 =	vgt.f32 v31, v3;
	v3 =	vmax.f32 v3, v34  }
0x55: {  	v37 =	vld [tilespmem:s4+$0x1380];
	v36 =	vmin.f32 v33, v1;
	v2 =	vsel vm11, v4, v2;
	v4 =	vsel vm11, $0x7, v4  }
0x56: {  	vm10 =	vgt.f32 v33, v3;
	vm11 =	vgt.f32 v33, v1;
	v3 =	vmax.f32 v3, v36  }
0x57: {  	v1 =	vmax.f32 v1, v33;
	v2 =	vsel vm12, $0x8, v2;
	vm12 =	vgt.f32 v35, v3  }
0x58: {  	v39 =	vld [tilespmem:s4+$0x2000];
	v38 =	vmin.f32 v35, v1;
	v2 =	vsel vm13, v4, v2;
	v4 =	vsel vm13, $0x8, v4  }
0x59: {  	vm13 =	vgt.f32 v35, v1;
	v3 =	vmax.f32 v3, v38;
	v1 =	vmax.f32 v1, v35  }
0x5a: {  	v41 =	vld [tilespmem:s4+$0x2080];
	v2 =	vsel vm14, $0x9, v2;
	vm14 =	vgt.f32 v37, v3;
	v40 =	vmin.f32 v37, v1  }
0x5b: {  	v2 =	vsel vm15, v4, v2;
	v4 =	vsel vm15, $0x9, v4;
	vm15 =	vgt.f32 v37, v1  }
0x5c: {  	v3 =	vmax.f32 v3, v40;
	v1 =	vmax.f32 v1, v37;
	v2 =	vsel vm4, $0xA, v2  }
0x5d: {  	v43 =	vld [tilespmem:s4+$0x2100];
	vm4 =	vgt.f32 v39, v3;
	v42 =	vmin.f32 v39, v1;
	v2 =	vsel vm5, v4, v2  }
0x5e: {  	v4 =	vsel vm5, $0xA, v4;
	vm5 =	vgt.f32 v39, v1;
	v3 =	vmax.f32 v3, v42  }
0x5f: {  	v1 =	vmax.f32 v1, v39;
	v2 =	vsel vm6, $0xB, v2;
	vm6 =	vgt.f32 v41, v3  }
0x60: {  	v45 =	vld [tilespmem:s4+$0x2180];
	v44 =	vmin.f32 v41, v1;
	v2 =	vsel vm7, v4, v2;
	v4 =	vsel vm7, $0xB, v4  }
0x61: {  	vm7 =	vgt.f32 v41, v1;
	v3 =	vmax.f32 v3, v44;
	v1 =	vmax.f32 v1, v41  }
0x62: {  	v47 =	vld [tilespmem:s4+$0x2200];
	v2 =	vsel vm8, $0xC, v2;
	vm8 =	vgt.f32 v43, v3;
	v46 =	vmin.f32 v43, v1  }
0x63: {  	v2 =	vsel vm9, v4, v2;
	v4 =	vsel vm9, $0xC, v4;
	vm9 =	vgt.f32 v43, v1  }
0x64: {  	v3 =	vmax.f32 v3, v46;
	v1 =	vmax.f32 v1, v43;
	v2 =	vsel vm10, $0xD, v2  }
0x65: {  	v49 =	vld [tilespmem:s4+$0x2280];
	vm10 =	vgt.f32 v45, v3;
	v48 =	vmin.f32 v45, v1;
	v2 =	vsel vm11, v4, v2  }
0x66: {  	v4 =	vsel vm11, $0xD, v4;
	vm11 =	vgt.f32 v45, v1;
	v3 =	vmax.f32 v3, v48  }
0x67: {  	v1 =	vmax.f32 v1, v45;
	v2 =	vsel vm12, $0xE, v2;
	vm12 =	vgt.f32 v47, v3  }
0x68: {  	v51 =	vld [tilespmem:s4+$0x2300];
	v50 =	vmin.f32 v47, v1;
	v2 =	vsel vm13, v4, v2;
	v4 =	vsel vm13, $0xE, v4  }
0x69: {  	vm13 =	vgt.f32 v47, v1;
	v3 =	vmax.f32 v3, v50;
	v1 =	vmax.f32 v1, v47  }
0x6a: {  	v53 =	vld [tilespmem:s4+$0x2380];
	v2 =	vsel vm14, $0xF, v2;
	vm14 =	vgt.f32 v49, v3;
	v52 =	vmin.f32 v49, v1  }
0x6b: {  	v2 =	vsel vm15, v4, v2;
	v4 =	vsel vm15, $0xF, v4;
	vm15 =	vgt.f32 v49, v1  }
0x6c: {  	v3 =	vmax.f32 v3, v52;
	v1 =	vmax.f32 v1, v49;
	v2 =	vsel vm4, $0x10, v2  }
0x6d: {  	v55 =	vld [tilespmem:s4+$0x3000];
	vm4 =	vgt.f32 v51, v3;
	v54 =	vmin.f32 v51, v1;
	v2 =	vsel vm5, v4, v2  }
0x6e: {  	v4 =	vsel vm5, $0x10, v4;
	vm5 =	vgt.f32 v51, v1;
	v3 =	vmax.f32 v3, v54  }
0x6f: {  	v1 =	vmax.f32 v1, v51;
	v2 =	vsel vm6, $0x11, v2;
	vm6 =	vgt.f32 v53, v3  }
0x70: {  	v57 =	vld [tilespmem:s4+$0x3080];
	v56 =	vmin.f32 v53, v1;
	v2 =	vsel vm7, v4, v2;
	v4 =	vsel vm7, $0x11, v4  }
0x71: {  	vm7 =	vgt.f32 v53, v1;
	v3 =	vmax.f32 v3, v56;
	v1 =	vmax.f32 v1, v53  }
0x72: {  	v59 =	vld [tilespmem:s4+$0x3100];
	v2 =	vsel vm8, $0x12, v2;
	vm8 =	vgt.f32 v55, v3;
	v58 =	vmin.f32 v55, v1  }
0x73: {  	v2 =	vsel vm9, v4, v2;
	v4 =	vsel vm9, $0x12, v4;
	vm9 =	vgt.f32 v55, v1  }
0x74: {  	v3 =	vmax.f32 v3, v58;
	v1 =	vmax.f32 v1, v55;
	v2 =	vsel vm10, $0x13, v2  }
0x75: {  	v61 =	vld [tilespmem:s4+$0x3180];
	vm10 =	vgt.f32 v57, v3;
	v60 =	vmin.f32 v57, v1;
	v2 =	vsel vm11, v4, v2  }
0x76: {  	v4 =	vsel vm11, $0x13, v4;
	vm11 =	vgt.f32 v57, v1;
	v3 =	vmax.f32 v3, v60  }
0x77: {  	v1 =	vmax.f32 v1, v57;
	v2 =	vsel vm12, $0x14, v2;
	vm12 =	vgt.f32 v59, v3  }
0x78: {  	v63 =	vld [tilespmem:s4+$0x3200];
	v62 =	vmin.f32 v59, v1;
	v2 =	vsel vm13, v4, v2;
	v4 =	vsel vm13, $0x14, v4  }
0x79: {  	vm13 =	vgt.f32 v59, v1;
	v3 =	vmax.f32 v3, v62;
	v1 =	vmax.f32 v1, v59  }
0x7a: {  	v13 =	vld [tilespmem:s4+$0x3280];
	v2 =	vsel vm14, $0x15, v2;
	vm14 =	vgt.f32 v61, v3;
	v12 =	vmin.f32 v61, v1  }
0x7b: {  	v2 =	vsel vm15, v4, v2;
	v4 =	vsel vm15, $0x15, v4;
	vm15 =	vgt.f32 v61, v1  }
0x7c: {  	v3 =	vmax.f32 v3, v12;
	v1 =	vmax.f32 v1, v61;
	v2 =	vsel vm4, $0x16, v2  }
0x7d: {  	v15 =	vld [tilespmem:s4+$0x3300];
	vm4 =	vgt.f32 v63, v3;
	v14 =	vmin.f32 v63, v1;
	v2 =	vsel vm5, v4, v2  }
0x7e: {  	v4 =	vsel vm5, $0x16, v4;
	vm5 =	vgt.f32 v63, v1;
	v3 =	vmax.f32 v3, v14  }
0x7f: {  	v1 =	vmax.f32 v1, v63;
	v2 =	vsel vm6, $0x17, v2;
	vm6 =	vgt.f32 v13, v3  }
0x80: {  	v17 =	vld [tilespmem:s4+$0x3380];
	v16 =	vmin.f32 v13, v1;
	v2 =	vsel vm7, v4, v2;
	v4 =	vsel vm7, $0x17, v4  }
0x81: {  	vm7 =	vgt.f32 v13, v1;
	v3 =	vmax.f32 v3, v16;
	v1 =	vmax.f32 v1, v13  }
0x82: {  	v19 =	vld [tilespmem:s4+$0x4000];
	v2 =	vsel vm8, $0x18, v2;
	vm8 =	vgt.f32 v15, v3;
	v18 =	vmin.f32 v15, v1  }
0x83: {  	v2 =	vsel vm9, v4, v2;
	v4 =	vsel vm9, $0x18, v4;
	vm9 =	vgt.f32 v15, v1  }
0x84: {  	v3 =	vmax.f32 v3, v18;
	v1 =	vmax.f32 v1, v15;
	v2 =	vsel vm10, $0x19, v2  }
0x85: {  	v21 =	vld [tilespmem:s4+$0x4080];
	vm10 =	vgt.f32 v17, v3;
	v20 =	vmin.f32 v17, v1;
	v2 =	vsel vm11, v4, v2  }
0x86: {  	v4 =	vsel vm11, $0x19, v4;
	vm11 =	vgt.f32 v17, v1;
	v3 =	vmax.f32 v3, v20  }
0x87: {  	v1 =	vmax.f32 v1, v17;
	v2 =	vsel vm12, $0x1A, v2;
	vm12 =	vgt.f32 v19, v3  }
0x88: {  	v23 =	vld [tilespmem:s4+$0x4100];
	v22 =	vmin.f32 v19, v1;
	v2 =	vsel vm13, v4, v2;
	v4 =	vsel vm13, $0x1A, v4  }
0x89: {  	vm13 =	vgt.f32 v19, v1;
	v3 =	vmax.f32 v3, v22;
	v1 =	vmax.f32 v1, v19  }
0x8a: {  	v25 =	vld [tilespmem:s4+$0x4180];
	v2 =	vsel vm14, $0x1B, v2;
	vm14 =	vgt.f32 v21, v3;
	v24 =	vmin.f32 v21, v1  }
0x8b: {  	v2 =	vsel vm15, v4, v2;
	v4 =	vsel vm15, $0x1B, v4;
	vm15 =	vgt.f32 v21, v1  }
0x8c: {  	v3 =	vmax.f32 v3, v24;
	v1 =	vmax.f32 v1, v21;
	v2 =	vsel vm4, $0x1C, v2  }
0x8d: {  	v27 =	vld [tilespmem:s4+$0x4200];
	vm4 =	vgt.f32 v23, v3;
	v26 =	vmin.f32 v23, v1;
	v2 =	vsel vm5, v4, v2  }
0x8e: {  	v4 =	vsel vm5, $0x1C, v4;
	vm5 =	vgt.f32 v23, v1;
	v3 =	vmax.f32 v3, v26  }
0x8f: {  	v1 =	vmax.f32 v1, v23;
	v2 =	vsel vm6, $0x1D, v2;
	vm6 =	vgt.f32 v25, v3  }
0x90: {  	v29 =	vld [tilespmem:s4+$0x4280];
	v28 =	vmin.f32 v25, v1;
	v2 =	vsel vm7, v4, v2;
	v4 =	vsel vm7, $0x1D, v4  }
0x91: {  	vm7 =	vgt.f32 v25, v1;
	v3 =	vmax.f32 v3, v28;
	v1 =	vmax.f32 v1, v25  }
0x92: {  	v31 =	vld [tilespmem:s4+$0x4300];
	v2 =	vsel vm8, $0x1E, v2;
	vm8 =	vgt.f32 v27, v3;
	v30 =	vmin.f32 v27, v1  }
0x93: {  	v2 =	vsel vm9, v4, v2;
	v4 =	vsel vm9, $0x1E, v4;
	vm9 =	vgt.f32 v27, v1  }
0x94: {  	v3 =	vmax.f32 v3, v30;
	v1 =	vmax.f32 v1, v27;
	v2 =	vsel vm10, $0x1F, v2  }
0x95: {  	v33 =	vld [tilespmem:s4+$0x4380];
	vm10 =	vgt.f32 v29, v3;
	v32 =	vmin.f32 v29, v1;
	v2 =	vsel vm11, v4, v2  }
0x96: {  	v4 =	vsel vm11, $0x1F, v4;
	vm11 =	vgt.f32 v29, v1;
	v3 =	vmax.f32 v3, v32  }
0x97: {  	v1 =	vmax.f32 v1, v29;
	v2 =	vsel vm12, $0x20, v2;
	vm12 =	vgt.f32 v31, v3  }
0x98: {  	v35 =	vld [tilespmem:s4+$0x5000];
	v34 =	vmin.f32 v31, v1;
	v2 =	vsel vm13, v4, v2;
	v4 =	vsel vm13, $0x20, v4  }
0x99: {  	vm13 =	vgt.f32 v31, v1;
	v3 =	vmax.f32 v3, v34;
	v1 =	vmax.f32 v1, v31  }
0x9a: {  	v37 =	vld [tilespmem:s4+$0x5080];
	v2 =	vsel vm14, $0x21, v2;
	vm14 =	vgt.f32 v33, v3;
	v36 =	vmin.f32 v33, v1  }
0x9b: {  	v2 =	vsel vm15, v4, v2;
	v4 =	vsel vm15, $0x21, v4;
	vm15 =	vgt.f32 v33, v1  }
0x9c: {  	v3 =	vmax.f32 v3, v36;
	v1 =	vmax.f32 v1, v33;
	v2 =	vsel vm4, $0x22, v2  }
0x9d: {  	v39 =	vld [tilespmem:s4+$0x5100];
	vm4 =	vgt.f32 v35, v3;
	v38 =	vmin.f32 v35, v1;
	v2 =	vsel vm5, v4, v2  }
0x9e: {  	v4 =	vsel vm5, $0x22, v4;
	vm5 =	vgt.f32 v35, v1;
	v3 =	vmax.f32 v3, v38  }
0x9f: {  	v1 =	vmax.f32 v1, v35;
	v2 =	vsel vm6, $0x23, v2;
	vm6 =	vgt.f32 v37, v3  }
0xa0: {  	v41 =	vld [tilespmem:s4+$0x5180];
	v40 =	vmin.f32 v37, v1;
	v2 =	vsel vm7, v4, v2;
	v4 =	vsel vm7, $0x23, v4  }
0xa1: {  	vm7 =	vgt.f32 v37, v1;
	v3 =	vmax.f32 v3, v40;
	v1 =	vmax.f32 v1, v37  }
0xa2: {  	v43 =	vld [tilespmem:s4+$0x5200];
	v2 =	vsel vm8, $0x24, v2;
	vm8 =	vgt.f32 v39, v3;
	v42 =	vmin.f32 v39, v1  }
0xa3: {  	v2 =	vsel vm9, v4, v2;
	v4 =	vsel vm9, $0x24, v4;
	vm9 =	vgt.f32 v39, v1  }
0xa4: {  	v3 =	vmax.f32 v3, v42;
	v1 =	vmax.f32 v1, v39;
	v2 =	vsel vm10, $0x25, v2  }
0xa5: {  	v45 =	vld [tilespmem:s4+$0x5280];
	vm10 =	vgt.f32 v41, v3;
	v44 =	vmin.f32 v41, v1;
	v2 =	vsel vm11, v4, v2  }
0xa6: {  	v4 =	vsel vm11, $0x25, v4;
	vm11 =	vgt.f32 v41, v1;
	v3 =	vmax.f32 v3, v44  }
0xa7: {  	v1 =	vmax.f32 v1, v41;
	v2 =	vsel vm12, $0x26, v2;
	vm12 =	vgt.f32 v43, v3  }
0xa8: {  	v47 =	vld [tilespmem:s4+$0x5300];
	v46 =	vmin.f32 v43, v1;
	v2 =	vsel vm13, v4, v2;
	v4 =	vsel vm13, $0x26, v4  }
0xa9: {  	vm13 =	vgt.f32 v43, v1;
	v3 =	vmax.f32 v3, v46;
	v1 =	vmax.f32 v1, v43  }
0xaa: {  	v49 =	vld [tilespmem:s4+$0x5380];
	v2 =	vsel vm14, $0x27, v2;
	vm14 =	vgt.f32 v45, v3;
	v48 =	vmin.f32 v45, v1  }
0xab: {  	v2 =	vsel vm15, v4, v2;
	v4 =	vsel vm15, $0x27, v4;
	vm15 =	vgt.f32 v45, v1  }
0xac: {  	v3 =	vmax.f32 v3, v48;
	v1 =	vmax.f32 v1, v45;
	v2 =	vsel vm4, $0x28, v2  }
0xad: {  	v51 =	vld [tilespmem:s4+$0x6000];
	vm4 =	vgt.f32 v47, v3;
	v50 =	vmin.f32 v47, v1;
	v2 =	vsel vm5, v4, v2  }
0xae: {  	v4 =	vsel vm5, $0x28, v4;
	vm5 =	vgt.f32 v47, v1;
	v3 =	vmax.f32 v3, v50  }
0xaf: {  	v1 =	vmax.f32 v1, v47;
	v2 =	vsel vm6, $0x29, v2;
	vm6 =	vgt.f32 v49, v3  }
0xb0: {  	v53 =	vld [tilespmem:s4+$0x6080];
	v52 =	vmin.f32 v49, v1;
	v2 =	vsel vm7, v4, v2;
	v4 =	vsel vm7, $0x29, v4  }
0xb1: {  	vm7 =	vgt.f32 v49, v1;
	v3 =	vmax.f32 v3, v52;
	v1 =	vmax.f32 v1, v49  }
0xb2: {  	v54 =	vld [tilespmem:s4+$0x6100];
	v2 =	vsel vm8, $0x2A, v2;
	vm8 =	vgt.f32 v51, v3;
	v7 =	vmin.f32 v51, v1  }
0xb3: {  	v2 =	vsel vm9, v4, v2;
	v4 =	vsel vm9, $0x2A, v4;
	vm9 =	vgt.f32 v51, v1  }
0xb4: {  	v3 =	vmax.f32 v3, v7;
	v1 =	vmax.f32 v1, v51;
	v2 =	vsel vm10, $0x2B, v2  }
0xb5: {  	v55 =	vld [tilespmem:s4+$0x6180];
	vm10 =	vgt.f32 v53, v3;
	v6 =	vmin.f32 v53, v1;
	v2 =	vsel vm11, v4, v2  }
0xb6: {  	v4 =	vsel vm11, $0x2B, v4;
	vm11 =	vgt.f32 v53, v1;
	v3 =	vmax.f32 v3, v6  }
0xb7: {  	v56 =	vld [tilespmem:s4+$0x6200];
	v1 =	vmax.f32 v1, v53;
	v2 =	vsel vm12, $0x2C, v2;
	vm12 =	vgt.f32 v54, v3  }
0xb8: {  	v9 =	vmin.f32 v54, v1;
	v2 =	vsel vm13, v4, v2;
	v4 =	vsel vm13, $0x2C, v4  }
0xb9: {  	v57 =	vld [tilespmem:s4+$0x6280];
	vm13 =	vgt.f32 v54, v1;
	v3 =	vmax.f32 v3, v9;
	v1 =	vmax.f32 v1, v54  }
0xba: {  	v2 =	vsel vm14, $0x2D, v2;
	vm14 =	vgt.f32 v55, v1;
	v59 =	vmin.f32 v55, v1  }
0xbb: {  	v10 =	vld [tilespmem:s4+$0x6300];
	v1 =	vmax.f32 v1, v55;
	v2 =	vsel vm15, v4, v2;
	v4 =	vsel vm15, $0x2D, v4  }
0xbc: {  	v58 =	vld [tilespmem:s4+$0x6380];
	v9 =	vmax.f32 v3, v59;
	v12 =	vmin.f32 v56, v1;
	v13 =	vmax.f32 v1, v56  }
0xbd: {  	vm15 =	vgt.f32 v55, v3;
	v2 =	vsel vm4, $0x2E, v2;
	v12 =	vmax.f32 v9, v12  }
0xbe: {  	v11 =	vld [tilespmem:s4+$0x7000];
	v15 =	vmin.f32 v57, v13;
	v16 =	vmax.f32 v13, v57;
	vm4 =	vgt.f32 v56, v9  }
0xbf: {  	v14 =	vld [tilespmem:s4+$0x7080];
	v2 =	vsel vm5, v4, v2;
	v4 =	vsel vm5, $0x2E, v4;
	v15 =	vmax.f32 v12, v15  }
0xc0: {  	v18 =	vmin.f32 v10, v16;
	v19 =	vmax.f32 v16, v10;
	vm5 =	vgt.f32 v56, v1  }
0xc1: {  	v17 =	vld [tilespmem:s4+$0x7100];
	v2 =	vsel vm6, $0x2F, v2;
	v18 =	vmax.f32 v15, v18;
	v21 =	vmin.f32 v58, v19  }
0xc2: {  	v20 =	vld [tilespmem:s4+$0x7180];
	v22 =	vmax.f32 v19, v58;
	v2 =	vsel vm7, v4, v2;
	v4 =	vsel vm7, $0x2F, v4  }
0xc3: {  	v21 =	vmax.f32 v18, v21;
	v24 =	vmin.f32 v11, v22;
	v25 =	vmax.f32 v22, v11  }
0xc4: {  	v23 =	vld [tilespmem:s4+$0x7200];
	v2 =	vsel vm8, $0x30, v2;
	v24 =	vmax.f32 v21, v24;
	v27 =	vmin.f32 v14, v25  }
0xc5: {  	v26 =	vld [tilespmem:s4+$0x7280];
	v28 =	vmax.f32 v25, v14;
	v2 =	vsel vm9, v4, v2;
	v4 =	vsel vm9, $0x30, v4  }
0xc6: {  	v27 =	vmax.f32 v24, v27;
	v30 =	vmin.f32 v17, v28;
	v31 =	vmax.f32 v28, v17  }
0xc7: {  	v29 =	vld [tilespmem:s4+$0x7300];
	v2 =	vsel vm10, $0x31, v2;
	v30 =	vmax.f32 v27, v30;
	v33 =	vmin.f32 v20, v31  }
0xc8: {  	v32 =	vld [tilespmem:s4+$0x7380];
	v34 =	vmax.f32 v31, v20;
	v2 =	vsel vm11, v4, v2;
	v4 =	vsel vm11, $0x31, v4  }
0xc9: {  	v33 =	vmax.f32 v30, v33;
	v35 =	vmin.f32 v23, v34;
	v36 =	vmax.f32 v34, v23  }
0xca: {  	v2 =	vsel vm12, $0x32, v2;
	v35 =	vmax.f32 v33, v35;
	v37 =	vmin.f32 v26, v36  }
0xcb: {  	v38 =	vmax.f32 v36, v26;
	v2 =	vsel vm13, v4, v2;
	v4 =	vsel vm13, $0x32, v4  }
0xcc: {  	v37 =	vmax.f32 v35, v37;
	v39 =	vmin.f32 v29, v38;
	v40 =	vmax.f32 v38, v29  }
0xcd: {  	v3 =	vmax.f32 v37, v39;
	v60 =	vmin.f32 v32, v40;
	v2 =	vsel vm15, $0x33, v2  }
0xce: {  	v61 =	vmax.f32 v40, v32;
	v6 =	vmax.f32 v3, v60;
	v2 =	vsel vm14, v4, v2  }
0xcf: {  	v1 =	vsel vm14, $0x33, v4;
	v6 =	vsub.f32 v6, v61;
	v2 =	vsel vm4, $0x34, v2  }
0xd0: {  	vm6 =	vgt.f32 v57, v12;
	vm7 =	vgt.f32 v57, v13;
	v2 =	vsel vm5, v1, v2  }
0xd1: {  	v1 =	vsel vm5, $0x34, v1;
	v62 =	vmul.f32 $1.442695020e+00, v6;
	v2 =	vsel vm6, $0x35, v2  }
0xd2: {  	vm8 =	vgt.f32 v10, v15;
	vm9 =	vgt.f32 v10, v16;
	v2 =	vsel vm7, v1, v2  }
0xd3: {  	v1 =	vsel vm7, $0x35, v1;
	(erf) = vpow2.f32 v62;
	v2 =	vsel vm8, $0x36, v2  }
0xd4: {  	vm10 =	vgt.f32 v58, v18;
	v2 =	vsel vm9, v1, v2  }
0xd5: {  	vm11 =	vgt.f32 v58, v19;
	v1 =	vsel vm9, $0x36, v1;
	v2 =	vsel vm10, $0x37, v2  }
0xd6: {  	vm12 =	vgt.f32 v11, v21;
	v2 =	vsel vm11, v1, v2  }
0xd7: {  	vm13 =	vgt.f32 v11, v22;
	v1 =	vsel vm11, $0x37, v1;
	v2 =	vsel vm12, $0x38, v2  }
0xd8: {  	vm14 =	vgt.f32 v14, v24;
	v2 =	vsel vm13, v1, v2  }
0xd9: {  	vm15 =	vgt.f32 v14, v25;
	v1 =	vsel vm13, $0x38, v1;
	v2 =	vsel vm14, $0x39, v2  }
0xda: {  	vm4 =	vgt.f32 v17, v27;
	v2 =	vsel vm15, v1, v2  }
0xdb: {  	vm5 =	vgt.f32 v17, v28;
	v1 =	vsel vm15, $0x39, v1;
	v2 =	vsel vm4, $0x3A, v2  }
0xdc: {  	vm6 =	vgt.f32 v20, v30;
	vm7 =	vgt.f32 v20, v31;
	v4 =	vpop (erf);
	v2 =	vsel vm5, v1, v2  }
0xdd: {  	v1 =	vsel vm5, $0x3A, v1;
	v63 =	vadd.f32 $1.000000000e+00, v4;
	v2 =	vsel vm6, $0x3B, v2  }
0xde: {  	vm8 =	vgt.f32 v23, v33;
	vm9 =	vgt.f32 v23, v34;
	v2 =	vsel vm7, v1, v2  }
0xdf: {  	v1 =	vsel vm7, $0x3B, v1;
	(erf) = vrcp.f32 v63;
	v2 =	vsel vm8, $0x3C, v2  }
0xe0: {  	vm10 =	vgt.f32 v26, v35;
	v2 =	vsel vm9, v1, v2  }
0xe1: {  	vm11 =	vgt.f32 v26, v36;
	v1 =	vsel vm9, $0x3C, v1;
	v2 =	vsel vm10, $0x3D, v2  }
0xe2: {  	vm12 =	vgt.f32 v29, v37;
	v2 =	vsel vm11, v1, v2  }
0xe3: {  	vm13 =	vgt.f32 v29, v38;
	v1 =	vsel vm11, $0x3D, v1;
	v2 =	vsel vm12, $0x3E, v2  }
0xe4: {  	vm15 =	vgt.f32 v32, v3;
	v2 =	vsel vm13, v1, v2  }
0xe5: {  	v2 =	vsel vm15, $0x3F, v2  }
0xe6: {  	p0 =	sne.s32 s3, $0xF0;
	vm14 =	vgt.f32 v32, v40;
	v1 =	vsel vm13, $0x3E, v1  }
.Ltmp0:
0xe7: {  	v3 =	vsel vm14, $0x3F, v1;
	(pc) =	sbr.rel @p0 .LBB2_2-.Ltmp0, $4  }
0xe8: {  	v1 =	vsel vm14, v1, v2;
	[tilespmem:s26+$0x0] =	vst v3;
	v2 =	vpop (erf)  }
0xe9: {  	[tilespmem:s25+$0x0] =	vst v1;
	v1 =	vmul.f32 v2, v4  }
0xea: {  	s28 =	sadd.s32 $0x80, s28;
	s3 =	sadd.s32 $0x10, s3;
	s26 =	sadd.s32 $0x10, s26;
	[tilespmem:s1+$0x0] =	vst v2  }
0xeb: {  	s25 =	sadd.s32 $0x10, s25;
	s1 =	sadd.s32 $0x10, s1;
	[tilespmem:s30+$0x0] =	vst v1;
	s30 =	sadd.s32 $0x10, s30  }
0xec: {  	_ =	swait.ge [sflag:s0], $0x4000;
	s30 =	simm.s32 $0x100;
	s1 =	simm.s32 $0x800  }
0xed: {  	s25 =	simm.s32 $0x8100;
	s26 =	simm.s32 $0x8300;
	[sflag:s0] =	ssyncset.done $0x0  }
0xee: {  	s28 =	simm.s32 $0x8500;
	s3 =	simm.s32 $0x8700;
	[sflag:s0] =	ssyncadd.s32 $0xFFFFC000  }
.LBB2_4:
0xef: {  	s4 =	sand.u32 $0x70, s30;
	s5 =	sand.u32 $0xC00, s1  }
0xf0: {  	s4 =	sor.u32 s4, s5  }
0xf1: {  	v1 =	vld [tilespmem:s4+$0x0]  }
0xf2: {  	v2 =	vld [tilespmem:s4+$0x80];
	_ =	sdelay $0x1  }
0xf3: {  	v3 =	vld [tilespmem:s4+$0x100];
	_ =	sdelay $0x1  }
0xf4: {  	v4 =	vld [tilespmem:s4+$0x180]  }
0xf5: {  	vm0 =	vgt.f32 v2, v1;
	vm1 =	vlt.f32 v2, $-Inf;
	vm2 =	vgt.f32 v2, $-Inf  }
0xf6: {  	v8 =	vld [tilespmem:s4+$0x200];
	v6 =	vmin.f32 v2, v1;
	v1 =	vmax.f32 v1, v2;
	vm3 =	vmneg vm0  }
0xf7: {  	vm1 =	vmor vm2, vm1;
	v7 =	vsel vm0, $0x1, v0;
	vm12 =	vgt.f32 v3, v6  }
0xf8: {  	vm13 =	vgt.f32 v3, v1;
	v14 =	vmin.f32 v3, v1;
	v1 =	vmax.f32 v1, v3  }
0xf9: {  	vm1 =	vmand vm3, vm1;
	v15 =	vsel vm13, $0x2, v7;
	vm15 =	vgt.f32 v4, v1  }
0xfa: {  	v16 =	vld [tilespmem:s4+$0x280];
	v3 =	vmin.f32 v4, v1;
	v1 =	vmax.f32 v1, v4;
	v5 =	vsel vm1, $0x1, v0  }
0xfb: {  	v17 =	vsel vm15, $0x3, v15;
	vm5 =	vgt.f32 v8, v1;
	v2 =	vsel vm12, $0x2, v5  }
0xfc: {  	v18 =	vld [tilespmem:s4+$0x300];
	v5 =	vmax.f32 v6, v14;
	v19 =	vsel vm5, $0x4, v17;
	v2 =	vsel vm13, v7, v2  }
0xfd: {  	vm14 =	vgt.f32 v4, v5;
	v3 =	vmax.f32 v5, v3;
	v4 =	vmin.f32 v8, v1  }
0xfe: {  	v21 =	vld [tilespmem:s4+$0x380];
	v1 =	vmax.f32 v1, v8;
	v2 =	vsel vm14, $0x3, v2;
	vm4 =	vgt.f32 v8, v3  }
0xff: {  	v3 =	vmax.f32 v3, v4;
	vm7 =	vgt.f32 v16, v1;
	v20 =	vmin.f32 v16, v1  }
0x100: {  	v23 =	vld [tilespmem:s4+$0x1000];
	v1 =	vmax.f32 v1, v16;
	v2 =	vsel vm15, v15, v2;
	vm6 =	vgt.f32 v16, v3  }
0x101: {  	v3 =	vmax.f32 v3, v20;
	v4 =	vsel vm7, $0x5, v19;
	vm9 =	vgt.f32 v18, v1  }
0x102: {  	v25 =	vld [tilespmem:s4+$0x1080];
	v22 =	vmin.f32 v18, v1;
	v1 =	vmax.f32 v1, v18;
	v2 =	vsel vm4, $0x4, v2  }
0x103: {  	vm8 =	vgt.f32 v18, v3;
	v3 =	vmax.f32 v3, v22;
	vm11 =	vgt.f32 v21, v1  }
0x104: {  	v27 =	vld [tilespmem:s4+$0x1100];
	v24 =	vmin.f32 v21, v1;
	v1 =	vmax.f32 v1, v21;
	v2 =	vsel vm5, v17, v2  }
0x105: {  	vm10 =	vgt.f32 v21, v3;
	v3 =	vmax.f32 v3, v24;
	vm13 =	vgt.f32 v23, v1  }
0x106: {  	v29 =	vld [tilespmem:s4+$0x1180];
	v26 =	vmin.f32 v23, v1;
	v1 =	vmax.f32 v1, v23;
	v2 =	vsel vm6, $0x5, v2  }
0x107: {  	vm12 =	vgt.f32 v23, v3;
	v3 =	vmax.f32 v3, v26;
	vm15 =	vgt.f32 v25, v1  }
0x108: {  	v28 =	vmin.f32 v25, v1;
	v1 =	vmax.f32 v1, v25;
	v2 =	vsel vm7, v19, v2  }
0x109: {  	v31 =	vld [tilespmem:s4+$0x1200];
	vm14 =	vgt.f32 v25, v3;
	v3 =	vmax.f32 v3, v28;
	vm5 =	vgt.f32 v27, v1  }
0x10a: {  	v30 =	vmin.f32 v27, v1;
	v1 =	vmax.f32 v1, v27;
	v2 =	vsel vm8, $0x6, v2  }
0x10b: {  	v33 =	vld [tilespmem:s4+$0x1280];
	vm4 =	vgt.f32 v27, v3;
	v3 =	vmax.f32 v3, v30;
	vm7 =	vgt.f32 v29, v1  }
0x10c: {  	v32 =	vmin.f32 v29, v1;
	v1 =	vmax.f32 v1, v29;
	v2 =	vsel vm9, v4, v2  }
0x10d: {  	v35 =	vld [tilespmem:s4+$0x1300];
	v4 =	vsel vm9, $0x6, v4;
	vm6 =	vgt.f32 v29, v3;
	v3 =	vmax.f32 v3, v32  }
0x10e: {  	vm9 =	vgt.f32 v31, v1;
	v34 =	vmin.f32 v31, v1;
	v1 =	vmax.f32 v1, v31  }
0x10f: {  	v2 =	vsel vm10, $0x7, v2;
	vm8 =	vgt.f32 v31, v3;
	v3 =	vmax.f32 v3, v34  }
0x110: {  	v37 =	vld [tilespmem:s4+$0x1380];
	v36 =	vmin.f32 v33, v1;
	v2 =	vsel vm11, v4, v2;
	v4 =	vsel vm11, $0x7, v4  }
0x111: {  	vm10 =	vgt.f32 v33, v3;
	vm11 =	vgt.f32 v33, v1;
	v3 =	vmax.f32 v3, v36  }
0x112: {  	v1 =	vmax.f32 v1, v33;
	v2 =	vsel vm12, $0x8, v2;
	vm12 =	vgt.f32 v35, v3  }
0x113: {  	v39 =	vld [tilespmem:s4+$0x2000];
	v38 =	vmin.f32 v35, v1;
	v2 =	vsel vm13, v4, v2;
	v4 =	vsel vm13, $0x8, v4  }
0x114: {  	vm13 =	vgt.f32 v35, v1;
	v3 =	vmax.f32 v3, v38;
	v1 =	vmax.f32 v1, v35  }
0x115: {  	v41 =	vld [tilespmem:s4+$0x2080];
	v2 =	vsel vm14, $0x9, v2;
	vm14 =	vgt.f32 v37, v3;
	v40 =	vmin.f32 v37, v1  }
0x116: {  	v2 =	vsel vm15, v4, v2;
	v4 =	vsel vm15, $0x9, v4;
	vm15 =	vgt.f32 v37, v1  }
0x117: {  	v3 =	vmax.f32 v3, v40;
	v1 =	vmax.f32 v1, v37;
	v2 =	vsel vm4, $0xA, v2  }
0x118: {  	v43 =	vld [tilespmem:s4+$0x2100];
	vm4 =	vgt.f32 v39, v3;
	v42 =	vmin.f32 v39, v1;
	v2 =	vsel vm5, v4, v2  }
0x119: {  	v4 =	vsel vm5, $0xA, v4;
	vm5 =	vgt.f32 v39, v1;
	v3 =	vmax.f32 v3, v42  }
0x11a: {  	v1 =	vmax.f32 v1, v39;
	v2 =	vsel vm6, $0xB, v2;
	vm6 =	vgt.f32 v41, v3  }
0x11b: {  	v45 =	vld [tilespmem:s4+$0x2180];
	v44 =	vmin.f32 v41, v1;
	v2 =	vsel vm7, v4, v2;
	v4 =	vsel vm7, $0xB, v4  }
0x11c: {  	vm7 =	vgt.f32 v41, v1;
	v3 =	vmax.f32 v3, v44;
	v1 =	vmax.f32 v1, v41  }
0x11d: {  	v47 =	vld [tilespmem:s4+$0x2200];
	v2 =	vsel vm8, $0xC, v2;
	vm8 =	vgt.f32 v43, v3;
	v46 =	vmin.f32 v43, v1  }
0x11e: {  	v2 =	vsel vm9, v4, v2;
	v4 =	vsel vm9, $0xC, v4;
	vm9 =	vgt.f32 v43, v1  }
0x11f: {  	v3 =	vmax.f32 v3, v46;
	v1 =	vmax.f32 v1, v43;
	v2 =	vsel vm10, $0xD, v2  }
0x120: {  	v49 =	vld [tilespmem:s4+$0x2280];
	vm10 =	vgt.f32 v45, v3;
	v48 =	vmin.f32 v45, v1;
	v2 =	vsel vm11, v4, v2  }
0x121: {  	v4 =	vsel vm11, $0xD, v4;
	vm11 =	vgt.f32 v45, v1;
	v3 =	vmax.f32 v3, v48  }
0x122: {  	v1 =	vmax.f32 v1, v45;
	v2 =	vsel vm12, $0xE, v2;
	vm12 =	vgt.f32 v47, v3  }
0x123: {  	v51 =	vld [tilespmem:s4+$0x2300];
	v50 =	vmin.f32 v47, v1;
	v2 =	vsel vm13, v4, v2;
	v4 =	vsel vm13, $0xE, v4  }
0x124: {  	vm13 =	vgt.f32 v47, v1;
	v3 =	vmax.f32 v3, v50;
	v1 =	vmax.f32 v1, v47  }
0x125: {  	v53 =	vld [tilespmem:s4+$0x2380];
	v2 =	vsel vm14, $0xF, v2;
	vm14 =	vgt.f32 v49, v3;
	v52 =	vmin.f32 v49, v1  }
0x126: {  	v2 =	vsel vm15, v4, v2;
	v4 =	vsel vm15, $0xF, v4;
	vm15 =	vgt.f32 v49, v1  }
0x127: {  	v3 =	vmax.f32 v3, v52;
	v1 =	vmax.f32 v1, v49;
	v2 =	vsel vm4, $0x10, v2  }
0x128: {  	v55 =	vld [tilespmem:s4+$0x3000];
	vm4 =	vgt.f32 v51, v3;
	v54 =	vmin.f32 v51, v1;
	v2 =	vsel vm5, v4, v2  }
0x129: {  	v4 =	vsel vm5, $0x10, v4;
	vm5 =	vgt.f32 v51, v1;
	v3 =	vmax.f32 v3, v54  }
0x12a: {  	v1 =	vmax.f32 v1, v51;
	v2 =	vsel vm6, $0x11, v2;
	vm6 =	vgt.f32 v53, v3  }
0x12b: {  	v57 =	vld [tilespmem:s4+$0x3080];
	v56 =	vmin.f32 v53, v1;
	v2 =	vsel vm7, v4, v2;
	v4 =	vsel vm7, $0x11, v4  }
0x12c: {  	vm7 =	vgt.f32 v53, v1;
	v3 =	vmax.f32 v3, v56;
	v1 =	vmax.f32 v1, v53  }
0x12d: {  	v59 =	vld [tilespmem:s4+$0x3100];
	v2 =	vsel vm8, $0x12, v2;
	vm8 =	vgt.f32 v55, v3;
	v58 =	vmin.f32 v55, v1  }
0x12e: {  	v2 =	vsel vm9, v4, v2;
	v4 =	vsel vm9, $0x12, v4;
	vm9 =	vgt.f32 v55, v1  }
0x12f: {  	v3 =	vmax.f32 v3, v58;
	v1 =	vmax.f32 v1, v55;
	v2 =	vsel vm10, $0x13, v2  }
0x130: {  	v61 =	vld [tilespmem:s4+$0x3180];
	vm10 =	vgt.f32 v57, v3;
	v60 =	vmin.f32 v57, v1;
	v2 =	vsel vm11, v4, v2  }
0x131: {  	v4 =	vsel vm11, $0x13, v4;
	vm11 =	vgt.f32 v57, v1;
	v3 =	vmax.f32 v3, v60  }
0x132: {  	v1 =	vmax.f32 v1, v57;
	v2 =	vsel vm12, $0x14, v2;
	vm12 =	vgt.f32 v59, v3  }
0x133: {  	v63 =	vld [tilespmem:s4+$0x3200];
	v62 =	vmin.f32 v59, v1;
	v2 =	vsel vm13, v4, v2;
	v4 =	vsel vm13, $0x14, v4  }
0x134: {  	vm13 =	vgt.f32 v59, v1;
	v3 =	vmax.f32 v3, v62;
	v1 =	vmax.f32 v1, v59  }
0x135: {  	v13 =	vld [tilespmem:s4+$0x3280];
	v2 =	vsel vm14, $0x15, v2;
	vm14 =	vgt.f32 v61, v3;
	v12 =	vmin.f32 v61, v1  }
0x136: {  	v2 =	vsel vm15, v4, v2;
	v4 =	vsel vm15, $0x15, v4;
	vm15 =	vgt.f32 v61, v1  }
0x137: {  	v3 =	vmax.f32 v3, v12;
	v1 =	vmax.f32 v1, v61;
	v2 =	vsel vm4, $0x16, v2  }
0x138: {  	v15 =	vld [tilespmem:s4+$0x3300];
	vm4 =	vgt.f32 v63, v3;
	v14 =	vmin.f32 v63, v1;
	v2 =	vsel vm5, v4, v2  }
0x139: {  	v4 =	vsel vm5, $0x16, v4;
	vm5 =	vgt.f32 v63, v1;
	v3 =	vmax.f32 v3, v14  }
0x13a: {  	v1 =	vmax.f32 v1, v63;
	v2 =	vsel vm6, $0x17, v2;
	vm6 =	vgt.f32 v13, v3  }
0x13b: {  	v17 =	vld [tilespmem:s4+$0x3380];
	v16 =	vmin.f32 v13, v1;
	v2 =	vsel vm7, v4, v2;
	v4 =	vsel vm7, $0x17, v4  }
0x13c: {  	vm7 =	vgt.f32 v13, v1;
	v3 =	vmax.f32 v3, v16;
	v1 =	vmax.f32 v1, v13  }
0x13d: {  	v19 =	vld [tilespmem:s4+$0x4000];
	v2 =	vsel vm8, $0x18, v2;
	vm8 =	vgt.f32 v15, v3;
	v18 =	vmin.f32 v15, v1  }
0x13e: {  	v2 =	vsel vm9, v4, v2;
	v4 =	vsel vm9, $0x18, v4;
	vm9 =	vgt.f32 v15, v1  }
0x13f: {  	v3 =	vmax.f32 v3, v18;
	v1 =	vmax.f32 v1, v15;
	v2 =	vsel vm10, $0x19, v2  }
0x140: {  	v21 =	vld [tilespmem:s4+$0x4080];
	vm10 =	vgt.f32 v17, v3;
	v20 =	vmin.f32 v17, v1;
	v2 =	vsel vm11, v4, v2  }
0x141: {  	v4 =	vsel vm11, $0x19, v4;
	vm11 =	vgt.f32 v17, v1;
	v3 =	vmax.f32 v3, v20  }
0x142: {  	v1 =	vmax.f32 v1, v17;
	v2 =	vsel vm12, $0x1A, v2;
	vm12 =	vgt.f32 v19, v3  }
0x143: {  	v23 =	vld [tilespmem:s4+$0x4100];
	v22 =	vmin.f32 v19, v1;
	v2 =	vsel vm13, v4, v2;
	v4 =	vsel vm13, $0x1A, v4  }
0x144: {  	vm13 =	vgt.f32 v19, v1;
	v3 =	vmax.f32 v3, v22;
	v1 =	vmax.f32 v1, v19  }
0x145: {  	v25 =	vld [tilespmem:s4+$0x4180];
	v2 =	vsel vm14, $0x1B, v2;
	vm14 =	vgt.f32 v21, v3;
	v24 =	vmin.f32 v21, v1  }
0x146: {  	v2 =	vsel vm15, v4, v2;
	v4 =	vsel vm15, $0x1B, v4;
	vm15 =	vgt.f32 v21, v1  }
0x147: {  	v3 =	vmax.f32 v3, v24;
	v1 =	vmax.f32 v1, v21;
	v2 =	vsel vm4, $0x1C, v2  }
0x148: {  	v27 =	vld [tilespmem:s4+$0x4200];
	vm4 =	vgt.f32 v23, v3;
	v26 =	vmin.f32 v23, v1;
	v2 =	vsel vm5, v4, v2  }
0x149: {  	v4 =	vsel vm5, $0x1C, v4;
	vm5 =	vgt.f32 v23, v1;
	v3 =	vmax.f32 v3, v26  }
0x14a: {  	v1 =	vmax.f32 v1, v23;
	v2 =	vsel vm6, $0x1D, v2;
	vm6 =	vgt.f32 v25, v3  }
0x14b: {  	v29 =	vld [tilespmem:s4+$0x4280];
	v28 =	vmin.f32 v25, v1;
	v2 =	vsel vm7, v4, v2;
	v4 =	vsel vm7, $0x1D, v4  }
0x14c: {  	vm7 =	vgt.f32 v25, v1;
	v3 =	vmax.f32 v3, v28;
	v1 =	vmax.f32 v1, v25  }
0x14d: {  	v31 =	vld [tilespmem:s4+$0x4300];
	v2 =	vsel vm8, $0x1E, v2;
	vm8 =	vgt.f32 v27, v3;
	v30 =	vmin.f32 v27, v1  }
0x14e: {  	v2 =	vsel vm9, v4, v2;
	v4 =	vsel vm9, $0x1E, v4;
	vm9 =	vgt.f32 v27, v1  }
0x14f: {  	v3 =	vmax.f32 v3, v30;
	v1 =	vmax.f32 v1, v27;
	v2 =	vsel vm10, $0x1F, v2  }
0x150: {  	v33 =	vld [tilespmem:s4+$0x4380];
	vm10 =	vgt.f32 v29, v3;
	v32 =	vmin.f32 v29, v1;
	v2 =	vsel vm11, v4, v2  }
0x151: {  	v4 =	vsel vm11, $0x1F, v4;
	vm11 =	vgt.f32 v29, v1;
	v3 =	vmax.f32 v3, v32  }
0x152: {  	v1 =	vmax.f32 v1, v29;
	v2 =	vsel vm12, $0x20, v2;
	vm12 =	vgt.f32 v31, v3  }
0x153: {  	v35 =	vld [tilespmem:s4+$0x5000];
	v34 =	vmin.f32 v31, v1;
	v2 =	vsel vm13, v4, v2;
	v4 =	vsel vm13, $0x20, v4  }
0x154: {  	vm13 =	vgt.f32 v31, v1;
	v3 =	vmax.f32 v3, v34;
	v1 =	vmax.f32 v1, v31  }
0x155: {  	v37 =	vld [tilespmem:s4+$0x5080];
	v2 =	vsel vm14, $0x21, v2;
	vm14 =	vgt.f32 v33, v3;
	v36 =	vmin.f32 v33, v1  }
0x156: {  	v2 =	vsel vm15, v4, v2;
	v4 =	vsel vm15, $0x21, v4;
	vm15 =	vgt.f32 v33, v1  }
0x157: {  	v3 =	vmax.f32 v3, v36;
	v1 =	vmax.f32 v1, v33;
	v2 =	vsel vm4, $0x22, v2  }
0x158: {  	v39 =	vld [tilespmem:s4+$0x5100];
	vm4 =	vgt.f32 v35, v3;
	v38 =	vmin.f32 v35, v1;
	v2 =	vsel vm5, v4, v2  }
0x159: {  	v4 =	vsel vm5, $0x22, v4;
	vm5 =	vgt.f32 v35, v1;
	v3 =	vmax.f32 v3, v38  }
0x15a: {  	v1 =	vmax.f32 v1, v35;
	v2 =	vsel vm6, $0x23, v2;
	vm6 =	vgt.f32 v37, v3  }
0x15b: {  	v41 =	vld [tilespmem:s4+$0x5180];
	v40 =	vmin.f32 v37, v1;
	v2 =	vsel vm7, v4, v2;
	v4 =	vsel vm7, $0x23, v4  }
0x15c: {  	vm7 =	vgt.f32 v37, v1;
	v3 =	vmax.f32 v3, v40;
	v1 =	vmax.f32 v1, v37  }
0x15d: {  	v43 =	vld [tilespmem:s4+$0x5200];
	v2 =	vsel vm8, $0x24, v2;
	vm8 =	vgt.f32 v39, v3;
	v42 =	vmin.f32 v39, v1  }
0x15e: {  	v2 =	vsel vm9, v4, v2;
	v4 =	vsel vm9, $0x24, v4;
	vm9 =	vgt.f32 v39, v1  }
0x15f: {  	v3 =	vmax.f32 v3, v42;
	v1 =	vmax.f32 v1, v39;
	v2 =	vsel vm10, $0x25, v2  }
0x160: {  	v45 =	vld [tilespmem:s4+$0x5280];
	vm10 =	vgt.f32 v41, v3;
	v44 =	vmin.f32 v41, v1;
	v2 =	vsel vm11, v4, v2  }
0x161: {  	v4 =	vsel vm11, $0x25, v4;
	vm11 =	vgt.f32 v41, v1;
	v3 =	vmax.f32 v3, v44  }
0x162: {  	v1 =	vmax.f32 v1, v41;
	v2 =	vsel vm12, $0x26, v2;
	vm12 =	vgt.f32 v43, v3  }
0x163: {  	v47 =	vld [tilespmem:s4+$0x5300];
	v46 =	vmin.f32 v43, v1;
	v2 =	vsel vm13, v4, v2;
	v4 =	vsel vm13, $0x26, v4  }
0x164: {  	vm13 =	vgt.f32 v43, v1;
	v3 =	vmax.f32 v3, v46;
	v1 =	vmax.f32 v1, v43  }
0x165: {  	v49 =	vld [tilespmem:s4+$0x5380];
	v2 =	vsel vm14, $0x27, v2;
	vm14 =	vgt.f32 v45, v3;
	v48 =	vmin.f32 v45, v1  }
0x166: {  	v2 =	vsel vm15, v4, v2;
	v4 =	vsel vm15, $0x27, v4;
	vm15 =	vgt.f32 v45, v1  }
0x167: {  	v3 =	vmax.f32 v3, v48;
	v1 =	vmax.f32 v1, v45;
	v2 =	vsel vm4, $0x28, v2  }
0x168: {  	v51 =	vld [tilespmem:s4+$0x6000];
	vm4 =	vgt.f32 v47, v3;
	v50 =	vmin.f32 v47, v1;
	v2 =	vsel vm5, v4, v2  }
0x169: {  	v4 =	vsel vm5, $0x28, v4;
	vm5 =	vgt.f32 v47, v1;
	v3 =	vmax.f32 v3, v50  }
0x16a: {  	v1 =	vmax.f32 v1, v47;
	v2 =	vsel vm6, $0x29, v2;
	vm6 =	vgt.f32 v49, v3  }
0x16b: {  	v53 =	vld [tilespmem:s4+$0x6080];
	v52 =	vmin.f32 v49, v1;
	v2 =	vsel vm7, v4, v2;
	v4 =	vsel vm7, $0x29, v4  }
0x16c: {  	vm7 =	vgt.f32 v49, v1;
	v3 =	vmax.f32 v3, v52;
	v1 =	vmax.f32 v1, v49  }
0x16d: {  	v54 =	vld [tilespmem:s4+$0x6100];
	v2 =	vsel vm8, $0x2A, v2;
	vm8 =	vgt.f32 v51, v3;
	v7 =	vmin.f32 v51, v1  }
0x16e: {  	v2 =	vsel vm9, v4, v2;
	v4 =	vsel vm9, $0x2A, v4;
	vm9 =	vgt.f32 v51, v1  }
0x16f: {  	v3 =	vmax.f32 v3, v7;
	v1 =	vmax.f32 v1, v51;
	v2 =	vsel vm10, $0x2B, v2  }
0x170: {  	v55 =	vld [tilespmem:s4+$0x6180];
	vm10 =	vgt.f32 v53, v3;
	v6 =	vmin.f32 v53, v1;
	v2 =	vsel vm11, v4, v2  }
0x171: {  	v4 =	vsel vm11, $0x2B, v4;
	vm11 =	vgt.f32 v53, v1;
	v3 =	vmax.f32 v3, v6  }
0x172: {  	v56 =	vld [tilespmem:s4+$0x6200];
	v1 =	vmax.f32 v1, v53;
	v2 =	vsel vm12, $0x2C, v2;
	vm12 =	vgt.f32 v54, v3  }
0x173: {  	v9 =	vmin.f32 v54, v1;
	v2 =	vsel vm13, v4, v2;
	v4 =	vsel vm13, $0x2C, v4  }
0x174: {  	v57 =	vld [tilespmem:s4+$0x6280];
	vm13 =	vgt.f32 v54, v1;
	v3 =	vmax.f32 v3, v9;
	v1 =	vmax.f32 v1, v54  }
0x175: {  	v2 =	vsel vm14, $0x2D, v2;
	vm14 =	vgt.f32 v55, v1;
	v59 =	vmin.f32 v55, v1  }
0x176: {  	v10 =	vld [tilespmem:s4+$0x6300];
	v1 =	vmax.f32 v1, v55;
	v2 =	vsel vm15, v4, v2;
	v4 =	vsel vm15, $0x2D, v4  }
0x177: {  	v58 =	vld [tilespmem:s4+$0x6380];
	v9 =	vmax.f32 v3, v59;
	v12 =	vmin.f32 v56, v1;
	v13 =	vmax.f32 v1, v56  }
0x178: {  	vm15 =	vgt.f32 v55, v3;
	v2 =	vsel vm4, $0x2E, v2;
	v12 =	vmax.f32 v9, v12  }
0x179: {  	v11 =	vld [tilespmem:s4+$0x7000];
	v15 =	vmin.f32 v57, v13;
	v16 =	vmax.f32 v13, v57;
	vm4 =	vgt.f32 v56, v9  }
0x17a: {  	v14 =	vld [tilespmem:s4+$0x7080];
	v2 =	vsel vm5, v4, v2;
	v4 =	vsel vm5, $0x2E, v4;
	v15 =	vmax.f32 v12, v15  }
0x17b: {  	v18 =	vmin.f32 v10, v16;
	v19 =	vmax.f32 v16, v10;
	vm5 =	vgt.f32 v56, v1  }
0x17c: {  	v17 =	vld [tilespmem:s4+$0x7100];
	v2 =	vsel vm6, $0x2F, v2;
	v18 =	vmax.f32 v15, v18;
	v21 =	vmin.f32 v58, v19  }
0x17d: {  	v20 =	vld [tilespmem:s4+$0x7180];
	v22 =	vmax.f32 v19, v58;
	v2 =	vsel vm7, v4, v2;
	v4 =	vsel vm7, $0x2F, v4  }
0x17e: {  	v21 =	vmax.f32 v18, v21;
	v24 =	vmin.f32 v11, v22;
	v25 =	vmax.f32 v22, v11  }
0x17f: {  	v23 =	vld [tilespmem:s4+$0x7200];
	v2 =	vsel vm8, $0x30, v2;
	v24 =	vmax.f32 v21, v24;
	v27 =	vmin.f32 v14, v25  }
0x180: {  	v26 =	vld [tilespmem:s4+$0x7280];
	v28 =	vmax.f32 v25, v14;
	v2 =	vsel vm9, v4, v2;
	v4 =	vsel vm9, $0x30, v4  }
0x181: {  	v27 =	vmax.f32 v24, v27;
	v30 =	vmin.f32 v17, v28;
	v31 =	vmax.f32 v28, v17  }
0x182: {  	v29 =	vld [tilespmem:s4+$0x7300];
	v2 =	vsel vm10, $0x31, v2;
	v30 =	vmax.f32 v27, v30;
	v33 =	vmin.f32 v20, v31  }
0x183: {  	v32 =	vld [tilespmem:s4+$0x7380];
	v34 =	vmax.f32 v31, v20;
	v2 =	vsel vm11, v4, v2;
	v4 =	vsel vm11, $0x31, v4  }
0x184: {  	v33 =	vmax.f32 v30, v33;
	v35 =	vmin.f32 v23, v34;
	v36 =	vmax.f32 v34, v23  }
0x185: {  	v2 =	vsel vm12, $0x32, v2;
	v35 =	vmax.f32 v33, v35;
	v37 =	vmin.f32 v26, v36  }
0x186: {  	v38 =	vmax.f32 v36, v26;
	v2 =	vsel vm13, v4, v2;
	v4 =	vsel vm13, $0x32, v4  }
0x187: {  	v37 =	vmax.f32 v35, v37;
	v39 =	vmin.f32 v29, v38;
	v40 =	vmax.f32 v38, v29  }
0x188: {  	v3 =	vmax.f32 v37, v39;
	v60 =	vmin.f32 v32, v40;
	v2 =	vsel vm15, $0x33, v2  }
0x189: {  	v61 =	vmax.f32 v40, v32;
	v6 =	vmax.f32 v3, v60;
	v2 =	vsel vm14, v4, v2  }
0x18a: {  	v1 =	vsel vm14, $0x33, v4;
	v6 =	vsub.f32 v6, v61;
	v2 =	vsel vm4, $0x34, v2  }
0x18b: {  	vm6 =	vgt.f32 v57, v12;
	vm7 =	vgt.f32 v57, v13;
	v2 =	vsel vm5, v1, v2  }
0x18c: {  	v1 =	vsel vm5, $0x34, v1;
	v62 =	vmul.f32 $1.442695020e+00, v6;
	v2 =	vsel vm6, $0x35, v2  }
0x18d: {  	vm8 =	vgt.f32 v10, v15;
	vm9 =	vgt.f32 v10, v16;
	v2 =	vsel vm7, v1, v2  }
0x18e: {  	v1 =	vsel vm7, $0x35, v1;
	(erf) = vpow2.f32 v62;
	v2 =	vsel vm8, $0x36, v2  }
0x18f: {  	vm10 =	vgt.f32 v58, v18;
	v2 =	vsel vm9, v1, v2  }
0x190: {  	vm11 =	vgt.f32 v58, v19;
	v1 =	vsel vm9, $0x36, v1;
	v2 =	vsel vm10, $0x37, v2  }
0x191: {  	vm12 =	vgt.f32 v11, v21;
	v2 =	vsel vm11, v1, v2  }
0x192: {  	vm13 =	vgt.f32 v11, v22;
	v1 =	vsel vm11, $0x37, v1;
	v2 =	vsel vm12, $0x38, v2  }
0x193: {  	vm14 =	vgt.f32 v14, v24;
	v2 =	vsel vm13, v1, v2  }
0x194: {  	vm15 =	vgt.f32 v14, v25;
	v1 =	vsel vm13, $0x38, v1;
	v2 =	vsel vm14, $0x39, v2  }
0x195: {  	vm4 =	vgt.f32 v17, v27;
	v2 =	vsel vm15, v1, v2  }
0x196: {  	vm5 =	vgt.f32 v17, v28;
	v1 =	vsel vm15, $0x39, v1;
	v2 =	vsel vm4, $0x3A, v2  }
0x197: {  	vm6 =	vgt.f32 v20, v30;
	vm7 =	vgt.f32 v20, v31;
	v4 =	vpop (erf);
	v2 =	vsel vm5, v1, v2  }
0x198: {  	v1 =	vsel vm5, $0x3A, v1;
	v63 =	vadd.f32 $1.000000000e+00, v4;
	v2 =	vsel vm6, $0x3B, v2  }
0x199: {  	vm8 =	vgt.f32 v23, v33;
	vm9 =	vgt.f32 v23, v34;
	v2 =	vsel vm7, v1, v2  }
0x19a: {  	v1 =	vsel vm7, $0x3B, v1;
	(erf) = vrcp.f32 v63;
	v2 =	vsel vm8, $0x3C, v2  }
0x19b: {  	vm10 =	vgt.f32 v26, v35;
	v2 =	vsel vm9, v1, v2  }
0x19c: {  	vm11 =	vgt.f32 v26, v36;
	v1 =	vsel vm9, $0x3C, v1;
	v2 =	vsel vm10, $0x3D, v2  }
0x19d: {  	vm12 =	vgt.f32 v29, v37;
	v2 =	vsel vm11, v1, v2  }
0x19e: {  	vm13 =	vgt.f32 v29, v38;
	v1 =	vsel vm11, $0x3D, v1;
	v2 =	vsel vm12, $0x3E, v2  }
0x19f: {  	vm15 =	vgt.f32 v32, v3;
	v2 =	vsel vm13, v1, v2  }
0x1a0: {  	v2 =	vsel vm15, $0x3F, v2  }
0x1a1: {  	p0 =	sne.s32 s30, $0x1F0;
	vm14 =	vgt.f32 v32, v40;
	v1 =	vsel vm13, $0x3E, v1  }
.Ltmp1:
0x1a2: {  	v3 =	vsel vm14, $0x3F, v1;
	(pc) =	sbr.rel @p0 .LBB2_4-.Ltmp1, $4  }
0x1a3: {  	v1 =	vsel vm14, v1, v2;
	[tilespmem:s25+$0x0] =	vst v3;
	v2 =	vpop (erf)  }
0x1a4: {  	[tilespmem:s26+$0x0] =	vst v1;
	v1 =	vmul.f32 v2, v4  }
0x1a5: {  	s1 =	sadd.s32 $0x80, s1;
	s30 =	sadd.s32 $0x10, s30;
	s25 =	sadd.s32 $0x10, s25;
	[tilespmem:s28+$0x0] =	vst v2  }
0x1a6: {  	s26 =	sadd.s32 $0x10, s26;
	s28 =	sadd.s32 $0x10, s28;
	[tilespmem:s3+$0x0] =	vst v1;
	s3 =	sadd.s32 $0x10, s3  }
0x1a7: {  	s1 =	rddreg [dreg:$0x5];
	s3 =	simm.s32 $0x8000  }
0x1a8: {  	[hbm4b:s1+s2] =	stream.linear.scatter [tilespmem:s3], [sflag:$0x3], $0x200, $0x38;
	[tilespmem:$0x8800] =	vst v63  }
0x1a9: {  	_ =	swait.ge [sflag:s24], $0x200  }
0x1aa: {  	[sflag:s24] =	ssyncset.done $0x0  }
0x1ab: {  	s26 =	simm.s32 $0x8200;
	[sflag:s24] =	ssyncadd.s32 $0xFFFFFE00  }
0x1ac: {  	[hbm4b:s6+s2] =	stream.linear.scatter [tilespmem:s26], [sflag:$0x3], $0x200, $0x38;
	[tilespmem:$0x8800] =	vst v63  }
0x1ad: {  	_ =	swait.ge [sflag:s24], $0x200  }
0x1ae: {  	[sflag:s24] =	ssyncset.done $0x0  }
0x1af: {  	s28 =	simm.s32 $0x8400;
	[sflag:s24] =	ssyncadd.s32 $0xFFFFFE00  }
0x1b0: {  	[hbm4b:s7+s2] =	stream.linear.scatter [tilespmem:s28], [sflag:$0x3], $0x200, $0x38;
	[tilespmem:$0x8800] =	vst v63  }
0x1b1: {  	s29 =	sadd.s32 $0x1, s29;
	_ =	swait.ge [sflag:s24], $0x200  }
0x1b2: {  	p0 =	sne.s32 s29, s9;
	[sflag:s24] =	ssyncset.done $0x0  }
.Ltmp2:
0x1b3: {  	s30 =	simm.s32 $0x8600;
	[sflag:s24] =	ssyncadd.s32 $0xFFFFFE00;
	(pc) =	sbr.rel @p0 .LBB2_1-.Ltmp2, $4  }
0x1b4: {  	[hbm4b:s8+s2] =	stream.linear.scatter [tilespmem:s30], [sflag:$0x3], $0x200, $0x38;
	[tilespmem:$0x8800] =	vst v63  }
0x1b5: {  	_ =	swait.ge [sflag:s24], $0x200  }
0x1b6: {  	[sflag:s24] =	ssyncset.done $0x0  }
0x1b7: {  	[sflag:s24] =	ssyncadd.s32 $0xFFFFFE00  }
0x1b8: {  	_ =	sfence.sel $0x180000  }
0x1b9: {  	[bflag:$0x0] =	sbarrier.arrive $0xFFFF  }
0x1ba: {  	_ =	strace $0x90000047  }
0x1bb: {  	s0 =	stileid.u32;
	[bflag:$0x2] =	sbarrier.arrive $0xFFFF  }
0x1bc: {  	p0 =	sne.s32 s0, $0x0;
	s0 =	rddreg [dreg:$0x2]  }
0x1bd: {  	s0 =	sadd.s32 @!p0 $0x100000, s0  }
0x1be: {  	[sflag:s0] =	ssyncadd.tile.s32 @!p0 $0x1;
	_ =	shalt  }
.Lfunc_end2:
_tile_overlayer_lowered:
.L_overlay_start_2:
0x1bf: {  	(tag) =	ssettag $0x2  }
0x1c0: {  	s0 =	rddreg [dreg:$0x0];
	s2 =	stileid.u32  }
0x1c1: {  	s1 =	rddreg [dreg:$0x1];
	p0 =	sne.s32 s2, $0x0  }
0x1c2: {  	s3 =	rddreg [dreg:$0x2];
	[bflag:$0x3] =	sbarrier.arrive $0xFFFF;
	s2 =	simm.s32 @!p0 $0x1C03  }
0x1c3: {  	[timem:s3], [sflag:s2] =	dma.local @!p0 [hbm:s0], s1  }
0x1c4: {  	s0 =	simm.s32 @!p0 $0x3  }
0x1c5: {  	_ =	swait.ge @!p0 [sflag:s0], s1  }
0x1c6: {  	s1 =	ssub.s32 @!p0 $0x0, s1;
	[sflag:s0] =	ssyncset.done @!p0 $0x0  }
0x1c7: {  	[sflag:s0] =	ssyncadd.s32 @!p0 s1  }
0x1c8: {  	[bflag:$0x3] =	sbarrier.arrive $0xFFFF  }
0x1c9: {  	_ =	shalt  }

</sc_bundles>
